<compile_context>
chip_gen: v7x
topology: tpu7x:2x2x1
jax: 0.10.2.dev20260603
libtpu: 0.0.44.dev20260713+nightly
codegen_flags: <defaults>
</compile_context>

<pallas_src>
import jax
import jax.numpy as jnp
from jax import lax
from jax.experimental import pallas as pl
from jax.experimental.pallas import tpu as pltpu
from jax.experimental.pallas import tpu_sc as plsc

B = 16384
SINGLE = 26
NUM = 13
EMB = 16
VOCAB = 10000
FIELD = SINGLE + NUM
FP = FIELD + 1
EPS = 1e-3

NC = 2
NS = 16
NW = NC * NS
G = 128
CG = 10
CB = 32
CR = CG * G
W1N = 2 * VOCAB

import numpy as np
_RF = np.zeros((5, 32), np.int32)
for _q in range(5):
    for _i in range(16):
        _p = 16 * _q + _i
        _RF[_q, _i] = _p % FP
        _RF[_q, 16 + _i] = _p // FP

NSPLIT = 2
BSL = B // NSPLIT
ROWS_S = BSL * FP // G
PER_W_ROWS = ROWS_S // NW
NPAIR = PER_W_ROWS // CG // 2


def _sc_body(idx_hbm, w2_hbm, w1_hbm, val_hbm, rf_hbm, emb_out, yf_out,
             w1_v, w2_sp, rf_v, idx_v0, idx_v1, rows_v0, rows_v1,
             val_v0, val_v1, yf_v0, yf_v1,
             in_s0, in_s1, g_s0, g_s1, out_s0, out_s1):
    sid = lax.axis_index("s")
    wid = sid * NC + lax.axis_index("c")
    row_base = wid * PER_W_ROWS
    b_base = wid * (PER_W_ROWS * G // FP)
    @pl.when(sid == 0)
    def _():
        pltpu.sync_copy(w2_hbm, w2_sp)
    pltpu.sync_copy(rf_hbm, rf_v)
    pltpu.sync_copy(w1_hbm, w1_v)
    plsc.subcore_barrier()

    zvec = jnp.zeros((16,), jnp.float32)

    def zero_buf(buf):
        def zb(i, c):
            for k in range(G // 16):
                buf[i, pl.ds(16 * k, 16)] = zvec
            return c
        lax.fori_loop(0, CB, zb, 0)

    zero_buf(yf_v0)
    zero_buf(yf_v1)

    def start_in(c, sl_idx, sl_val, sem):
        ro = row_base + c * CG
        pltpu.async_copy(idx_hbm.at[pl.ds(ro, CG)], sl_idx, sem)
        pltpu.async_copy(val_hbm.at[pl.ds(ro, CG)], sl_val, sem)

    def wait_in(sl_idx, sl_val, sem):
        pltpu.make_async_copy(idx_hbm.at[pl.ds(0, CG)], sl_idx, sem).wait()
        pltpu.make_async_copy(val_hbm.at[pl.ds(0, CG)], sl_val, sem).wait()

    def fire_g(sl_idx, sl_rows, sem):
        for g in range(CG):
            pltpu.async_copy(w2_sp.at[sl_idx.at[g]],
                             sl_rows.at[pl.ds(g * G, G)], sem)

    def wait_g(sl_rows, sem):
        pltpu.make_async_copy(w2_sp.at[pl.ds(0, CR)], sl_rows, sem).wait()

    def start_out(c, sl_rows, sl_yf, sem):
        ro = row_base + c * CG
        pltpu.async_copy(sl_rows, emb_out.at[pl.ds(ro * G, CR)], sem)
        pltpu.async_copy(sl_yf, yf_out.at[pl.ds(b_base + c * CB, CB)], sem)

    def wait_out(sl_rows, sl_yf, sem):
        pltpu.make_async_copy(sl_rows, emb_out.at[pl.ds(0, CR)], sem).wait()
        pltpu.make_async_copy(sl_yf, yf_out.at[pl.ds(0, CB)], sem).wait()

    def first_order(sl_idx, sl_val, sl_yf):
        def body(vdiv, c):
            for q in range(5):
                v = 5 * vdiv + q
                fv = rf_v[q, pl.ds(0, 16)]
                rv = rf_v[q, pl.ds(16, 16)] + 2 * vdiv
                row = lax.shift_right_logical(v, 3)
                col = 16 * (v & 7)
                iv = sl_idx[row, pl.ds(col, 16)]
                vals = plsc.load_gather(w1_v, [iv])
                vv = sl_val[row, pl.ds(col, 16)]
                plsc.store_scatter(sl_yf, [rv, fv], vals * vv)
            return c
        lax.fori_loop(0, CR // 80, body, 0)

    slots = ((idx_v0, val_v0, rows_v0, yf_v0, in_s0, g_s0, out_s0),
             (idx_v1, val_v1, rows_v1, yf_v1, in_s1, g_s1, out_s1))

    start_in(0, idx_v0, val_v0, in_s0)
    start_in(1, idx_v1, val_v1, in_s1)

    def pair(j, carry):
        for s in range(2):
            sl_idx, sl_val, sl_rows, sl_yf, in_s, g_s, out_s = slots[s]

            @pl.when(j > 0)
            def _():
                wait_out(sl_rows, sl_yf, out_s)

            wait_in(sl_idx, sl_val, in_s)
            fire_g(sl_idx, sl_rows, g_s)
            first_order(sl_idx, sl_val, sl_yf)
        for s in range(2):
            sl_idx, sl_val, sl_rows, sl_yf, in_s, g_s, out_s = slots[s]
            c = 2 * j + s
            wait_g(sl_rows, g_s)
            start_out(c, sl_rows, sl_yf, out_s)

            @pl.when(j < NPAIR - 1)
            def _():
                start_in(c + 2, sl_idx, sl_val, in_s)
        return carry

    lax.fori_loop(0, NPAIR, pair, 0)
    wait_out(rows_v0, yf_v0, out_s0)
    wait_out(rows_v1, yf_v1, out_s1)


def _sc_gather(idx2, w2, w1, val2, rf):
    wrapped = pl.kernel(
        _sc_body,
        out_type=(
            jax.ShapeDtypeStruct((ROWS_S * G, EMB), jnp.float32),
            jax.ShapeDtypeStruct((BSL, G), jnp.float32),
        ),
        mesh=plsc.VectorSubcoreMesh(core_axis_name="c", subcore_axis_name="s"),
        compiler_params=pltpu.CompilerParams(needs_layout_passes=False,
                                             use_tc_tiling_on_sc=False),
        scratch_types=[
            pltpu.VMEM((W1N,), jnp.float32),
            pltpu.VMEM_SHARED((W1N, EMB), jnp.float32),
            pltpu.VMEM((5, 32), jnp.int32),
            pltpu.VMEM((CG, G), jnp.int32),
            pltpu.VMEM((CG, G), jnp.int32),
            pltpu.VMEM((CR, EMB), jnp.float32),
            pltpu.VMEM((CR, EMB), jnp.float32),
            pltpu.VMEM((CG, G), jnp.float32),
            pltpu.VMEM((CG, G), jnp.float32),
            pltpu.VMEM((CB, G), jnp.float32),
            pltpu.VMEM((CB, G), jnp.float32),
            pltpu.SemaphoreType.DMA,
            pltpu.SemaphoreType.DMA,
            pltpu.SemaphoreType.DMA,
            pltpu.SemaphoreType.DMA,
            pltpu.SemaphoreType.DMA,
            pltpu.SemaphoreType.DMA,
        ],
    )
    return wrapped(idx2, w2, w1, val2, rf)


BLK = 2048
DIN = FP * EMB


def _tc_body(x_ref, nv_ref, yf_ref, w1a_ref, w1b_ref, d1b_ref,
             g1_ref, b1_ref, m1_ref, v1_ref, d2w_ref, d2b_ref,
             g2_ref, b2_ref, m2_ref, v2_ref, wfa_ref, wfb_ref, bf_ref,
             out_ref):
    x = x_ref[...].reshape(BLK, DIN)
    z1 = jnp.dot(x, w1a_ref[...],
                 preferred_element_type=jnp.float32)
    z1 = z1 + jnp.dot(nv_ref[...], w1b_ref[...],
                      preferred_element_type=jnp.float32)
    h = jnp.maximum(z1 + d1b_ref[...], 0.0)
    s1 = g1_ref[...] * lax.rsqrt(v1_ref[...] + EPS)
    h = (h - m1_ref[...]) * s1 + b1_ref[...]
    z2 = jnp.dot(h, d2w_ref[...], preferred_element_type=jnp.float32)
    r2 = jnp.maximum(z2 + d2b_ref[...], 0.0)
    s2 = g2_ref[...] * lax.rsqrt(v2_ref[...] + EPS)
    r2 = (r2 - m2_ref[...]) * s2 + b2_ref[...]
    logits = (jnp.dot(yf_ref[...], wfa_ref[...],
                      preferred_element_type=jnp.float32)
              + jnp.dot(r2, wfb_ref[...], preferred_element_type=jnp.float32)
              + bf_ref[...])
    m = jnp.max(logits, axis=-1, keepdims=True)
    e = jnp.exp(logits - m)
    out_ref[...] = e / jnp.sum(e, axis=-1, keepdims=True)


def _tc_mlp(s, x, nv_full, yf, w1a, w1b, d1b, g1, b1, m1, v1, d2w, d2b,
            g2, b2, m2, v2, wfa, wfb, bfv):
    base = s * (BSL // BLK)
    return pl.pallas_call(
        _tc_body,
        grid=(BSL // BLK,),
        in_specs=[
            pl.BlockSpec((BLK * DIN // G, G), lambda i: (i, 0)),
            pl.BlockSpec((BLK, NUM), lambda i: (i + base, 0)),
            pl.BlockSpec((BLK, G), lambda i: (i, 0)),
            pl.BlockSpec((DIN, 256), lambda i: (0, 0)),
            pl.BlockSpec((NUM, 256), lambda i: (0, 0)),
            pl.BlockSpec((1, 256), lambda i: (0, 0)),
            pl.BlockSpec((1, 256), lambda i: (0, 0)),
            pl.BlockSpec((1, 256), lambda i: (0, 0)),
            pl.BlockSpec((1, 256), lambda i: (0, 0)),
            pl.BlockSpec((1, 256), lambda i: (0, 0)),
            pl.BlockSpec((256, 128), lambda i: (0, 0)),
            pl.BlockSpec((1, 128), lambda i: (0, 0)),
            pl.BlockSpec((1, 128), lambda i: (0, 0)),
            pl.BlockSpec((1, 128), lambda i: (0, 0)),
            pl.BlockSpec((1, 128), lambda i: (0, 0)),
            pl.BlockSpec((1, 128), lambda i: (0, 0)),
            pl.BlockSpec((G, 2), lambda i: (0, 0)),
            pl.BlockSpec((128, 2), lambda i: (0, 0)),
            pl.BlockSpec((1, 2), lambda i: (0, 0)),
        ],
        out_specs=pl.BlockSpec((BLK, 2), lambda i: (i, 0)),
        out_shape=jax.ShapeDtypeStruct((BSL, 2), jnp.float32),
    )(x, nv_full, yf, w1a, w1b, d1b, g1, b1, m1, v1, d2w, d2b,
      g2, b2, m2, v2, wfa, wfb, bfv)


def kernel(single_index, numerical_index, numerical_value, value,
           W1s, W1n, W2s, W2n,
           D1_w, D1_b, bn1_g, bn1_b, bn1_m, bn1_v,
           D2_w, D2_b, bn2_g, bn2_b, bn2_m, bn2_v,
           Wf, bf):
    w2 = jnp.concatenate([W2s, W2n], axis=0)
    w1 = jnp.concatenate([W1s, W1n], axis=0)[:, 0]
    wfa = jnp.concatenate(
        [Wf[:FP], jnp.zeros((G - FP, 2), jnp.float32)], axis=0)
    wfb = Wf[FIELD:]
    rf = jnp.asarray(_RF)
    w1a = jnp.concatenate(
        [D1_w[:FIELD * EMB], jnp.zeros((EMB, 256), jnp.float32)], axis=0)
    w1b = D1_w[FIELD * EMB:]

    zcol_i = jnp.zeros((BSL, 1), jnp.int32)
    zcol_f = jnp.zeros((BSL, 1), jnp.float32)
    outs = []
    for s in range(NSPLIT):
        sl = slice(s * BSL, (s + 1) * BSL)
        idx2 = jnp.concatenate(
            [single_index[sl], numerical_index[sl] + VOCAB, zcol_i],
            axis=1).reshape(ROWS_S, G)
        val2 = jnp.concatenate(
            [value[sl], zcol_f], axis=1).reshape(ROWS_S, G)
        emb, yf = _sc_gather(idx2, w2, w1, val2, rf)
        x = emb.reshape(BSL * DIN // G, G)
        outs.append(_tc_mlp(
            s, x, numerical_value, yf, w1a, w1b, D1_b[None, :],
            bn1_g[None, :], bn1_b[None, :], bn1_m[None, :], bn1_v[None, :],
            D2_w, D2_b[None, :],
            bn2_g[None, :], bn2_b[None, :], bn2_m[None, :], bn2_v[None, :],
            wfa, wfb, bf[None, :]))
    return jnp.concatenate(outs, axis=0)

# --- scband reference (transcript-rebuilt; emitter-appended) ---
"""Pipeline reference for scband-x-deep-fm-50972671869239 (READ-ONLY COPY).

The authoritative reference and input builder live on the scoring server;
editing this copy changes nothing except your own understanding.
"""

import jax, jax.numpy as jnp
import numpy as np

B = 16384
SINGLE = 26
NUM = 13
EMB = 16
VOCAB = 10000
FIELD = SINGLE + NUM  # multi_size = 0
DNN_IN = SINGLE * EMB + NUM * EMB + NUM  # 637
D1 = 256
D2 = 128
OUT_IN = FIELD + D2  # 167
EPS = 1e-3


def setup_inputs(seed: int = 0):
    key = jax.random.key(seed)
    ks = [jax.random.fold_in(key, i) for i in range(32)]
    inp = {}
    inp['single_index'] = jax.random.randint(ks[0], (B, SINGLE), 0, VOCAB, dtype=jnp.int32)
    inp['numerical_index'] = jax.random.randint(ks[1], (B, NUM), 0, VOCAB, dtype=jnp.int32)
    inp['numerical_value'] = jax.random.normal(ks[2], (B, NUM), dtype=jnp.float32)
    inp['value'] = jax.random.uniform(ks[3], (B, FIELD), dtype=jnp.float32)
    # learned parameters
    inp['W1s'] = jax.random.normal(ks[4], (VOCAB, 1), dtype=jnp.float32) * 0.05
    inp['W1n'] = jax.random.normal(ks[5], (VOCAB, 1), dtype=jnp.float32) * 0.05
    inp['W2s'] = jax.random.normal(ks[6], (VOCAB, EMB), dtype=jnp.float32) * 0.05
    inp['W2n'] = jax.random.normal(ks[7], (VOCAB, EMB), dtype=jnp.float32) * 0.05
    inp['D1_w'] = jax.random.normal(ks[8], (DNN_IN, D1), dtype=jnp.float32) * (1.0 / np.sqrt(DNN_IN))
    inp['D1_b'] = jnp.zeros((D1,), dtype=jnp.float32)
    inp['bn1_g'] = jnp.ones((D1,), dtype=jnp.float32)
    inp['bn1_b'] = jnp.zeros((D1,), dtype=jnp.float32)
    inp['bn1_m'] = jnp.zeros((D1,), dtype=jnp.float32)
    inp['bn1_v'] = jnp.ones((D1,), dtype=jnp.float32)
    inp['D2_w'] = jax.random.normal(ks[9], (D1, D2), dtype=jnp.float32) * (1.0 / np.sqrt(D1))
    inp['D2_b'] = jnp.zeros((D2,), dtype=jnp.float32)
    inp['bn2_g'] = jnp.ones((D2,), dtype=jnp.float32)
    inp['bn2_b'] = jnp.zeros((D2,), dtype=jnp.float32)
    inp['bn2_m'] = jnp.zeros((D2,), dtype=jnp.float32)
    inp['bn2_v'] = jnp.ones((D2,), dtype=jnp.float32)
    inp['Wf'] = jax.random.normal(ks[10], (OUT_IN, 2), dtype=jnp.float32) * (1.0 / np.sqrt(OUT_IN))
    inp['bf'] = jnp.zeros((2,), dtype=jnp.float32)
    return inp


def _bn_inference(x, g, b, m, v):
    return (x - m) / jnp.sqrt(v + EPS) * g + b


def reference(single_index, numerical_index, numerical_value, value,
              W1s, W1n, W2s, W2n,
              D1_w, D1_b, bn1_g, bn1_b, bn1_m, bn1_v,
              D2_w, D2_b, bn2_g, bn2_b, bn2_m, bn2_v,
              Wf, bf):
    # first-order embeddings: Embedding(10000, 1) then squeeze(-1)
    first_single = jnp.take(W1s, single_index, axis=0)[..., 0]      # [B, SINGLE]
    first_numerical = jnp.take(W1n, numerical_index, axis=0)[..., 0]  # [B, NUM]
    first_embedding_output = jnp.concatenate([first_single, first_numerical], axis=1)  # [B, FIELD]
    y_first_order = first_embedding_output * value
    # second-order embeddings
    second_single = jnp.take(W2s, single_index, axis=0).reshape(-1, SINGLE * EMB)
    second_numerical = jnp.take(W2n, numerical_index, axis=0).reshape(-1, NUM * EMB)
    dnn_input = jnp.concatenate([second_single, second_numerical], axis=1)
    dnn_input = jnp.concatenate([dnn_input, numerical_value], axis=1)  # [B, DNN_IN]
    # DNN: Dense(relu) -> BN -> Dense(relu) -> BN (inference mode)
    h = jax.nn.relu(jnp.dot(dnn_input, D1_w) + D1_b)
    h = _bn_inference(h, bn1_g, bn1_b, bn1_m, bn1_v)
    h = jax.nn.relu(jnp.dot(h, D2_w) + D2_b)
    dnn_output = _bn_inference(h, bn2_g, bn2_b, bn2_m, bn2_v)
    output = jnp.concatenate([y_first_order, dnn_output], axis=1)  # [B, OUT_IN]
    logits = jnp.dot(output, Wf) + bf
    return jax.nn.softmax(logits, axis=-1)

if __name__ == "__main__":
    import jax
    _d = setup_inputs()
    print(jax.jit(kernel)(*tuple(_d.values())))

</pallas_src>

<mosaic_0001>
#map = affine_map<(d0, d1) -> (0, 0)>
#map1 = affine_map<(d0, d1) -> (0)>
module attributes {stable_mosaic.version = 14 : i64} {
  func.func @_sc_body(%arg0: i32, %arg1: i32, %arg2: memref<2560x128xi32, #tpu.memory_space<hbm>>, %arg3: memref<20000x16xf32, #tpu.memory_space<hbm>>, %arg4: memref<20000xf32, #tpu.memory_space<hbm>>, %arg5: memref<2560x128xf32, #tpu.memory_space<hbm>>, %arg6: memref<5x32xi32, #tpu.memory_space<hbm>>, %arg7: memref<327680x16xf32, #tpu.memory_space<hbm>>, %arg8: memref<8192x128xf32, #tpu.memory_space<hbm>>, %arg9: memref<20000xf32, #tpu.memory_space<vmem>>, %arg10: memref<20000x16xf32, #tpu.memory_space<vmem_shared>>, %arg11: memref<5x32xi32, #tpu.memory_space<vmem>>, %arg12: memref<10x128xi32, #tpu.memory_space<vmem>>, %arg13: memref<10x128xi32, #tpu.memory_space<vmem>>, %arg14: memref<1280x16xf32, #tpu.memory_space<vmem>>, %arg15: memref<1280x16xf32, #tpu.memory_space<vmem>>, %arg16: memref<10x128xf32, #tpu.memory_space<vmem>>, %arg17: memref<10x128xf32, #tpu.memory_space<vmem>>, %arg18: memref<32x128xf32, #tpu.memory_space<vmem>>, %arg19: memref<32x128xf32, #tpu.memory_space<vmem>>, %arg20: memref<!tpu.dma_semaphore, #tpu.memory_space<semaphore_mem>>, %arg21: memref<!tpu.dma_semaphore, #tpu.memory_space<semaphore_mem>>, %arg22: memref<!tpu.dma_semaphore, #tpu.memory_space<semaphore_mem>>, %arg23: memref<!tpu.dma_semaphore, #tpu.memory_space<semaphore_mem>>, %arg24: memref<!tpu.dma_semaphore, #tpu.memory_space<semaphore_mem>>, %arg25: memref<!tpu.dma_semaphore, #tpu.memory_space<semaphore_mem>>) attributes {dimension_semantics = [#tpu.dimension_semantics<core_parallel>, #tpu.dimension_semantics<subcore_parallel>], iteration_bounds = array<i64: 2, 16>, scalar_prefetch = 0 : i64, scratch_operands = 17 : i64, tpu.core_type = #tpu.core_type<sc_vector_subcore>, window_params = [{transform_indices = #map}, {transform_indices = #map}, {transform_indices = #map1}, {transform_indices = #map}, {transform_indices = #map}, {transform_indices = #map}, {transform_indices = #map}]} {
    %mul3A = arith.constant 2 : i32
    %mul3A_0 = arith.muli %arg1, %mul3A : i32
    %add3A = arith.addi %mul3A_0, %arg0 : i32
    %mul3A_1 = arith.constant 80 : i32
    %mul3A_2 = arith.muli %add3A, %mul3A_1 : i32
    %mul3A_3 = arith.constant 256 : i32
    %mul3A_4 = arith.muli %add3A, %mul3A_3 : i32
    %eq3A = arith.constant 0 : i32
    %eq3A_5 = arith.cmpi eq, %arg1, %eq3A : i32
    %convert_element_type3A = arith.extui %eq3A_5 : i1 to i32
    %cond3A = arith.constant 0 : i32
    %cond3A_6 = arith.cmpi ne, %convert_element_type3A, %cond3A : i32
    scf.if %cond3A_6 {
      "tpu.region"() ({
        %run_scoped3A = tpu.sem_alloc : memref<!tpu.dma_semaphore, #tpu.memory_space<semaphore_mem>>
        tpu.enqueue_dma source(%arg3 : memref<20000x16xf32, #tpu.memory_space<hbm>>) target(%arg10 : memref<20000x16xf32, #tpu.memory_space<vmem_shared>>) target_semaphore(%run_scoped3A : memref<!tpu.dma_semaphore, #tpu.memory_space<semaphore_mem>>)
        tpu.wait_dma2 semaphore(%run_scoped3A : memref<!tpu.dma_semaphore, #tpu.memory_space<semaphore_mem>>) src(%arg3 : memref<20000x16xf32, #tpu.memory_space<hbm>>) dst(%arg10 : memref<20000x16xf32, #tpu.memory_space<vmem_shared>>)
        tpu.yield
      }) : () -> ()
    } else {
    }
    "tpu.region"() ({
      %run_scoped3A = tpu.sem_alloc : memref<!tpu.dma_semaphore, #tpu.memory_space<semaphore_mem>>
      tpu.enqueue_dma source(%arg6 : memref<5x32xi32, #tpu.memory_space<hbm>>) target(%arg11 : memref<5x32xi32, #tpu.memory_space<vmem>>) target_semaphore(%run_scoped3A : memref<!tpu.dma_semaphore, #tpu.memory_space<semaphore_mem>>)
      tpu.wait_dma2 semaphore(%run_scoped3A : memref<!tpu.dma_semaphore, #tpu.memory_space<semaphore_mem>>) src(%arg6 : memref<5x32xi32, #tpu.memory_space<hbm>>) dst(%arg11 : memref<5x32xi32, #tpu.memory_space<vmem>>)
      tpu.yield
    }) : () -> ()
    "tpu.region"() ({
      %run_scoped3A = tpu.sem_alloc : memref<!tpu.dma_semaphore, #tpu.memory_space<semaphore_mem>>
      tpu.enqueue_dma source(%arg4 : memref<20000xf32, #tpu.memory_space<hbm>>) target(%arg9 : memref<20000xf32, #tpu.memory_space<vmem>>) target_semaphore(%run_scoped3A : memref<!tpu.dma_semaphore, #tpu.memory_space<semaphore_mem>>)
      tpu.wait_dma2 semaphore(%run_scoped3A : memref<!tpu.dma_semaphore, #tpu.memory_space<semaphore_mem>>) src(%arg4 : memref<20000xf32, #tpu.memory_space<hbm>>) dst(%arg9 : memref<20000xf32, #tpu.memory_space<vmem>>)
      tpu.yield
    }) : () -> ()
    %barrier3A = arith.constant 0 : index
    tpu.barrier barrier_id(%barrier3A)
    %broadcast_in_dim3A = arith.constant 0.000000e+00 : f32
    %broadcast_in_dim3A_7 = vector.broadcast %broadcast_in_dim3A : f32 to vector<16xf32>
    %scan3A = arith.constant 0 : i32
    %scan3A_8 = arith.constant 0 : i32
    %scan3A_9 = arith.constant 32 : i32
    %scan3A_10 = arith.addi %scan3A_8, %scan3A_9 : i32
    %scan3A_11 = arith.constant 1 : i32
    scf.for %scan3A_67 = %scan3A_8 to %scan3A_10 step %scan3A_11  : i32 {
      %swap3A = arith.index_cast %scan3A_67 : i32 to index
      %swap3A_68 = arith.constant 0 : index
      %swap3A_69 = tpu.vector_load %arg18[%swap3A, %swap3A_68] {strides = array<i32>} : memref<32x128xf32, #tpu.memory_space<vmem>>, vector<16xf32>,
      tpu.vector_store %arg18[%swap3A, %swap3A_68], %broadcast_in_dim3A_7 {strides = array<i32>} : memref<32x128xf32, #tpu.memory_space<vmem>>, vector<16xf32>,
      %swap3A_70 = arith.index_cast %scan3A_67 : i32 to index
      %swap3A_71 = arith.constant 16 : index
      %swap3A_72 = tpu.vector_load %arg18[%swap3A_70, %swap3A_71] {strides = array<i32>} : memref<32x128xf32, #tpu.memory_space<vmem>>, vector<16xf32>,
      tpu.vector_store %arg18[%swap3A_70, %swap3A_71], %broadcast_in_dim3A_7 {strides = array<i32>} : memref<32x128xf32, #tpu.memory_space<vmem>>, vector<16xf32>,
      %swap3A_73 = arith.index_cast %scan3A_67 : i32 to index
      %swap3A_74 = arith.constant 32 : index
      %swap3A_75 = tpu.vector_load %arg18[%swap3A_73, %swap3A_74] {strides = array<i32>} : memref<32x128xf32, #tpu.memory_space<vmem>>, vector<16xf32>,
      tpu.vector_store %arg18[%swap3A_73, %swap3A_74], %broadcast_in_dim3A_7 {strides = array<i32>} : memref<32x128xf32, #tpu.memory_space<vmem>>, vector<16xf32>,
      %swap3A_76 = arith.index_cast %scan3A_67 : i32 to index
      %swap3A_77 = arith.constant 48 : index
      %swap3A_78 = tpu.vector_load %arg18[%swap3A_76, %swap3A_77] {strides = array<i32>} : memref<32x128xf32, #tpu.memory_space<vmem>>, vector<16xf32>,
      tpu.vector_store %arg18[%swap3A_76, %swap3A_77], %broadcast_in_dim3A_7 {strides = array<i32>} : memref<32x128xf32, #tpu.memory_space<vmem>>, vector<16xf32>,
      %swap3A_79 = arith.index_cast %scan3A_67 : i32 to index
      %swap3A_80 = arith.constant 64 : index
      %swap3A_81 = tpu.vector_load %arg18[%swap3A_79, %swap3A_80] {strides = array<i32>} : memref<32x128xf32, #tpu.memory_space<vmem>>, vector<16xf32>,
      tpu.vector_store %arg18[%swap3A_79, %swap3A_80], %broadcast_in_dim3A_7 {strides = array<i32>} : memref<32x128xf32, #tpu.memory_space<vmem>>, vector<16xf32>,
      %swap3A_82 = arith.index_cast %scan3A_67 : i32 to index
      %swap3A_83 = arith.constant 80 : index
      %swap3A_84 = tpu.vector_load %arg18[%swap3A_82, %swap3A_83] {strides = array<i32>} : memref<32x128xf32, #tpu.memory_space<vmem>>, vector<16xf32>,
      tpu.vector_store %arg18[%swap3A_82, %swap3A_83], %broadcast_in_dim3A_7 {strides = array<i32>} : memref<32x128xf32, #tpu.memory_space<vmem>>, vector<16xf32>,
      %swap3A_85 = arith.index_cast %scan3A_67 : i32 to index
      %swap3A_86 = arith.constant 96 : index
      %swap3A_87 = tpu.vector_load %arg18[%swap3A_85, %swap3A_86] {strides = array<i32>} : memref<32x128xf32, #tpu.memory_space<vmem>>, vector<16xf32>,
      tpu.vector_store %arg18[%swap3A_85, %swap3A_86], %broadcast_in_dim3A_7 {strides = array<i32>} : memref<32x128xf32, #tpu.memory_space<vmem>>, vector<16xf32>,
      %swap3A_88 = arith.index_cast %scan3A_67 : i32 to index
      %swap3A_89 = arith.constant 112 : index
      %swap3A_90 = tpu.vector_load %arg18[%swap3A_88, %swap3A_89] {strides = array<i32>} : memref<32x128xf32, #tpu.memory_space<vmem>>, vector<16xf32>,
      tpu.vector_store %arg18[%swap3A_88, %swap3A_89], %broadcast_in_dim3A_7 {strides = array<i32>} : memref<32x128xf32, #tpu.memory_space<vmem>>, vector<16xf32>,
    }
    %scan3A_12 = arith.constant 32 : i32
    %scan3A_13 = arith.constant 0 : i32
    %scan3A_14 = arith.constant 0 : i32
    %scan3A_15 = arith.constant 32 : i32
    %scan3A_16 = arith.addi %scan3A_14, %scan3A_15 : i32
    %scan3A_17 = arith.constant 1 : i32
    scf.for %scan3A_67 = %scan3A_14 to %scan3A_16 step %scan3A_17  : i32 {
      %swap3A = arith.index_cast %scan3A_67 : i32 to index
      %swap3A_68 = arith.constant 0 : index
      %swap3A_69 = tpu.vector_load %arg19[%swap3A, %swap3A_68] {strides = array<i32>} : memref<32x128xf32, #tpu.memory_space<vmem>>, vector<16xf32>,
      tpu.vector_store %arg19[%swap3A, %swap3A_68], %broadcast_in_dim3A_7 {strides = array<i32>} : memref<32x128xf32, #tpu.memory_space<vmem>>, vector<16xf32>,
      %swap3A_70 = arith.index_cast %scan3A_67 : i32 to index
      %swap3A_71 = arith.constant 16 : index
      %swap3A_72 = tpu.vector_load %arg19[%swap3A_70, %swap3A_71] {strides = array<i32>} : memref<32x128xf32, #tpu.memory_space<vmem>>, vector<16xf32>,
      tpu.vector_store %arg19[%swap3A_70, %swap3A_71], %broadcast_in_dim3A_7 {strides = array<i32>} : memref<32x128xf32, #tpu.memory_space<vmem>>, vector<16xf32>,
      %swap3A_73 = arith.index_cast %scan3A_67 : i32 to index
      %swap3A_74 = arith.constant 32 : index
      %swap3A_75 = tpu.vector_load %arg19[%swap3A_73, %swap3A_74] {strides = array<i32>} : memref<32x128xf32, #tpu.memory_space<vmem>>, vector<16xf32>,
      tpu.vector_store %arg19[%swap3A_73, %swap3A_74], %broadcast_in_dim3A_7 {strides = array<i32>} : memref<32x128xf32, #tpu.memory_space<vmem>>, vector<16xf32>,
      %swap3A_76 = arith.index_cast %scan3A_67 : i32 to index
      %swap3A_77 = arith.constant 48 : index
      %swap3A_78 = tpu.vector_load %arg19[%swap3A_76, %swap3A_77] {strides = array<i32>} : memref<32x128xf32, #tpu.memory_space<vmem>>, vector<16xf32>,
      tpu.vector_store %arg19[%swap3A_76, %swap3A_77], %broadcast_in_dim3A_7 {strides = array<i32>} : memref<32x128xf32, #tpu.memory_space<vmem>>, vector<16xf32>,
      %swap3A_79 = arith.index_cast %scan3A_67 : i32 to index
      %swap3A_80 = arith.constant 64 : index
      %swap3A_81 = tpu.vector_load %arg19[%swap3A_79, %swap3A_80] {strides = array<i32>} : memref<32x128xf32, #tpu.memory_space<vmem>>, vector<16xf32>,
      tpu.vector_store %arg19[%swap3A_79, %swap3A_80], %broadcast_in_dim3A_7 {strides = array<i32>} : memref<32x128xf32, #tpu.memory_space<vmem>>, vector<16xf32>,
      %swap3A_82 = arith.index_cast %scan3A_67 : i32 to index
      %swap3A_83 = arith.constant 80 : index
      %swap3A_84 = tpu.vector_load %arg19[%swap3A_82, %swap3A_83] {strides = array<i32>} : memref<32x128xf32, #tpu.memory_space<vmem>>, vector<16xf32>,
      tpu.vector_store %arg19[%swap3A_82, %swap3A_83], %broadcast_in_dim3A_7 {strides = array<i32>} : memref<32x128xf32, #tpu.memory_space<vmem>>, vector<16xf32>,
      %swap3A_85 = arith.index_cast %scan3A_67 : i32 to index
      %swap3A_86 = arith.constant 96 : index
      %swap3A_87 = tpu.vector_load %arg19[%swap3A_85, %swap3A_86] {strides = array<i32>} : memref<32x128xf32, #tpu.memory_space<vmem>>, vector<16xf32>,
      tpu.vector_store %arg19[%swap3A_85, %swap3A_86], %broadcast_in_dim3A_7 {strides = array<i32>} : memref<32x128xf32, #tpu.memory_space<vmem>>, vector<16xf32>,
      %swap3A_88 = arith.index_cast %scan3A_67 : i32 to index
      %swap3A_89 = arith.constant 112 : index
      %swap3A_90 = tpu.vector_load %arg19[%swap3A_88, %swap3A_89] {strides = array<i32>} : memref<32x128xf32, #tpu.memory_space<vmem>>, vector<16xf32>,
      tpu.vector_store %arg19[%swap3A_88, %swap3A_89], %broadcast_in_dim3A_7 {strides = array<i32>} : memref<32x128xf32, #tpu.memory_space<vmem>>, vector<16xf32>,
    }
    %scan3A_18 = arith.constant 32 : i32
    %add3A_19 = arith.constant 0 : i32
    %add3A_20 = arith.addi %mul3A_2, %add3A_19 : i32
    %dma_start3A = arith.constant 0 : i32
    %dma_start3A_21 = tpu.memref_slice %arg2[%add3A_20, %dma_start3A] : memref<2560x128xi32, #tpu.memory_space<hbm>> -> memref<10x128xi32, #tpu.memory_space<hbm>>
    %dma_start3A_22 = arith.constant 0 : i32
    %dma_start3A_23 = tpu.memref_slice %arg2[%add3A_20, %dma_start3A_22] : memref<2560x128xi32, #tpu.memory_space<hbm>> -> memref<10x128xi32, #tpu.memory_space<hbm>>
    tpu.enqueue_dma source(%dma_start3A_23 : memref<10x128xi32, #tpu.memory_space<hbm>>) target(%arg12 : memref<10x128xi32, #tpu.memory_space<vmem>>) target_semaphore(%arg20 : memref<!tpu.dma_semaphore, #tpu.memory_space<semaphore_mem>>)
    %dma_start3A_24 = arith.constant 0 : i32
    %dma_start3A_25 = tpu.memref_slice %arg5[%add3A_20, %dma_start3A_24] : memref<2560x128xf32, #tpu.memory_space<hbm>> -> memref<10x128xf32, #tpu.memory_space<hbm>>
    %dma_start3A_26 = arith.constant 0 : i32
    %dma_start3A_27 = tpu.memref_slice %arg5[%add3A_20, %dma_start3A_26] : memref<2560x128xf32, #tpu.memory_space<hbm>> -> memref<10x128xf32, #tpu.memory_space<hbm>>
    tpu.enqueue_dma source(%dma_start3A_27 : memref<10x128xf32, #tpu.memory_space<hbm>>) target(%arg16 : memref<10x128xf32, #tpu.memory_space<vmem>>) target_semaphore(%arg20 : memref<!tpu.dma_semaphore, #tpu.memory_space<semaphore_mem>>)
    %add3A_28 = arith.constant 10 : i32
    %add3A_29 = arith.addi %mul3A_2, %add3A_28 : i32
    %dma_start3A_30 = arith.constant 0 : i32
    %dma_start3A_31 = tpu.memref_slice %arg2[%add3A_29, %dma_start3A_30] : memref<2560x128xi32, #tpu.memory_space<hbm>> -> memref<10x128xi32, #tpu.memory_space<hbm>>
    %dma_start3A_32 = arith.constant 0 : i32
    %dma_start3A_33 = tpu.memref_slice %arg2[%add3A_29, %dma_start3A_32] : memref<2560x128xi32, #tpu.memory_space<hbm>> -> memref<10x128xi32, #tpu.memory_space<hbm>>
    tpu.enqueue_dma source(%dma_start3A_33 : memref<10x128xi32, #tpu.memory_space<hbm>>) target(%arg13 : memref<10x128xi32, #tpu.memory_space<vmem>>) target_semaphore(%arg21 : memref<!tpu.dma_semaphore, #tpu.memory_space<semaphore_mem>>)
    %dma_start3A_34 = arith.constant 0 : i32
    %dma_start3A_35 = tpu.memref_slice %arg5[%add3A_29, %dma_start3A_34] : memref<2560x128xf32, #tpu.memory_space<hbm>> -> memref<10x128xf32, #tpu.memory_space<hbm>>
    %dma_start3A_36 = arith.constant 0 : i32
    %dma_start3A_37 = tpu.memref_slice %arg5[%add3A_29, %dma_start3A_36] : memref<2560x128xf32, #tpu.memory_space<hbm>> -> memref<10x128xf32, #tpu.memory_space<hbm>>
    tpu.enqueue_dma source(%dma_start3A_37 : memref<10x128xf32, #tpu.memory_space<hbm>>) target(%arg17 : memref<10x128xf32, #tpu.memory_space<vmem>>) target_semaphore(%arg21 : memref<!tpu.dma_semaphore, #tpu.memory_space<semaphore_mem>>)
    %scan3A_38 = arith.constant 0 : i32
    %scan3A_39 = arith.constant 0 : i32
    %scan3A_40 = arith.constant 4 : i32
    %scan3A_41 = arith.addi %scan3A_39, %scan3A_40 : i32
    %scan3A_42 = arith.constant 1 : i32
    scf.for %scan3A_67 = %scan3A_39 to %scan3A_41 step %scan3A_42  : i32 {
      %gt3A = arith.constant 0 : i32
      %gt3A_68 = arith.cmpi sgt, %scan3A_67, %gt3A : i32
      %convert_element_type3A_69 = arith.extui %gt3A_68 : i1 to i32
      %cond3A_70 = arith.constant 0 : i32
      %cond3A_71 = arith.cmpi ne, %convert_element_type3A_69, %cond3A_70 : i32
      scf.if %cond3A_71 {
        %dma_wait3A_374 = arith.constant 0 : i32
        %dma_wait3A_375 = arith.constant 0 : i32
        %dma_wait3A_376 = tpu.memref_slice %arg7[%dma_wait3A_374, %dma_wait3A_375] : memref<327680x16xf32, #tpu.memory_space<hbm>> -> memref<1280x16xf32, #tpu.memory_space<hbm>>
        %dma_wait3A_377 = arith.constant 0 : i32
        %dma_wait3A_378 = arith.constant 0 : i32
        %dma_wait3A_379 = tpu.memref_slice %arg7[%dma_wait3A_377, %dma_wait3A_378] : memref<327680x16xf32, #tpu.memory_space<hbm>> -> memref<1280x16xf32, #tpu.memory_space<hbm>>
        tpu.wait_dma2 semaphore(%arg24 : memref<!tpu.dma_semaphore, #tpu.memory_space<semaphore_mem>>) src(%arg14 : memref<1280x16xf32, #tpu.memory_space<vmem>>) dst(%dma_wait3A_379 : memref<1280x16xf32, #tpu.memory_space<hbm>>)
        %dma_wait3A_380 = arith.constant 0 : i32
        %dma_wait3A_381 = arith.constant 0 : i32
        %dma_wait3A_382 = tpu.memref_slice %arg8[%dma_wait3A_380, %dma_wait3A_381] : memref<8192x128xf32, #tpu.memory_space<hbm>> -> memref<32x128xf32, #tpu.memory_space<hbm>>
        %dma_wait3A_383 = arith.constant 0 : i32
        %dma_wait3A_384 = arith.constant 0 : i32
        %dma_wait3A_385 = tpu.memref_slice %arg8[%dma_wait3A_383, %dma_wait3A_384] : memref<8192x128xf32, #tpu.memory_space<hbm>> -> memref<32x128xf32, #tpu.memory_space<hbm>>
        tpu.wait_dma2 semaphore(%arg24 : memref<!tpu.dma_semaphore, #tpu.memory_space<semaphore_mem>>) src(%arg18 : memref<32x128xf32, #tpu.memory_space<vmem>>) dst(%dma_wait3A_385 : memref<32x128xf32, #tpu.memory_space<hbm>>)
      } else {
      }
      %dma_wait3A_72 = arith.constant 0 : i32
      %dma_wait3A_73 = arith.constant 0 : i32
      %dma_wait3A_74 = tpu.memref_slice %arg2[%dma_wait3A_72, %dma_wait3A_73] : memref<2560x128xi32, #tpu.memory_space<hbm>> -> memref<10x128xi32, #tpu.memory_space<hbm>>
      %dma_wait3A_75 = arith.constant 0 : i32
      %dma_wait3A_76 = arith.constant 0 : i32
      %dma_wait3A_77 = tpu.memref_slice %arg2[%dma_wait3A_75, %dma_wait3A_76] : memref<2560x128xi32, #tpu.memory_space<hbm>> -> memref<10x128xi32, #tpu.memory_space<hbm>>
      tpu.wait_dma2 semaphore(%arg20 : memref<!tpu.dma_semaphore, #tpu.memory_space<semaphore_mem>>) src(%dma_wait3A_77 : memref<10x128xi32, #tpu.memory_space<hbm>>) dst(%arg12 : memref<10x128xi32, #tpu.memory_space<vmem>>)
      %dma_wait3A_78 = arith.constant 0 : i32
      %dma_wait3A_79 = arith.constant 0 : i32
      %dma_wait3A_80 = tpu.memref_slice %arg5[%dma_wait3A_78, %dma_wait3A_79] : memref<2560x128xf32, #tpu.memory_space<hbm>> -> memref<10x128xf32, #tpu.memory_space<hbm>>
      %dma_wait3A_81 = arith.constant 0 : i32
      %dma_wait3A_82 = arith.constant 0 : i32
      %dma_wait3A_83 = tpu.memref_slice %arg5[%dma_wait3A_81, %dma_wait3A_82] : memref<2560x128xf32, #tpu.memory_space<hbm>> -> memref<10x128xf32, #tpu.memory_space<hbm>>
      tpu.wait_dma2 semaphore(%arg20 : memref<!tpu.dma_semaphore, #tpu.memory_space<semaphore_mem>>) src(%dma_wait3A_83 : memref<10x128xf32, #tpu.memory_space<hbm>>) dst(%arg16 : memref<10x128xf32, #tpu.memory_space<vmem>>)
      %dma_start3A_84 = arith.constant 0 : i32
      %dma_start3A_85 = arith.constant 0 : i32
      %dma_start3A_86 = arith.constant 0 : i32
      %dma_start3A_87 = tpu.memref_slice %arg14[%dma_start3A_85, %dma_start3A_86] : memref<1280x16xf32, #tpu.memory_space<vmem>> -> memref<128x16xf32, #tpu.memory_space<vmem>>
      %dma_start3A_88 = arith.constant 0 : i32
      %dma_start3A_89 = tpu.memref_slice %arg12[%dma_start3A_84, %dma_start3A_88] : memref<10x128xi32, #tpu.memory_space<vmem>> -> memref<1x128xi32, #tpu.memory_space<vmem>>
      %dma_start3A_90 = tpu.memref_squeeze %dma_start3A_89 : memref<1x128xi32, #tpu.memory_space<vmem>> -> memref<128xi32, #tpu.memory_space<vmem>>
      %dma_start3A_91 = arith.constant 0 : i32
      %dma_start3A_92 = arith.constant 0 : i32
      %dma_start3A_93 = tpu.memref_slice %arg10[%dma_start3A_91, %dma_start3A_92] : memref<20000x16xf32, #tpu.memory_space<vmem_shared>> -> memref<20000x16xf32, #tpu.memory_space<vmem_shared>>
      tpu.enqueue_indirect_dma source(%dma_start3A_93 : memref<20000x16xf32, #tpu.memory_space<vmem_shared>>) target(%dma_start3A_87 : memref<128x16xf32, #tpu.memory_space<vmem>>) offsets(%dma_start3A_90 : memref<128xi32, #tpu.memory_space<vmem>>) semaphore(%arg22 : memref<!tpu.dma_semaphore, #tpu.memory_space<semaphore_mem>>)
      %dma_start3A_94 = arith.constant 1 : i32
      %dma_start3A_95 = arith.constant 128 : i32
      %dma_start3A_96 = arith.constant 0 : i32
      %dma_start3A_97 = tpu.memref_slice %arg14[%dma_start3A_95, %dma_start3A_96] : memref<1280x16xf32, #tpu.memory_space<vmem>> -> memref<128x16xf32, #tpu.memory_space<vmem>>
      %dma_start3A_98 = arith.constant 0 : i32
      %dma_start3A_99 = tpu.memref_slice %arg12[%dma_start3A_94, %dma_start3A_98] : memref<10x128xi32, #tpu.memory_space<vmem>> -> memref<1x128xi32, #tpu.memory_space<vmem>>
      %dma_start3A_100 = tpu.memref_squeeze %dma_start3A_99 : memref<1x128xi32, #tpu.memory_space<vmem>> -> memref<128xi32, #tpu.memory_space<vmem>>
      %dma_start3A_101 = arith.constant 0 : i32
      %dma_start3A_102 = arith.constant 0 : i32
      %dma_start3A_103 = tpu.memref_slice %arg10[%dma_start3A_101, %dma_start3A_102] : memref<20000x16xf32, #tpu.memory_space<vmem_shared>> -> memref<20000x16xf32, #tpu.memory_space<vmem_shared>>
      tpu.enqueue_indirect_dma source(%dma_start3A_103 : memref<20000x16xf32, #tpu.memory_space<vmem_shared>>) target(%dma_start3A_97 : memref<128x16xf32, #tpu.memory_space<vmem>>) offsets(%dma_start3A_100 : memref<128xi32, #tpu.memory_space<vmem>>) semaphore(%arg22 : memref<!tpu.dma_semaphore, #tpu.memory_space<semaphore_mem>>)
      %dma_start3A_104 = arith.constant 2 : i32
      %dma_start3A_105 = arith.constant 256 : i32
      %dma_start3A_106 = arith.constant 0 : i32
      %dma_start3A_107 = tpu.memref_slice %arg14[%dma_start3A_105, %dma_start3A_106] : memref<1280x16xf32, #tpu.memory_space<vmem>> -> memref<128x16xf32, #tpu.memory_space<vmem>>
      %dma_start3A_108 = arith.constant 0 : i32
      %dma_start3A_109 = tpu.memref_slice %arg12[%dma_start3A_104, %dma_start3A_108] : memref<10x128xi32, #tpu.memory_space<vmem>> -> memref<1x128xi32, #tpu.memory_space<vmem>>
      %dma_start3A_110 = tpu.memref_squeeze %dma_start3A_109 : memref<1x128xi32, #tpu.memory_space<vmem>> -> memref<128xi32, #tpu.memory_space<vmem>>
      %dma_start3A_111 = arith.constant 0 : i32
      %dma_start3A_112 = arith.constant 0 : i32
      %dma_start3A_113 = tpu.memref_slice %arg10[%dma_start3A_111, %dma_start3A_112] : memref<20000x16xf32, #tpu.memory_space<vmem_shared>> -> memref<20000x16xf32, #tpu.memory_space<vmem_shared>>
      tpu.enqueue_indirect_dma source(%dma_start3A_113 : memref<20000x16xf32, #tpu.memory_space<vmem_shared>>) target(%dma_start3A_107 : memref<128x16xf32, #tpu.memory_space<vmem>>) offsets(%dma_start3A_110 : memref<128xi32, #tpu.memory_space<vmem>>) semaphore(%arg22 : memref<!tpu.dma_semaphore, #tpu.memory_space<semaphore_mem>>)
      %dma_start3A_114 = arith.constant 3 : i32
      %dma_start3A_115 = arith.constant 384 : i32
      %dma_start3A_116 = arith.constant 0 : i32
      %dma_start3A_117 = tpu.memref_slice %arg14[%dma_start3A_115, %dma_start3A_116] : memref<1280x16xf32, #tpu.memory_space<vmem>> -> memref<128x16xf32, #tpu.memory_space<vmem>>
      %dma_start3A_118 = arith.constant 0 : i32
      %dma_start3A_119 = tpu.memref_slice %arg12[%dma_start3A_114, %dma_start3A_118] : memref<10x128xi32, #tpu.memory_space<vmem>> -> memref<1x128xi32, #tpu.memory_space<vmem>>
      %dma_start3A_120 = tpu.memref_squeeze %dma_start3A_119 : memref<1x128xi32, #tpu.memory_space<vmem>> -> memref<128xi32, #tpu.memory_space<vmem>>
      %dma_start3A_121 = arith.constant 0 : i32
      %dma_start3A_122 = arith.constant 0 : i32
      %dma_start3A_123 = tpu.memref_slice %arg10[%dma_start3A_121, %dma_start3A_122] : memref<20000x16xf32, #tpu.memory_space<vmem_shared>> -> memref<20000x16xf32, #tpu.memory_space<vmem_shared>>
      tpu.enqueue_indirect_dma source(%dma_start3A_123 : memref<20000x16xf32, #tpu.memory_space<vmem_shared>>) target(%dma_start3A_117 : memref<128x16xf32, #tpu.memory_space<vmem>>) offsets(%dma_start3A_120 : memref<128xi32, #tpu.memory_space<vmem>>) semaphore(%arg22 : memref<!tpu.dma_semaphore, #tpu.memory_space<semaphore_mem>>)
      %dma_start3A_124 = arith.constant 4 : i32
      %dma_start3A_125 = arith.constant 512 : i32
      %dma_start3A_126 = arith.constant 0 : i32
      %dma_start3A_127 = tpu.memref_slice %arg14[%dma_start3A_125, %dma_start3A_126] : memref<1280x16xf32, #tpu.memory_space<vmem>> -> memref<128x16xf32, #tpu.memory_space<vmem>>
      %dma_start3A_128 = arith.constant 0 : i32
      %dma_start3A_129 = tpu.memref_slice %arg12[%dma_start3A_124, %dma_start3A_128] : memref<10x128xi32, #tpu.memory_space<vmem>> -> memref<1x128xi32, #tpu.memory_space<vmem>>
      %dma_start3A_130 = tpu.memref_squeeze %dma_start3A_129 : memref<1x128xi32, #tpu.memory_space<vmem>> -> memref<128xi32, #tpu.memory_space<vmem>>
      %dma_start3A_131 = arith.constant 0 : i32
      %dma_start3A_132 = arith.constant 0 : i32
      %dma_start3A_133 = tpu.memref_slice %arg10[%dma_start3A_131, %dma_start3A_132] : memref<20000x16xf32, #tpu.memory_space<vmem_shared>> -> memref<20000x16xf32, #tpu.memory_space<vmem_shared>>
      tpu.enqueue_indirect_dma source(%dma_start3A_133 : memref<20000x16xf32, #tpu.memory_space<vmem_shared>>) target(%dma_start3A_127 : memref<128x16xf32, #tpu.memory_space<vmem>>) offsets(%dma_start3A_130 : memref<128xi32, #tpu.memory_space<vmem>>) semaphore(%arg22 : memref<!tpu.dma_semaphore, #tpu.memory_space<semaphore_mem>>)
      %dma_start3A_134 = arith.constant 5 : i32
      %dma_start3A_135 = arith.constant 640 : i32
      %dma_start3A_136 = arith.constant 0 : i32
      %dma_start3A_137 = tpu.memref_slice %arg14[%dma_start3A_135, %dma_start3A_136] : memref<1280x16xf32, #tpu.memory_space<vmem>> -> memref<128x16xf32, #tpu.memory_space<vmem>>
      %dma_start3A_138 = arith.constant 0 : i32
      %dma_start3A_139 = tpu.memref_slice %arg12[%dma_start3A_134, %dma_start3A_138] : memref<10x128xi32, #tpu.memory_space<vmem>> -> memref<1x128xi32, #tpu.memory_space<vmem>>
      %dma_start3A_140 = tpu.memref_squeeze %dma_start3A_139 : memref<1x128xi32, #tpu.memory_space<vmem>> -> memref<128xi32, #tpu.memory_space<vmem>>
      %dma_start3A_141 = arith.constant 0 : i32
      %dma_start3A_142 = arith.constant 0 : i32
      %dma_start3A_143 = tpu.memref_slice %arg10[%dma_start3A_141, %dma_start3A_142] : memref<20000x16xf32, #tpu.memory_space<vmem_shared>> -> memref<20000x16xf32, #tpu.memory_space<vmem_shared>>
      tpu.enqueue_indirect_dma source(%dma_start3A_143 : memref<20000x16xf32, #tpu.memory_space<vmem_shared>>) target(%dma_start3A_137 : memref<128x16xf32, #tpu.memory_space<vmem>>) offsets(%dma_start3A_140 : memref<128xi32, #tpu.memory_space<vmem>>) semaphore(%arg22 : memref<!tpu.dma_semaphore, #tpu.memory_space<semaphore_mem>>)
      %dma_start3A_144 = arith.constant 6 : i32
      %dma_start3A_145 = arith.constant 768 : i32
      %dma_start3A_146 = arith.constant 0 : i32
      %dma_start3A_147 = tpu.memref_slice %arg14[%dma_start3A_145, %dma_start3A_146] : memref<1280x16xf32, #tpu.memory_space<vmem>> -> memref<128x16xf32, #tpu.memory_space<vmem>>
      %dma_start3A_148 = arith.constant 0 : i32
      %dma_start3A_149 = tpu.memref_slice %arg12[%dma_start3A_144, %dma_start3A_148] : memref<10x128xi32, #tpu.memory_space<vmem>> -> memref<1x128xi32, #tpu.memory_space<vmem>>
      %dma_start3A_150 = tpu.memref_squeeze %dma_start3A_149 : memref<1x128xi32, #tpu.memory_space<vmem>> -> memref<128xi32, #tpu.memory_space<vmem>>
      %dma_start3A_151 = arith.constant 0 : i32
      %dma_start3A_152 = arith.constant 0 : i32
      %dma_start3A_153 = tpu.memref_slice %arg10[%dma_start3A_151, %dma_start3A_152] : memref<20000x16xf32, #tpu.memory_space<vmem_shared>> -> memref<20000x16xf32, #tpu.memory_space<vmem_shared>>
      tpu.enqueue_indirect_dma source(%dma_start3A_153 : memref<20000x16xf32, #tpu.memory_space<vmem_shared>>) target(%dma_start3A_147 : memref<128x16xf32, #tpu.memory_space<vmem>>) offsets(%dma_start3A_150 : memref<128xi32, #tpu.memory_space<vmem>>) semaphore(%arg22 : memref<!tpu.dma_semaphore, #tpu.memory_space<semaphore_mem>>)
      %dma_start3A_154 = arith.constant 7 : i32
      %dma_start3A_155 = arith.constant 896 : i32
      %dma_start3A_156 = arith.constant 0 : i32
      %dma_start3A_157 = tpu.memref_slice %arg14[%dma_start3A_155, %dma_start3A_156] : memref<1280x16xf32, #tpu.memory_space<vmem>> -> memref<128x16xf32, #tpu.memory_space<vmem>>
      %dma_start3A_158 = arith.constant 0 : i32
      %dma_start3A_159 = tpu.memref_slice %arg12[%dma_start3A_154, %dma_start3A_158] : memref<10x128xi32, #tpu.memory_space<vmem>> -> memref<1x128xi32, #tpu.memory_space<vmem>>
      %dma_start3A_160 = tpu.memref_squeeze %dma_start3A_159 : memref<1x128xi32, #tpu.memory_space<vmem>> -> memref<128xi32, #tpu.memory_space<vmem>>
      %dma_start3A_161 = arith.constant 0 : i32
      %dma_start3A_162 = arith.constant 0 : i32
      %dma_start3A_163 = tpu.memref_slice %arg10[%dma_start3A_161, %dma_start3A_162] : memref<20000x16xf32, #tpu.memory_space<vmem_shared>> -> memref<20000x16xf32, #tpu.memory_space<vmem_shared>>
      tpu.enqueue_indirect_dma source(%dma_start3A_163 : memref<20000x16xf32, #tpu.memory_space<vmem_shared>>) target(%dma_start3A_157 : memref<128x16xf32, #tpu.memory_space<vmem>>) offsets(%dma_start3A_160 : memref<128xi32, #tpu.memory_space<vmem>>) semaphore(%arg22 : memref<!tpu.dma_semaphore, #tpu.memory_space<semaphore_mem>>)
      %dma_start3A_164 = arith.constant 8 : i32
      %dma_start3A_165 = arith.constant 1024 : i32
      %dma_start3A_166 = arith.constant 0 : i32
      %dma_start3A_167 = tpu.memref_slice %arg14[%dma_start3A_165, %dma_start3A_166] : memref<1280x16xf32, #tpu.memory_space<vmem>> -> memref<128x16xf32, #tpu.memory_space<vmem>>
      %dma_start3A_168 = arith.constant 0 : i32
      %dma_start3A_169 = tpu.memref_slice %arg12[%dma_start3A_164, %dma_start3A_168] : memref<10x128xi32, #tpu.memory_space<vmem>> -> memref<1x128xi32, #tpu.memory_space<vmem>>
      %dma_start3A_170 = tpu.memref_squeeze %dma_start3A_169 : memref<1x128xi32, #tpu.memory_space<vmem>> -> memref<128xi32, #tpu.memory_space<vmem>>
      %dma_start3A_171 = arith.constant 0 : i32
      %dma_start3A_172 = arith.constant 0 : i32
      %dma_start3A_173 = tpu.memref_slice %arg10[%dma_start3A_171, %dma_start3A_172] : memref<20000x16xf32, #tpu.memory_space<vmem_shared>> -> memref<20000x16xf32, #tpu.memory_space<vmem_shared>>
      tpu.enqueue_indirect_dma source(%dma_start3A_173 : memref<20000x16xf32, #tpu.memory_space<vmem_shared>>) target(%dma_start3A_167 : memref<128x16xf32, #tpu.memory_space<vmem>>) offsets(%dma_start3A_170 : memref<128xi32, #tpu.memory_space<vmem>>) semaphore(%arg22 : memref<!tpu.dma_semaphore, #tpu.memory_space<semaphore_mem>>)
      %dma_start3A_174 = arith.constant 9 : i32
      %dma_start3A_175 = arith.constant 1152 : i32
      %dma_start3A_176 = arith.constant 0 : i32
      %dma_start3A_177 = tpu.memref_slice %arg14[%dma_start3A_175, %dma_start3A_176] : memref<1280x16xf32, #tpu.memory_space<vmem>> -> memref<128x16xf32, #tpu.memory_space<vmem>>
      %dma_start3A_178 = arith.constant 0 : i32
      %dma_start3A_179 = tpu.memref_slice %arg12[%dma_start3A_174, %dma_start3A_178] : memref<10x128xi32, #tpu.memory_space<vmem>> -> memref<1x128xi32, #tpu.memory_space<vmem>>
      %dma_start3A_180 = tpu.memref_squeeze %dma_start3A_179 : memref<1x128xi32, #tpu.memory_space<vmem>> -> memref<128xi32, #tpu.memory_space<vmem>>
      %dma_start3A_181 = arith.constant 0 : i32
      %dma_start3A_182 = arith.constant 0 : i32
      %dma_start3A_183 = tpu.memref_slice %arg10[%dma_start3A_181, %dma_start3A_182] : memref<20000x16xf32, #tpu.memory_space<vmem_shared>> -> memref<20000x16xf32, #tpu.memory_space<vmem_shared>>
      tpu.enqueue_indirect_dma source(%dma_start3A_183 : memref<20000x16xf32, #tpu.memory_space<vmem_shared>>) target(%dma_start3A_177 : memref<128x16xf32, #tpu.memory_space<vmem>>) offsets(%dma_start3A_180 : memref<128xi32, #tpu.memory_space<vmem>>) semaphore(%arg22 : memref<!tpu.dma_semaphore, #tpu.memory_space<semaphore_mem>>)
      %scan3A_184 = arith.constant 0 : i32
      %scan3A_185 = arith.constant 0 : i32
      %scan3A_186 = arith.constant 16 : i32
      %scan3A_187 = arith.addi %scan3A_185, %scan3A_186 : i32
      %scan3A_188 = arith.constant 1 : i32
      scf.for %scan3A_374 = %scan3A_185 to %scan3A_187 step %scan3A_188  : i32 {
        %mul3A_375 = arith.constant 5 : i32
        %mul3A_376 = arith.muli %mul3A_375, %scan3A_374 : i32
        %add3A_377 = arith.constant 0 : i32
        %add3A_378 = arith.addi %mul3A_376, %add3A_377 : i32
        %get3A = arith.constant 0 : i32
        %get3A_379 = arith.index_cast %get3A : i32 to index
        %get3A_380 = arith.constant 0 : index
        %get3A_381 = tpu.vector_load %arg11[%get3A_379, %get3A_380] {strides = array<i32>} : memref<5x32xi32, #tpu.memory_space<vmem>>, vector<16xi32>,
        %get3A_382 = arith.constant 0 : i32
        %get3A_383 = arith.index_cast %get3A_382 : i32 to index
        %get3A_384 = arith.constant 16 : index
        %get3A_385 = tpu.vector_load %arg11[%get3A_383, %get3A_384] {strides = array<i32>} : memref<5x32xi32, #tpu.memory_space<vmem>>, vector<16xi32>,
        %mul3A_386 = arith.constant 2 : i32
        %mul3A_387 = arith.muli %mul3A_386, %scan3A_374 : i32
        %add3A_388 = vector.broadcast %mul3A_387 : i32 to vector<16xi32>
        %add3A_389 = arith.addi %get3A_385, %add3A_388 : vector<16xi32>
        %shift_right_logical3A = arith.constant 3 : i32
        %shift_right_logical3A_390 = arith.shrui %add3A_378, %shift_right_logical3A : i32
        %and3A = arith.constant 7 : i32
        %and3A_391 = arith.andi %add3A_378, %and3A : i32
        %mul3A_392 = arith.constant 16 : i32
        %mul3A_393 = arith.muli %mul3A_392, %and3A_391 : i32
        %get3A_394 = arith.index_cast %shift_right_logical3A_390 : i32 to index
        %get3A_395 = arith.index_cast %mul3A_393 : i32 to index
        %get3A_396 = tpu.vector_load %arg12[%get3A_394, %get3A_395] {strides = array<i32>} : memref<10x128xi32, #tpu.memory_space<vmem>>, vector<16xi32>,
        %gather3A = tpu.vector_load_idx %arg9[%get3A_396] : memref<20000xf32, #tpu.memory_space<vmem>>[vector<16xi32>], vector<16xf32>,
        %get3A_397 = arith.index_cast %shift_right_logical3A_390 : i32 to index
        %get3A_398 = arith.index_cast %mul3A_393 : i32 to index
        %get3A_399 = tpu.vector_load %arg16[%get3A_397, %get3A_398] {strides = array<i32>} : memref<10x128xf32, #tpu.memory_space<vmem>>, vector<16xf32>,
        %mul3A_400 = arith.mulf %gather3A, %get3A_399 : vector<16xf32>
        tpu.vector_store_idx %arg18[%add3A_389, %get3A_381], %mul3A_400 : memref<32x128xf32, #tpu.memory_space<vmem>>[vector<16xi32>, vector<16xi32>], vector<16xf32>,
        %mul3A_401 = arith.constant 5 : i32
        %mul3A_402 = arith.muli %mul3A_401, %scan3A_374 : i32
        %add3A_403 = arith.constant 1 : i32
        %add3A_404 = arith.addi %mul3A_402, %add3A_403 : i32
        %get3A_405 = arith.constant 1 : i32
        %get3A_406 = arith.index_cast %get3A_405 : i32 to index
        %get3A_407 = arith.constant 0 : index
        %get3A_408 = tpu.vector_load %arg11[%get3A_406, %get3A_407] {strides = array<i32>} : memref<5x32xi32, #tpu.memory_space<vmem>>, vector<16xi32>,
        %get3A_409 = arith.constant 1 : i32
        %get3A_410 = arith.index_cast %get3A_409 : i32 to index
        %get3A_411 = arith.constant 16 : index
        %get3A_412 = tpu.vector_load %arg11[%get3A_410, %get3A_411] {strides = array<i32>} : memref<5x32xi32, #tpu.memory_space<vmem>>, vector<16xi32>,
        %mul3A_413 = arith.constant 2 : i32
        %mul3A_414 = arith.muli %mul3A_413, %scan3A_374 : i32
        %add3A_415 = vector.broadcast %mul3A_414 : i32 to vector<16xi32>
        %add3A_416 = arith.addi %get3A_412, %add3A_415 : vector<16xi32>
        %shift_right_logical3A_417 = arith.constant 3 : i32
        %shift_right_logical3A_418 = arith.shrui %add3A_404, %shift_right_logical3A_417 : i32
        %and3A_419 = arith.constant 7 : i32
        %and3A_420 = arith.andi %add3A_404, %and3A_419 : i32
        %mul3A_421 = arith.constant 16 : i32
        %mul3A_422 = arith.muli %mul3A_421, %and3A_420 : i32
        %get3A_423 = arith.index_cast %shift_right_logical3A_418 : i32 to index
        %get3A_424 = arith.index_cast %mul3A_422 : i32 to index
        %get3A_425 = tpu.vector_load %arg12[%get3A_423, %get3A_424] {strides = array<i32>} : memref<10x128xi32, #tpu.memory_space<vmem>>, vector<16xi32>,
        %gather3A_426 = tpu.vector_load_idx %arg9[%get3A_425] : memref<20000xf32, #tpu.memory_space<vmem>>[vector<16xi32>], vector<16xf32>,
        %get3A_427 = arith.index_cast %shift_right_logical3A_418 : i32 to index
        %get3A_428 = arith.index_cast %mul3A_422 : i32 to index
        %get3A_429 = tpu.vector_load %arg16[%get3A_427, %get3A_428] {strides = array<i32>} : memref<10x128xf32, #tpu.memory_space<vmem>>, vector<16xf32>,
        %mul3A_430 = arith.mulf %gather3A_426, %get3A_429 : vector<16xf32>
        tpu.vector_store_idx %arg18[%add3A_416, %get3A_408], %mul3A_430 : memref<32x128xf32, #tpu.memory_space<vmem>>[vector<16xi32>, vector<16xi32>], vector<16xf32>,
        %mul3A_431 = arith.constant 5 : i32
        %mul3A_432 = arith.muli %mul3A_431, %scan3A_374 : i32
        %add3A_433 = arith.constant 2 : i32
        %add3A_434 = arith.addi %mul3A_432, %add3A_433 : i32
        %get3A_435 = arith.constant 2 : i32
        %get3A_436 = arith.index_cast %get3A_435 : i32 to index
        %get3A_437 = arith.constant 0 : index
        %get3A_438 = tpu.vector_load %arg11[%get3A_436, %get3A_437] {strides = array<i32>} : memref<5x32xi32, #tpu.memory_space<vmem>>, vector<16xi32>,
        %get3A_439 = arith.constant 2 : i32
        %get3A_440 = arith.index_cast %get3A_439 : i32 to index
        %get3A_441 = arith.constant 16 : index
        %get3A_442 = tpu.vector_load %arg11[%get3A_440, %get3A_441] {strides = array<i32>} : memref<5x32xi32, #tpu.memory_space<vmem>>, vector<16xi32>,
        %mul3A_443 = arith.constant 2 : i32
        %mul3A_444 = arith.muli %mul3A_443, %scan3A_374 : i32
        %add3A_445 = vector.broadcast %mul3A_444 : i32 to vector<16xi32>
        %add3A_446 = arith.addi %get3A_442, %add3A_445 : vector<16xi32>
        %shift_right_logical3A_447 = arith.constant 3 : i32
        %shift_right_logical3A_448 = arith.shrui %add3A_434, %shift_right_logical3A_447 : i32
        %and3A_449 = arith.constant 7 : i32
        %and3A_450 = arith.andi %add3A_434, %and3A_449 : i32
        %mul3A_451 = arith.constant 16 : i32
        %mul3A_452 = arith.muli %mul3A_451, %and3A_450 : i32
        %get3A_453 = arith.index_cast %shift_right_logical3A_448 : i32 to index
        %get3A_454 = arith.index_cast %mul3A_452 : i32 to index
        %get3A_455 = tpu.vector_load %arg12[%get3A_453, %get3A_454] {strides = array<i32>} : memref<10x128xi32, #tpu.memory_space<vmem>>, vector<16xi32>,
        %gather3A_456 = tpu.vector_load_idx %arg9[%get3A_455] : memref<20000xf32, #tpu.memory_space<vmem>>[vector<16xi32>], vector<16xf32>,
        %get3A_457 = arith.index_cast %shift_right_logical3A_448 : i32 to index
        %get3A_458 = arith.index_cast %mul3A_452 : i32 to index
        %get3A_459 = tpu.vector_load %arg16[%get3A_457, %get3A_458] {strides = array<i32>} : memref<10x128xf32, #tpu.memory_space<vmem>>, vector<16xf32>,
        %mul3A_460 = arith.mulf %gather3A_456, %get3A_459 : vector<16xf32>
        tpu.vector_store_idx %arg18[%add3A_446, %get3A_438], %mul3A_460 : memref<32x128xf32, #tpu.memory_space<vmem>>[vector<16xi32>, vector<16xi32>], vector<16xf32>,
        %mul3A_461 = arith.constant 5 : i32
        %mul3A_462 = arith.muli %mul3A_461, %scan3A_374 : i32
        %add3A_463 = arith.constant 3 : i32
        %add3A_464 = arith.addi %mul3A_462, %add3A_463 : i32
        %get3A_465 = arith.constant 3 : i32
        %get3A_466 = arith.index_cast %get3A_465 : i32 to index
        %get3A_467 = arith.constant 0 : index
        %get3A_468 = tpu.vector_load %arg11[%get3A_466, %get3A_467] {strides = array<i32>} : memref<5x32xi32, #tpu.memory_space<vmem>>, vector<16xi32>,
        %get3A_469 = arith.constant 3 : i32
        %get3A_470 = arith.index_cast %get3A_469 : i32 to index
        %get3A_471 = arith.constant 16 : index
        %get3A_472 = tpu.vector_load %arg11[%get3A_470, %get3A_471] {strides = array<i32>} : memref<5x32xi32, #tpu.memory_space<vmem>>, vector<16xi32>,
        %mul3A_473 = arith.constant 2 : i32
        %mul3A_474 = arith.muli %mul3A_473, %scan3A_374 : i32
        %add3A_475 = vector.broadcast %mul3A_474 : i32 to vector<16xi32>
        %add3A_476 = arith.addi %get3A_472, %add3A_475 : vector<16xi32>
        %shift_right_logical3A_477 = arith.constant 3 : i32
        %shift_right_logical3A_478 = arith.shrui %add3A_464, %shift_right_logical3A_477 : i32
        %and3A_479 = arith.constant 7 : i32
        %and3A_480 = arith.andi %add3A_464, %and3A_479 : i32
        %mul3A_481 = arith.constant 16 : i32
        %mul3A_482 = arith.muli %mul3A_481, %and3A_480 : i32
        %get3A_483 = arith.index_cast %shift_right_logical3A_478 : i32 to index
        %get3A_484 = arith.index_cast %mul3A_482 : i32 to index
        %get3A_485 = tpu.vector_load %arg12[%get3A_483, %get3A_484] {strides = array<i32>} : memref<10x128xi32, #tpu.memory_space<vmem>>, vector<16xi32>,
        %gather3A_486 = tpu.vector_load_idx %arg9[%get3A_485] : memref<20000xf32, #tpu.memory_space<vmem>>[vector<16xi32>], vector<16xf32>,
        %get3A_487 = arith.index_cast %shift_right_logical3A_478 : i32 to index
        %get3A_488 = arith.index_cast %mul3A_482 : i32 to index
        %get3A_489 = tpu.vector_load %arg16[%get3A_487, %get3A_488] {strides = array<i32>} : memref<10x128xf32, #tpu.memory_space<vmem>>, vector<16xf32>,
        %mul3A_490 = arith.mulf %gather3A_486, %get3A_489 : vector<16xf32>
        tpu.vector_store_idx %arg18[%add3A_476, %get3A_468], %mul3A_490 : memref<32x128xf32, #tpu.memory_space<vmem>>[vector<16xi32>, vector<16xi32>], vector<16xf32>,
        %mul3A_491 = arith.constant 5 : i32
        %mul3A_492 = arith.muli %mul3A_491, %scan3A_374 : i32
        %add3A_493 = arith.constant 4 : i32
        %add3A_494 = arith.addi %mul3A_492, %add3A_493 : i32
        %get3A_495 = arith.constant 4 : i32
        %get3A_496 = arith.index_cast %get3A_495 : i32 to index
        %get3A_497 = arith.constant 0 : index
        %get3A_498 = tpu.vector_load %arg11[%get3A_496, %get3A_497] {strides = array<i32>} : memref<5x32xi32, #tpu.memory_space<vmem>>, vector<16xi32>,
        %get3A_499 = arith.constant 4 : i32
        %get3A_500 = arith.index_cast %get3A_499 : i32 to index
        %get3A_501 = arith.constant 16 : index
        %get3A_502 = tpu.vector_load %arg11[%get3A_500, %get3A_501] {strides = array<i32>} : memref<5x32xi32, #tpu.memory_space<vmem>>, vector<16xi32>,
        %mul3A_503 = arith.constant 2 : i32
        %mul3A_504 = arith.muli %mul3A_503, %scan3A_374 : i32
        %add3A_505 = vector.broadcast %mul3A_504 : i32 to vector<16xi32>
        %add3A_506 = arith.addi %get3A_502, %add3A_505 : vector<16xi32>
        %shift_right_logical3A_507 = arith.constant 3 : i32
        %shift_right_logical3A_508 = arith.shrui %add3A_494, %shift_right_logical3A_507 : i32
        %and3A_509 = arith.constant 7 : i32
        %and3A_510 = arith.andi %add3A_494, %and3A_509 : i32
        %mul3A_511 = arith.constant 16 : i32
        %mul3A_512 = arith.muli %mul3A_511, %and3A_510 : i32
        %get3A_513 = arith.index_cast %shift_right_logical3A_508 : i32 to index
        %get3A_514 = arith.index_cast %mul3A_512 : i32 to index
        %get3A_515 = tpu.vector_load %arg12[%get3A_513, %get3A_514] {strides = array<i32>} : memref<10x128xi32, #tpu.memory_space<vmem>>, vector<16xi32>,
        %gather3A_516 = tpu.vector_load_idx %arg9[%get3A_515] : memref<20000xf32, #tpu.memory_space<vmem>>[vector<16xi32>], vector<16xf32>,
        %get3A_517 = arith.index_cast %shift_right_logical3A_508 : i32 to index
        %get3A_518 = arith.index_cast %mul3A_512 : i32 to index
        %get3A_519 = tpu.vector_load %arg16[%get3A_517, %get3A_518] {strides = array<i32>} : memref<10x128xf32, #tpu.memory_space<vmem>>, vector<16xf32>,
        %mul3A_520 = arith.mulf %gather3A_516, %get3A_519 : vector<16xf32>
        tpu.vector_store_idx %arg18[%add3A_506, %get3A_498], %mul3A_520 : memref<32x128xf32, #tpu.memory_space<vmem>>[vector<16xi32>, vector<16xi32>], vector<16xf32>,
      }
      %scan3A_189 = arith.constant 16 : i32
      %gt3A_190 = arith.constant 0 : i32
      %gt3A_191 = arith.cmpi sgt, %scan3A_67, %gt3A_190 : i32
      %convert_element_type3A_192 = arith.extui %gt3A_191 : i1 to i32
      %cond3A_193 = arith.constant 0 : i32
      %cond3A_194 = arith.cmpi ne, %convert_element_type3A_192, %cond3A_193 : i32
      scf.if %cond3A_194 {
        %dma_wait3A_374 = arith.constant 0 : i32
        %dma_wait3A_375 = arith.constant 0 : i32
        %dma_wait3A_376 = tpu.memref_slice %arg7[%dma_wait3A_374, %dma_wait3A_375] : memref<327680x16xf32, #tpu.memory_space<hbm>> -> memref<1280x16xf32, #tpu.memory_space<hbm>>
        %dma_wait3A_377 = arith.constant 0 : i32
        %dma_wait3A_378 = arith.constant 0 : i32
        %dma_wait3A_379 = tpu.memref_slice %arg7[%dma_wait3A_377, %dma_wait3A_378] : memref<327680x16xf32, #tpu.memory_space<hbm>> -> memref<1280x16xf32, #tpu.memory_space<hbm>>
        tpu.wait_dma2 semaphore(%arg25 : memref<!tpu.dma_semaphore, #tpu.memory_space<semaphore_mem>>) src(%arg15 : memref<1280x16xf32, #tpu.memory_space<vmem>>) dst(%dma_wait3A_379 : memref<1280x16xf32, #tpu.memory_space<hbm>>)
        %dma_wait3A_380 = arith.constant 0 : i32
        %dma_wait3A_381 = arith.constant 0 : i32
        %dma_wait3A_382 = tpu.memref_slice %arg8[%dma_wait3A_380, %dma_wait3A_381] : memref<8192x128xf32, #tpu.memory_space<hbm>> -> memref<32x128xf32, #tpu.memory_space<hbm>>
        %dma_wait3A_383 = arith.constant 0 : i32
        %dma_wait3A_384 = arith.constant 0 : i32
        %dma_wait3A_385 = tpu.memref_slice %arg8[%dma_wait3A_383, %dma_wait3A_384] : memref<8192x128xf32, #tpu.memory_space<hbm>> -> memref<32x128xf32, #tpu.memory_space<hbm>>
        tpu.wait_dma2 semaphore(%arg25 : memref<!tpu.dma_semaphore, #tpu.memory_space<semaphore_mem>>) src(%arg19 : memref<32x128xf32, #tpu.memory_space<vmem>>) dst(%dma_wait3A_385 : memref<32x128xf32, #tpu.memory_space<hbm>>)
      } else {
      }
      %dma_wait3A_195 = arith.constant 0 : i32
      %dma_wait3A_196 = arith.constant 0 : i32
      %dma_wait3A_197 = tpu.memref_slice %arg2[%dma_wait3A_195, %dma_wait3A_196] : memref<2560x128xi32, #tpu.memory_space<hbm>> -> memref<10x128xi32, #tpu.memory_space<hbm>>
      %dma_wait3A_198 = arith.constant 0 : i32
      %dma_wait3A_199 = arith.constant 0 : i32
      %dma_wait3A_200 = tpu.memref_slice %arg2[%dma_wait3A_198, %dma_wait3A_199] : memref<2560x128xi32, #tpu.memory_space<hbm>> -> memref<10x128xi32, #tpu.memory_space<hbm>>
      tpu.wait_dma2 semaphore(%arg21 : memref<!tpu.dma_semaphore, #tpu.memory_space<semaphore_mem>>) src(%dma_wait3A_200 : memref<10x128xi32, #tpu.memory_space<hbm>>) dst(%arg13 : memref<10x128xi32, #tpu.memory_space<vmem>>)
      %dma_wait3A_201 = arith.constant 0 : i32
      %dma_wait3A_202 = arith.constant 0 : i32
      %dma_wait3A_203 = tpu.memref_slice %arg5[%dma_wait3A_201, %dma_wait3A_202] : memref<2560x128xf32, #tpu.memory_space<hbm>> -> memref<10x128xf32, #tpu.memory_space<hbm>>
      %dma_wait3A_204 = arith.constant 0 : i32
      %dma_wait3A_205 = arith.constant 0 : i32
      %dma_wait3A_206 = tpu.memref_slice %arg5[%dma_wait3A_204, %dma_wait3A_205] : memref<2560x128xf32, #tpu.memory_space<hbm>> -> memref<10x128xf32, #tpu.memory_space<hbm>>
      tpu.wait_dma2 semaphore(%arg21 : memref<!tpu.dma_semaphore, #tpu.memory_space<semaphore_mem>>) src(%dma_wait3A_206 : memref<10x128xf32, #tpu.memory_space<hbm>>) dst(%arg17 : memref<10x128xf32, #tpu.memory_space<vmem>>)
      %dma_start3A_207 = arith.constant 0 : i32
      %dma_start3A_208 = arith.constant 0 : i32
      %dma_start3A_209 = arith.constant 0 : i32
      %dma_start3A_210 = tpu.memref_slice %arg15[%dma_start3A_208, %dma_start3A_209] : memref<1280x16xf32, #tpu.memory_space<vmem>> -> memref<128x16xf32, #tpu.memory_space<vmem>>
      %dma_start3A_211 = arith.constant 0 : i32
      %dma_start3A_212 = tpu.memref_slice %arg13[%dma_start3A_207, %dma_start3A_211] : memref<10x128xi32, #tpu.memory_space<vmem>> -> memref<1x128xi32, #tpu.memory_space<vmem>>
      %dma_start3A_213 = tpu.memref_squeeze %dma_start3A_212 : memref<1x128xi32, #tpu.memory_space<vmem>> -> memref<128xi32, #tpu.memory_space<vmem>>
      %dma_start3A_214 = arith.constant 0 : i32
      %dma_start3A_215 = arith.constant 0 : i32
      %dma_start3A_216 = tpu.memref_slice %arg10[%dma_start3A_214, %dma_start3A_215] : memref<20000x16xf32, #tpu.memory_space<vmem_shared>> -> memref<20000x16xf32, #tpu.memory_space<vmem_shared>>
      tpu.enqueue_indirect_dma source(%dma_start3A_216 : memref<20000x16xf32, #tpu.memory_space<vmem_shared>>) target(%dma_start3A_210 : memref<128x16xf32, #tpu.memory_space<vmem>>) offsets(%dma_start3A_213 : memref<128xi32, #tpu.memory_space<vmem>>) semaphore(%arg23 : memref<!tpu.dma_semaphore, #tpu.memory_space<semaphore_mem>>)
      %dma_start3A_217 = arith.constant 1 : i32
      %dma_start3A_218 = arith.constant 128 : i32
      %dma_start3A_219 = arith.constant 0 : i32
      %dma_start3A_220 = tpu.memref_slice %arg15[%dma_start3A_218, %dma_start3A_219] : memref<1280x16xf32, #tpu.memory_space<vmem>> -> memref<128x16xf32, #tpu.memory_space<vmem>>
      %dma_start3A_221 = arith.constant 0 : i32
      %dma_start3A_222 = tpu.memref_slice %arg13[%dma_start3A_217, %dma_start3A_221] : memref<10x128xi32, #tpu.memory_space<vmem>> -> memref<1x128xi32, #tpu.memory_space<vmem>>
      %dma_start3A_223 = tpu.memref_squeeze %dma_start3A_222 : memref<1x128xi32, #tpu.memory_space<vmem>> -> memref<128xi32, #tpu.memory_space<vmem>>
      %dma_start3A_224 = arith.constant 0 : i32
      %dma_start3A_225 = arith.constant 0 : i32
      %dma_start3A_226 = tpu.memref_slice %arg10[%dma_start3A_224, %dma_start3A_225] : memref<20000x16xf32, #tpu.memory_space<vmem_shared>> -> memref<20000x16xf32, #tpu.memory_space<vmem_shared>>
      tpu.enqueue_indirect_dma source(%dma_start3A_226 : memref<20000x16xf32, #tpu.memory_space<vmem_shared>>) target(%dma_start3A_220 : memref<128x16xf32, #tpu.memory_space<vmem>>) offsets(%dma_start3A_223 : memref<128xi32, #tpu.memory_space<vmem>>) semaphore(%arg23 : memref<!tpu.dma_semaphore, #tpu.memory_space<semaphore_mem>>)
      %dma_start3A_227 = arith.constant 2 : i32
      %dma_start3A_228 = arith.constant 256 : i32
      %dma_start3A_229 = arith.constant 0 : i32
      %dma_start3A_230 = tpu.memref_slice %arg15[%dma_start3A_228, %dma_start3A_229] : memref<1280x16xf32, #tpu.memory_space<vmem>> -> memref<128x16xf32, #tpu.memory_space<vmem>>
      %dma_start3A_231 = arith.constant 0 : i32
      %dma_start3A_232 = tpu.memref_slice %arg13[%dma_start3A_227, %dma_start3A_231] : memref<10x128xi32, #tpu.memory_space<vmem>> -> memref<1x128xi32, #tpu.memory_space<vmem>>
      %dma_start3A_233 = tpu.memref_squeeze %dma_start3A_232 : memref<1x128xi32, #tpu.memory_space<vmem>> -> memref<128xi32, #tpu.memory_space<vmem>>
      %dma_start3A_234 = arith.constant 0 : i32
      %dma_start3A_235 = arith.constant 0 : i32
      %dma_start3A_236 = tpu.memref_slice %arg10[%dma_start3A_234, %dma_start3A_235] : memref<20000x16xf32, #tpu.memory_space<vmem_shared>> -> memref<20000x16xf32, #tpu.memory_space<vmem_shared>>
      tpu.enqueue_indirect_dma source(%dma_start3A_236 : memref<20000x16xf32, #tpu.memory_space<vmem_shared>>) target(%dma_start3A_230 : memref<128x16xf32, #tpu.memory_space<vmem>>) offsets(%dma_start3A_233 : memref<128xi32, #tpu.memory_space<vmem>>) semaphore(%arg23 : memref<!tpu.dma_semaphore, #tpu.memory_space<semaphore_mem>>)
      %dma_start3A_237 = arith.constant 3 : i32
      %dma_start3A_238 = arith.constant 384 : i32
      %dma_start3A_239 = arith.constant 0 : i32
      %dma_start3A_240 = tpu.memref_slice %arg15[%dma_start3A_238, %dma_start3A_239] : memref<1280x16xf32, #tpu.memory_space<vmem>> -> memref<128x16xf32, #tpu.memory_space<vmem>>
      %dma_start3A_241 = arith.constant 0 : i32
      %dma_start3A_242 = tpu.memref_slice %arg13[%dma_start3A_237, %dma_start3A_241] : memref<10x128xi32, #tpu.memory_space<vmem>> -> memref<1x128xi32, #tpu.memory_space<vmem>>
      %dma_start3A_243 = tpu.memref_squeeze %dma_start3A_242 : memref<1x128xi32, #tpu.memory_space<vmem>> -> memref<128xi32, #tpu.memory_space<vmem>>
      %dma_start3A_244 = arith.constant 0 : i32
      %dma_start3A_245 = arith.constant 0 : i32
      %dma_start3A_246 = tpu.memref_slice %arg10[%dma_start3A_244, %dma_start3A_245] : memref<20000x16xf32, #tpu.memory_space<vmem_shared>> -> memref<20000x16xf32, #tpu.memory_space<vmem_shared>>
      tpu.enqueue_indirect_dma source(%dma_start3A_246 : memref<20000x16xf32, #tpu.memory_space<vmem_shared>>) target(%dma_start3A_240 : memref<128x16xf32, #tpu.memory_space<vmem>>) offsets(%dma_start3A_243 : memref<128xi32, #tpu.memory_space<vmem>>) semaphore(%arg23 : memref<!tpu.dma_semaphore, #tpu.memory_space<semaphore_mem>>)
      %dma_start3A_247 = arith.constant 4 : i32
      %dma_start3A_248 = arith.constant 512 : i32
      %dma_start3A_249 = arith.constant 0 : i32
      %dma_start3A_250 = tpu.memref_slice %arg15[%dma_start3A_248, %dma_start3A_249] : memref<1280x16xf32, #tpu.memory_space<vmem>> -> memref<128x16xf32, #tpu.memory_space<vmem>>
      %dma_start3A_251 = arith.constant 0 : i32
      %dma_start3A_252 = tpu.memref_slice %arg13[%dma_start3A_247, %dma_start3A_251] : memref<10x128xi32, #tpu.memory_space<vmem>> -> memref<1x128xi32, #tpu.memory_space<vmem>>
      %dma_start3A_253 = tpu.memref_squeeze %dma_start3A_252 : memref<1x128xi32, #tpu.memory_space<vmem>> -> memref<128xi32, #tpu.memory_space<vmem>>
      %dma_start3A_254 = arith.constant 0 : i32
      %dma_start3A_255 = arith.constant 0 : i32
      %dma_start3A_256 = tpu.memref_slice %arg10[%dma_start3A_254, %dma_start3A_255] : memref<20000x16xf32, #tpu.memory_space<vmem_shared>> -> memref<20000x16xf32, #tpu.memory_space<vmem_shared>>
      tpu.enqueue_indirect_dma source(%dma_start3A_256 : memref<20000x16xf32, #tpu.memory_space<vmem_shared>>) target(%dma_start3A_250 : memref<128x16xf32, #tpu.memory_space<vmem>>) offsets(%dma_start3A_253 : memref<128xi32, #tpu.memory_space<vmem>>) semaphore(%arg23 : memref<!tpu.dma_semaphore, #tpu.memory_space<semaphore_mem>>)
      %dma_start3A_257 = arith.constant 5 : i32
      %dma_start3A_258 = arith.constant 640 : i32
      %dma_start3A_259 = arith.constant 0 : i32
      %dma_start3A_260 = tpu.memref_slice %arg15[%dma_start3A_258, %dma_start3A_259] : memref<1280x16xf32, #tpu.memory_space<vmem>> -> memref<128x16xf32, #tpu.memory_space<vmem>>
      %dma_start3A_261 = arith.constant 0 : i32
      %dma_start3A_262 = tpu.memref_slice %arg13[%dma_start3A_257, %dma_start3A_261] : memref<10x128xi32, #tpu.memory_space<vmem>> -> memref<1x128xi32, #tpu.memory_space<vmem>>
      %dma_start3A_263 = tpu.memref_squeeze %dma_start3A_262 : memref<1x128xi32, #tpu.memory_space<vmem>> -> memref<128xi32, #tpu.memory_space<vmem>>
      %dma_start3A_264 = arith.constant 0 : i32
      %dma_start3A_265 = arith.constant 0 : i32
      %dma_start3A_266 = tpu.memref_slice %arg10[%dma_start3A_264, %dma_start3A_265] : memref<20000x16xf32, #tpu.memory_space<vmem_shared>> -> memref<20000x16xf32, #tpu.memory_space<vmem_shared>>
      tpu.enqueue_indirect_dma source(%dma_start3A_266 : memref<20000x16xf32, #tpu.memory_space<vmem_shared>>) target(%dma_start3A_260 : memref<128x16xf32, #tpu.memory_space<vmem>>) offsets(%dma_start3A_263 : memref<128xi32, #tpu.memory_space<vmem>>) semaphore(%arg23 : memref<!tpu.dma_semaphore, #tpu.memory_space<semaphore_mem>>)
      %dma_start3A_267 = arith.constant 6 : i32
      %dma_start3A_268 = arith.constant 768 : i32
      %dma_start3A_269 = arith.constant 0 : i32
      %dma_start3A_270 = tpu.memref_slice %arg15[%dma_start3A_268, %dma_start3A_269] : memref<1280x16xf32, #tpu.memory_space<vmem>> -> memref<128x16xf32, #tpu.memory_space<vmem>>
      %dma_start3A_271 = arith.constant 0 : i32
      %dma_start3A_272 = tpu.memref_slice %arg13[%dma_start3A_267, %dma_start3A_271] : memref<10x128xi32, #tpu.memory_space<vmem>> -> memref<1x128xi32, #tpu.memory_space<vmem>>
      %dma_start3A_273 = tpu.memref_squeeze %dma_start3A_272 : memref<1x128xi32, #tpu.memory_space<vmem>> -> memref<128xi32, #tpu.memory_space<vmem>>
      %dma_start3A_274 = arith.constant 0 : i32
      %dma_start3A_275 = arith.constant 0 : i32
      %dma_start3A_276 = tpu.memref_slice %arg10[%dma_start3A_274, %dma_start3A_275] : memref<20000x16xf32, #tpu.memory_space<vmem_shared>> -> memref<20000x16xf32, #tpu.memory_space<vmem_shared>>
      tpu.enqueue_indirect_dma source(%dma_start3A_276 : memref<20000x16xf32, #tpu.memory_space<vmem_shared>>) target(%dma_start3A_270 : memref<128x16xf32, #tpu.memory_space<vmem>>) offsets(%dma_start3A_273 : memref<128xi32, #tpu.memory_space<vmem>>) semaphore(%arg23 : memref<!tpu.dma_semaphore, #tpu.memory_space<semaphore_mem>>)
      %dma_start3A_277 = arith.constant 7 : i32
      %dma_start3A_278 = arith.constant 896 : i32
      %dma_start3A_279 = arith.constant 0 : i32
      %dma_start3A_280 = tpu.memref_slice %arg15[%dma_start3A_278, %dma_start3A_279] : memref<1280x16xf32, #tpu.memory_space<vmem>> -> memref<128x16xf32, #tpu.memory_space<vmem>>
      %dma_start3A_281 = arith.constant 0 : i32
      %dma_start3A_282 = tpu.memref_slice %arg13[%dma_start3A_277, %dma_start3A_281] : memref<10x128xi32, #tpu.memory_space<vmem>> -> memref<1x128xi32, #tpu.memory_space<vmem>>
      %dma_start3A_283 = tpu.memref_squeeze %dma_start3A_282 : memref<1x128xi32, #tpu.memory_space<vmem>> -> memref<128xi32, #tpu.memory_space<vmem>>
      %dma_start3A_284 = arith.constant 0 : i32
      %dma_start3A_285 = arith.constant 0 : i32
      %dma_start3A_286 = tpu.memref_slice %arg10[%dma_start3A_284, %dma_start3A_285] : memref<20000x16xf32, #tpu.memory_space<vmem_shared>> -> memref<20000x16xf32, #tpu.memory_space<vmem_shared>>
      tpu.enqueue_indirect_dma source(%dma_start3A_286 : memref<20000x16xf32, #tpu.memory_space<vmem_shared>>) target(%dma_start3A_280 : memref<128x16xf32, #tpu.memory_space<vmem>>) offsets(%dma_start3A_283 : memref<128xi32, #tpu.memory_space<vmem>>) semaphore(%arg23 : memref<!tpu.dma_semaphore, #tpu.memory_space<semaphore_mem>>)
      %dma_start3A_287 = arith.constant 8 : i32
      %dma_start3A_288 = arith.constant 1024 : i32
      %dma_start3A_289 = arith.constant 0 : i32
      %dma_start3A_290 = tpu.memref_slice %arg15[%dma_start3A_288, %dma_start3A_289] : memref<1280x16xf32, #tpu.memory_space<vmem>> -> memref<128x16xf32, #tpu.memory_space<vmem>>
      %dma_start3A_291 = arith.constant 0 : i32
      %dma_start3A_292 = tpu.memref_slice %arg13[%dma_start3A_287, %dma_start3A_291] : memref<10x128xi32, #tpu.memory_space<vmem>> -> memref<1x128xi32, #tpu.memory_space<vmem>>
      %dma_start3A_293 = tpu.memref_squeeze %dma_start3A_292 : memref<1x128xi32, #tpu.memory_space<vmem>> -> memref<128xi32, #tpu.memory_space<vmem>>
      %dma_start3A_294 = arith.constant 0 : i32
      %dma_start3A_295 = arith.constant 0 : i32
      %dma_start3A_296 = tpu.memref_slice %arg10[%dma_start3A_294, %dma_start3A_295] : memref<20000x16xf32, #tpu.memory_space<vmem_shared>> -> memref<20000x16xf32, #tpu.memory_space<vmem_shared>>
      tpu.enqueue_indirect_dma source(%dma_start3A_296 : memref<20000x16xf32, #tpu.memory_space<vmem_shared>>) target(%dma_start3A_290 : memref<128x16xf32, #tpu.memory_space<vmem>>) offsets(%dma_start3A_293 : memref<128xi32, #tpu.memory_space<vmem>>) semaphore(%arg23 : memref<!tpu.dma_semaphore, #tpu.memory_space<semaphore_mem>>)
      %dma_start3A_297 = arith.constant 9 : i32
      %dma_start3A_298 = arith.constant 1152 : i32
      %dma_start3A_299 = arith.constant 0 : i32
      %dma_start3A_300 = tpu.memref_slice %arg15[%dma_start3A_298, %dma_start3A_299] : memref<1280x16xf32, #tpu.memory_space<vmem>> -> memref<128x16xf32, #tpu.memory_space<vmem>>
      %dma_start3A_301 = arith.constant 0 : i32
      %dma_start3A_302 = tpu.memref_slice %arg13[%dma_start3A_297, %dma_start3A_301] : memref<10x128xi32, #tpu.memory_space<vmem>> -> memref<1x128xi32, #tpu.memory_space<vmem>>
      %dma_start3A_303 = tpu.memref_squeeze %dma_start3A_302 : memref<1x128xi32, #tpu.memory_space<vmem>> -> memref<128xi32, #tpu.memory_space<vmem>>
      %dma_start3A_304 = arith.constant 0 : i32
      %dma_start3A_305 = arith.constant 0 : i32
      %dma_start3A_306 = tpu.memref_slice %arg10[%dma_start3A_304, %dma_start3A_305] : memref<20000x16xf32, #tpu.memory_space<vmem_shared>> -> memref<20000x16xf32, #tpu.memory_space<vmem_shared>>
      tpu.enqueue_indirect_dma source(%dma_start3A_306 : memref<20000x16xf32, #tpu.memory_space<vmem_shared>>) target(%dma_start3A_300 : memref<128x16xf32, #tpu.memory_space<vmem>>) offsets(%dma_start3A_303 : memref<128xi32, #tpu.memory_space<vmem>>) semaphore(%arg23 : memref<!tpu.dma_semaphore, #tpu.memory_space<semaphore_mem>>)
      %scan3A_307 = arith.constant 0 : i32
      %scan3A_308 = arith.constant 0 : i32
      %scan3A_309 = arith.constant 16 : i32
      %scan3A_310 = arith.addi %scan3A_308, %scan3A_309 : i32
      %scan3A_311 = arith.constant 1 : i32
      scf.for %scan3A_374 = %scan3A_308 to %scan3A_310 step %scan3A_311  : i32 {
        %mul3A_375 = arith.constant 5 : i32
        %mul3A_376 = arith.muli %mul3A_375, %scan3A_374 : i32
        %add3A_377 = arith.constant 0 : i32
        %add3A_378 = arith.addi %mul3A_376, %add3A_377 : i32
        %get3A = arith.constant 0 : i32
        %get3A_379 = arith.index_cast %get3A : i32 to index
        %get3A_380 = arith.constant 0 : index
        %get3A_381 = tpu.vector_load %arg11[%get3A_379, %get3A_380] {strides = array<i32>} : memref<5x32xi32, #tpu.memory_space<vmem>>, vector<16xi32>,
        %get3A_382 = arith.constant 0 : i32
        %get3A_383 = arith.index_cast %get3A_382 : i32 to index
        %get3A_384 = arith.constant 16 : index
        %get3A_385 = tpu.vector_load %arg11[%get3A_383, %get3A_384] {strides = array<i32>} : memref<5x32xi32, #tpu.memory_space<vmem>>, vector<16xi32>,
        %mul3A_386 = arith.constant 2 : i32
        %mul3A_387 = arith.muli %mul3A_386, %scan3A_374 : i32
        %add3A_388 = vector.broadcast %mul3A_387 : i32 to vector<16xi32>
        %add3A_389 = arith.addi %get3A_385, %add3A_388 : vector<16xi32>
        %shift_right_logical3A = arith.constant 3 : i32
        %shift_right_logical3A_390 = arith.shrui %add3A_378, %shift_right_logical3A : i32
        %and3A = arith.constant 7 : i32
        %and3A_391 = arith.andi %add3A_378, %and3A : i32
        %mul3A_392 = arith.constant 16 : i32
        %mul3A_393 = arith.muli %mul3A_392, %and3A_391 : i32
        %get3A_394 = arith.index_cast %shift_right_logical3A_390 : i32 to index
        %get3A_395 = arith.index_cast %mul3A_393 : i32 to index
        %get3A_396 = tpu.vector_load %arg13[%get3A_394, %get3A_395] {strides = array<i32>} : memref<10x128xi32, #tpu.memory_space<vmem>>, vector<16xi32>,
        %gather3A = tpu.vector_load_idx %arg9[%get3A_396] : memref<20000xf32, #tpu.memory_space<vmem>>[vector<16xi32>], vector<16xf32>,
        %get3A_397 = arith.index_cast %shift_right_logical3A_390 : i32 to index
        %get3A_398 = arith.index_cast %mul3A_393 : i32 to index
        %get3A_399 = tpu.vector_load %arg17[%get3A_397, %get3A_398] {strides = array<i32>} : memref<10x128xf32, #tpu.memory_space<vmem>>, vector<16xf32>,
        %mul3A_400 = arith.mulf %gather3A, %get3A_399 : vector<16xf32>
        tpu.vector_store_idx %arg19[%add3A_389, %get3A_381], %mul3A_400 : memref<32x128xf32, #tpu.memory_space<vmem>>[vector<16xi32>, vector<16xi32>], vector<16xf32>,
        %mul3A_401 = arith.constant 5 : i32
        %mul3A_402 = arith.muli %mul3A_401, %scan3A_374 : i32
        %add3A_403 = arith.constant 1 : i32
        %add3A_404 = arith.addi %mul3A_402, %add3A_403 : i32
        %get3A_405 = arith.constant 1 : i32
        %get3A_406 = arith.index_cast %get3A_405 : i32 to index
        %get3A_407 = arith.constant 0 : index
        %get3A_408 = tpu.vector_load %arg11[%get3A_406, %get3A_407] {strides = array<i32>} : memref<5x32xi32, #tpu.memory_space<vmem>>, vector<16xi32>,
        %get3A_409 = arith.constant 1 : i32
        %get3A_410 = arith.index_cast %get3A_409 : i32 to index
        %get3A_411 = arith.constant 16 : index
        %get3A_412 = tpu.vector_load %arg11[%get3A_410, %get3A_411] {strides = array<i32>} : memref<5x32xi32, #tpu.memory_space<vmem>>, vector<16xi32>,
        %mul3A_413 = arith.constant 2 : i32
        %mul3A_414 = arith.muli %mul3A_413, %scan3A_374 : i32
        %add3A_415 = vector.broadcast %mul3A_414 : i32 to vector<16xi32>
        %add3A_416 = arith.addi %get3A_412, %add3A_415 : vector<16xi32>
        %shift_right_logical3A_417 = arith.constant 3 : i32
        %shift_right_logical3A_418 = arith.shrui %add3A_404, %shift_right_logical3A_417 : i32
        %and3A_419 = arith.constant 7 : i32
        %and3A_420 = arith.andi %add3A_404, %and3A_419 : i32
        %mul3A_421 = arith.constant 16 : i32
        %mul3A_422 = arith.muli %mul3A_421, %and3A_420 : i32
        %get3A_423 = arith.index_cast %shift_right_logical3A_418 : i32 to index
        %get3A_424 = arith.index_cast %mul3A_422 : i32 to index
        %get3A_425 = tpu.vector_load %arg13[%get3A_423, %get3A_424] {strides = array<i32>} : memref<10x128xi32, #tpu.memory_space<vmem>>, vector<16xi32>,
        %gather3A_426 = tpu.vector_load_idx %arg9[%get3A_425] : memref<20000xf32, #tpu.memory_space<vmem>>[vector<16xi32>], vector<16xf32>,
        %get3A_427 = arith.index_cast %shift_right_logical3A_418 : i32 to index
        %get3A_428 = arith.index_cast %mul3A_422 : i32 to index
        %get3A_429 = tpu.vector_load %arg17[%get3A_427, %get3A_428] {strides = array<i32>} : memref<10x128xf32, #tpu.memory_space<vmem>>, vector<16xf32>,
        %mul3A_430 = arith.mulf %gather3A_426, %get3A_429 : vector<16xf32>
        tpu.vector_store_idx %arg19[%add3A_416, %get3A_408], %mul3A_430 : memref<32x128xf32, #tpu.memory_space<vmem>>[vector<16xi32>, vector<16xi32>], vector<16xf32>,
        %mul3A_431 = arith.constant 5 : i32
        %mul3A_432 = arith.muli %mul3A_431, %scan3A_374 : i32
        %add3A_433 = arith.constant 2 : i32
        %add3A_434 = arith.addi %mul3A_432, %add3A_433 : i32
        %get3A_435 = arith.constant 2 : i32
        %get3A_436 = arith.index_cast %get3A_435 : i32 to index
        %get3A_437 = arith.constant 0 : index
        %get3A_438 = tpu.vector_load %arg11[%get3A_436, %get3A_437] {strides = array<i32>} : memref<5x32xi32, #tpu.memory_space<vmem>>, vector<16xi32>,
        %get3A_439 = arith.constant 2 : i32
        %get3A_440 = arith.index_cast %get3A_439 : i32 to index
        %get3A_441 = arith.constant 16 : index
        %get3A_442 = tpu.vector_load %arg11[%get3A_440, %get3A_441] {strides = array<i32>} : memref<5x32xi32, #tpu.memory_space<vmem>>, vector<16xi32>,
        %mul3A_443 = arith.constant 2 : i32
        %mul3A_444 = arith.muli %mul3A_443, %scan3A_374 : i32
        %add3A_445 = vector.broadcast %mul3A_444 : i32 to vector<16xi32>
        %add3A_446 = arith.addi %get3A_442, %add3A_445 : vector<16xi32>
        %shift_right_logical3A_447 = arith.constant 3 : i32
        %shift_right_logical3A_448 = arith.shrui %add3A_434, %shift_right_logical3A_447 : i32
        %and3A_449 = arith.constant 7 : i32
        %and3A_450 = arith.andi %add3A_434, %and3A_449 : i32
        %mul3A_451 = arith.constant 16 : i32
        %mul3A_452 = arith.muli %mul3A_451, %and3A_450 : i32
        %get3A_453 = arith.index_cast %shift_right_logical3A_448 : i32 to index
        %get3A_454 = arith.index_cast %mul3A_452 : i32 to index
        %get3A_455 = tpu.vector_load %arg13[%get3A_453, %get3A_454] {strides = array<i32>} : memref<10x128xi32, #tpu.memory_space<vmem>>, vector<16xi32>,
        %gather3A_456 = tpu.vector_load_idx %arg9[%get3A_455] : memref<20000xf32, #tpu.memory_space<vmem>>[vector<16xi32>], vector<16xf32>,
        %get3A_457 = arith.index_cast %shift_right_logical3A_448 : i32 to index
        %get3A_458 = arith.index_cast %mul3A_452 : i32 to index
        %get3A_459 = tpu.vector_load %arg17[%get3A_457, %get3A_458] {strides = array<i32>} : memref<10x128xf32, #tpu.memory_space<vmem>>, vector<16xf32>,
        %mul3A_460 = arith.mulf %gather3A_456, %get3A_459 : vector<16xf32>
        tpu.vector_store_idx %arg19[%add3A_446, %get3A_438], %mul3A_460 : memref<32x128xf32, #tpu.memory_space<vmem>>[vector<16xi32>, vector<16xi32>], vector<16xf32>,
        %mul3A_461 = arith.constant 5 : i32
        %mul3A_462 = arith.muli %mul3A_461, %scan3A_374 : i32
        %add3A_463 = arith.constant 3 : i32
        %add3A_464 = arith.addi %mul3A_462, %add3A_463 : i32
        %get3A_465 = arith.constant 3 : i32
        %get3A_466 = arith.index_cast %get3A_465 : i32 to index
        %get3A_467 = arith.constant 0 : index
        %get3A_468 = tpu.vector_load %arg11[%get3A_466, %get3A_467] {strides = array<i32>} : memref<5x32xi32, #tpu.memory_space<vmem>>, vector<16xi32>,
        %get3A_469 = arith.constant 3 : i32
        %get3A_470 = arith.index_cast %get3A_469 : i32 to index
        %get3A_471 = arith.constant 16 : index
        %get3A_472 = tpu.vector_load %arg11[%get3A_470, %get3A_471] {strides = array<i32>} : memref<5x32xi32, #tpu.memory_space<vmem>>, vector<16xi32>,
        %mul3A_473 = arith.constant 2 : i32
        %mul3A_474 = arith.muli %mul3A_473, %scan3A_374 : i32
        %add3A_475 = vector.broadcast %mul3A_474 : i32 to vector<16xi32>
        %add3A_476 = arith.addi %get3A_472, %add3A_475 : vector<16xi32>
        %shift_right_logical3A_477 = arith.constant 3 : i32
        %shift_right_logical3A_478 = arith.shrui %add3A_464, %shift_right_logical3A_477 : i32
        %and3A_479 = arith.constant 7 : i32
        %and3A_480 = arith.andi %add3A_464, %and3A_479 : i32
        %mul3A_481 = arith.constant 16 : i32
        %mul3A_482 = arith.muli %mul3A_481, %and3A_480 : i32
        %get3A_483 = arith.index_cast %shift_right_logical3A_478 : i32 to index
        %get3A_484 = arith.index_cast %mul3A_482 : i32 to index
        %get3A_485 = tpu.vector_load %arg13[%get3A_483, %get3A_484] {strides = array<i32>} : memref<10x128xi32, #tpu.memory_space<vmem>>, vector<16xi32>,
        %gather3A_486 = tpu.vector_load_idx %arg9[%get3A_485] : memref<20000xf32, #tpu.memory_space<vmem>>[vector<16xi32>], vector<16xf32>,
        %get3A_487 = arith.index_cast %shift_right_logical3A_478 : i32 to index
        %get3A_488 = arith.index_cast %mul3A_482 : i32 to index
        %get3A_489 = tpu.vector_load %arg17[%get3A_487, %get3A_488] {strides = array<i32>} : memref<10x128xf32, #tpu.memory_space<vmem>>, vector<16xf32>,
        %mul3A_490 = arith.mulf %gather3A_486, %get3A_489 : vector<16xf32>
        tpu.vector_store_idx %arg19[%add3A_476, %get3A_468], %mul3A_490 : memref<32x128xf32, #tpu.memory_space<vmem>>[vector<16xi32>, vector<16xi32>], vector<16xf32>,
        %mul3A_491 = arith.constant 5 : i32
        %mul3A_492 = arith.muli %mul3A_491, %scan3A_374 : i32
        %add3A_493 = arith.constant 4 : i32
        %add3A_494 = arith.addi %mul3A_492, %add3A_493 : i32
        %get3A_495 = arith.constant 4 : i32
        %get3A_496 = arith.index_cast %get3A_495 : i32 to index
        %get3A_497 = arith.constant 0 : index
        %get3A_498 = tpu.vector_load %arg11[%get3A_496, %get3A_497] {strides = array<i32>} : memref<5x32xi32, #tpu.memory_space<vmem>>, vector<16xi32>,
        %get3A_499 = arith.constant 4 : i32
        %get3A_500 = arith.index_cast %get3A_499 : i32 to index
        %get3A_501 = arith.constant 16 : index
        %get3A_502 = tpu.vector_load %arg11[%get3A_500, %get3A_501] {strides = array<i32>} : memref<5x32xi32, #tpu.memory_space<vmem>>, vector<16xi32>,
        %mul3A_503 = arith.constant 2 : i32
        %mul3A_504 = arith.muli %mul3A_503, %scan3A_374 : i32
        %add3A_505 = vector.broadcast %mul3A_504 : i32 to vector<16xi32>
        %add3A_506 = arith.addi %get3A_502, %add3A_505 : vector<16xi32>
        %shift_right_logical3A_507 = arith.constant 3 : i32
        %shift_right_logical3A_508 = arith.shrui %add3A_494, %shift_right_logical3A_507 : i32
        %and3A_509 = arith.constant 7 : i32
        %and3A_510 = arith.andi %add3A_494, %and3A_509 : i32
        %mul3A_511 = arith.constant 16 : i32
        %mul3A_512 = arith.muli %mul3A_511, %and3A_510 : i32
        %get3A_513 = arith.index_cast %shift_right_logical3A_508 : i32 to index
        %get3A_514 = arith.index_cast %mul3A_512 : i32 to index
        %get3A_515 = tpu.vector_load %arg13[%get3A_513, %get3A_514] {strides = array<i32>} : memref<10x128xi32, #tpu.memory_space<vmem>>, vector<16xi32>,
        %gather3A_516 = tpu.vector_load_idx %arg9[%get3A_515] : memref<20000xf32, #tpu.memory_space<vmem>>[vector<16xi32>], vector<16xf32>,
        %get3A_517 = arith.index_cast %shift_right_logical3A_508 : i32 to index
        %get3A_518 = arith.index_cast %mul3A_512 : i32 to index
        %get3A_519 = tpu.vector_load %arg17[%get3A_517, %get3A_518] {strides = array<i32>} : memref<10x128xf32, #tpu.memory_space<vmem>>, vector<16xf32>,
        %mul3A_520 = arith.mulf %gather3A_516, %get3A_519 : vector<16xf32>
        tpu.vector_store_idx %arg19[%add3A_506, %get3A_498], %mul3A_520 : memref<32x128xf32, #tpu.memory_space<vmem>>[vector<16xi32>, vector<16xi32>], vector<16xf32>,
      }
      %scan3A_312 = arith.constant 16 : i32
      %mul3A_313 = arith.constant 2 : i32
      %mul3A_314 = arith.muli %mul3A_313, %scan3A_67 : i32
      %add3A_315 = arith.constant 0 : i32
      %add3A_316 = arith.addi %mul3A_314, %add3A_315 : i32
      %dma_wait3A_317 = arith.constant 0 : i32
      %dma_wait3A_318 = arith.constant 0 : i32
      %dma_wait3A_319 = tpu.memref_slice %arg10[%dma_wait3A_317, %dma_wait3A_318] : memref<20000x16xf32, #tpu.memory_space<vmem_shared>> -> memref<1280x16xf32, #tpu.memory_space<vmem_shared>>
      %dma_wait3A_320 = arith.constant 0 : i32
      %dma_wait3A_321 = arith.constant 0 : i32
      %dma_wait3A_322 = tpu.memref_slice %arg10[%dma_wait3A_320, %dma_wait3A_321] : memref<20000x16xf32, #tpu.memory_space<vmem_shared>> -> memref<1280x16xf32, #tpu.memory_space<vmem_shared>>
      tpu.wait_dma2 semaphore(%arg22 : memref<!tpu.dma_semaphore, #tpu.memory_space<semaphore_mem>>) src(%dma_wait3A_322 : memref<1280x16xf32, #tpu.memory_space<vmem_shared>>) dst(%arg14 : memref<1280x16xf32, #tpu.memory_space<vmem>>)
      %mul3A_323 = arith.constant 10 : i32
      %mul3A_324 = arith.muli %add3A_316, %mul3A_323 : i32
      %add3A_325 = arith.addi %mul3A_2, %mul3A_324 : i32
      %mul3A_326 = arith.constant 128 : i32
      %mul3A_327 = arith.muli %add3A_325, %mul3A_326 : i32
      %dma_start3A_328 = arith.constant 0 : i32
      %dma_start3A_329 = tpu.memref_slice %arg7[%mul3A_327, %dma_start3A_328] : memref<327680x16xf32, #tpu.memory_space<hbm>> -> memref<1280x16xf32, #tpu.memory_space<hbm>>
      %dma_start3A_330 = arith.constant 0 : i32
      %dma_start3A_331 = tpu.memref_slice %arg7[%mul3A_327, %dma_start3A_330] : memref<327680x16xf32, #tpu.memory_space<hbm>> -> memref<1280x16xf32, #tpu.memory_space<hbm>>
      tpu.enqueue_dma source(%arg14 : memref<1280x16xf32, #tpu.memory_space<vmem>>) target(%dma_start3A_331 : memref<1280x16xf32, #tpu.memory_space<hbm>>) target_semaphore(%arg24 : memref<!tpu.dma_semaphore, #tpu.memory_space<semaphore_mem>>)
      %mul3A_332 = arith.constant 32 : i32
      %mul3A_333 = arith.muli %add3A_316, %mul3A_332 : i32
      %add3A_334 = arith.addi %mul3A_4, %mul3A_333 : i32
      %dma_start3A_335 = arith.constant 0 : i32
      %dma_start3A_336 = tpu.memref_slice %arg8[%add3A_334, %dma_start3A_335] : memref<8192x128xf32, #tpu.memory_space<hbm>> -> memref<32x128xf32, #tpu.memory_space<hbm>>
      %dma_start3A_337 = arith.constant 0 : i32
      %dma_start3A_338 = tpu.memref_slice %arg8[%add3A_334, %dma_start3A_337] : memref<8192x128xf32, #tpu.memory_space<hbm>> -> memref<32x128xf32, #tpu.memory_space<hbm>>
      tpu.enqueue_dma source(%arg18 : memref<32x128xf32, #tpu.memory_space<vmem>>) target(%dma_start3A_338 : memref<32x128xf32, #tpu.memory_space<hbm>>) target_semaphore(%arg24 : memref<!tpu.dma_semaphore, #tpu.memory_space<semaphore_mem>>)
      %lt3A = arith.constant 3 : i32
      %lt3A_339 = arith.cmpi slt, %scan3A_67, %lt3A : i32
      %convert_element_type3A_340 = arith.extui %lt3A_339 : i1 to i32
      %cond3A_341 = arith.constant 0 : i32
      %cond3A_342 = arith.cmpi ne, %convert_element_type3A_340, %cond3A_341 : i32
      scf.if %cond3A_342 {
        %add3A_374 = arith.constant 2 : i32
        %add3A_375 = arith.addi %add3A_316, %add3A_374 : i32
        %mul3A_376 = arith.constant 10 : i32
        %mul3A_377 = arith.muli %add3A_375, %mul3A_376 : i32
        %add3A_378 = arith.addi %mul3A_2, %mul3A_377 : i32
        %dma_start3A_379 = arith.constant 0 : i32
        %dma_start3A_380 = tpu.memref_slice %arg2[%add3A_378, %dma_start3A_379] : memref<2560x128xi32, #tpu.memory_space<hbm>> -> memref<10x128xi32, #tpu.memory_space<hbm>>
        %dma_start3A_381 = arith.constant 0 : i32
        %dma_start3A_382 = tpu.memref_slice %arg2[%add3A_378, %dma_start3A_381] : memref<2560x128xi32, #tpu.memory_space<hbm>> -> memref<10x128xi32, #tpu.memory_space<hbm>>
        tpu.enqueue_dma source(%dma_start3A_382 : memref<10x128xi32, #tpu.memory_space<hbm>>) target(%arg12 : memref<10x128xi32, #tpu.memory_space<vmem>>) target_semaphore(%arg20 : memref<!tpu.dma_semaphore, #tpu.memory_space<semaphore_mem>>)
        %dma_start3A_383 = arith.constant 0 : i32
        %dma_start3A_384 = tpu.memref_slice %arg5[%add3A_378, %dma_start3A_383] : memref<2560x128xf32, #tpu.memory_space<hbm>> -> memref<10x128xf32, #tpu.memory_space<hbm>>
        %dma_start3A_385 = arith.constant 0 : i32
        %dma_start3A_386 = tpu.memref_slice %arg5[%add3A_378, %dma_start3A_385] : memref<2560x128xf32, #tpu.memory_space<hbm>> -> memref<10x128xf32, #tpu.memory_space<hbm>>
        tpu.enqueue_dma source(%dma_start3A_386 : memref<10x128xf32, #tpu.memory_space<hbm>>) target(%arg16 : memref<10x128xf32, #tpu.memory_space<vmem>>) target_semaphore(%arg20 : memref<!tpu.dma_semaphore, #tpu.memory_space<semaphore_mem>>)
      } else {
      }
      %mul3A_343 = arith.constant 2 : i32
      %mul3A_344 = arith.muli %mul3A_343, %scan3A_67 : i32
      %add3A_345 = arith.constant 1 : i32
      %add3A_346 = arith.addi %mul3A_344, %add3A_345 : i32
      %dma_wait3A_347 = arith.constant 0 : i32
      %dma_wait3A_348 = arith.constant 0 : i32
      %dma_wait3A_349 = tpu.memref_slice %arg10[%dma_wait3A_347, %dma_wait3A_348] : memref<20000x16xf32, #tpu.memory_space<vmem_shared>> -> memref<1280x16xf32, #tpu.memory_space<vmem_shared>>
      %dma_wait3A_350 = arith.constant 0 : i32
      %dma_wait3A_351 = arith.constant 0 : i32
      %dma_wait3A_352 = tpu.memref_slice %arg10[%dma_wait3A_350, %dma_wait3A_351] : memref<20000x16xf32, #tpu.memory_space<vmem_shared>> -> memref<1280x16xf32, #tpu.memory_space<vmem_shared>>
      tpu.wait_dma2 semaphore(%arg23 : memref<!tpu.dma_semaphore, #tpu.memory_space<semaphore_mem>>) src(%dma_wait3A_352 : memref<1280x16xf32, #tpu.memory_space<vmem_shared>>) dst(%arg15 : memref<1280x16xf32, #tpu.memory_space<vmem>>)
      %mul3A_353 = arith.constant 10 : i32
      %mul3A_354 = arith.muli %add3A_346, %mul3A_353 : i32
      %add3A_355 = arith.addi %mul3A_2, %mul3A_354 : i32
      %mul3A_356 = arith.constant 128 : i32
      %mul3A_357 = arith.muli %add3A_355, %mul3A_356 : i32
      %dma_start3A_358 = arith.constant 0 : i32
      %dma_start3A_359 = tpu.memref_slice %arg7[%mul3A_357, %dma_start3A_358] : memref<327680x16xf32, #tpu.memory_space<hbm>> -> memref<1280x16xf32, #tpu.memory_space<hbm>>
      %dma_start3A_360 = arith.constant 0 : i32
      %dma_start3A_361 = tpu.memref_slice %arg7[%mul3A_357, %dma_start3A_360] : memref<327680x16xf32, #tpu.memory_space<hbm>> -> memref<1280x16xf32, #tpu.memory_space<hbm>>
      tpu.enqueue_dma source(%arg15 : memref<1280x16xf32, #tpu.memory_space<vmem>>) target(%dma_start3A_361 : memref<1280x16xf32, #tpu.memory_space<hbm>>) target_semaphore(%arg25 : memref<!tpu.dma_semaphore, #tpu.memory_space<semaphore_mem>>)
      %mul3A_362 = arith.constant 32 : i32
      %mul3A_363 = arith.muli %add3A_346, %mul3A_362 : i32
      %add3A_364 = arith.addi %mul3A_4, %mul3A_363 : i32
      %dma_start3A_365 = arith.constant 0 : i32
      %dma_start3A_366 = tpu.memref_slice %arg8[%add3A_364, %dma_start3A_365] : memref<8192x128xf32, #tpu.memory_space<hbm>> -> memref<32x128xf32, #tpu.memory_space<hbm>>
      %dma_start3A_367 = arith.constant 0 : i32
      %dma_start3A_368 = tpu.memref_slice %arg8[%add3A_364, %dma_start3A_367] : memref<8192x128xf32, #tpu.memory_space<hbm>> -> memref<32x128xf32, #tpu.memory_space<hbm>>
      tpu.enqueue_dma source(%arg19 : memref<32x128xf32, #tpu.memory_space<vmem>>) target(%dma_start3A_368 : memref<32x128xf32, #tpu.memory_space<hbm>>) target_semaphore(%arg25 : memref<!tpu.dma_semaphore, #tpu.memory_space<semaphore_mem>>)
      %lt3A_369 = arith.constant 3 : i32
      %lt3A_370 = arith.cmpi slt, %scan3A_67, %lt3A_369 : i32
      %convert_element_type3A_371 = arith.extui %lt3A_370 : i1 to i32
      %cond3A_372 = arith.constant 0 : i32
      %cond3A_373 = arith.cmpi ne, %convert_element_type3A_371, %cond3A_372 : i32
      scf.if %cond3A_373 {
        %add3A_374 = arith.constant 2 : i32
        %add3A_375 = arith.addi %add3A_346, %add3A_374 : i32
        %mul3A_376 = arith.constant 10 : i32
        %mul3A_377 = arith.muli %add3A_375, %mul3A_376 : i32
        %add3A_378 = arith.addi %mul3A_2, %mul3A_377 : i32
        %dma_start3A_379 = arith.constant 0 : i32
        %dma_start3A_380 = tpu.memref_slice %arg2[%add3A_378, %dma_start3A_379] : memref<2560x128xi32, #tpu.memory_space<hbm>> -> memref<10x128xi32, #tpu.memory_space<hbm>>
        %dma_start3A_381 = arith.constant 0 : i32
        %dma_start3A_382 = tpu.memref_slice %arg2[%add3A_378, %dma_start3A_381] : memref<2560x128xi32, #tpu.memory_space<hbm>> -> memref<10x128xi32, #tpu.memory_space<hbm>>
        tpu.enqueue_dma source(%dma_start3A_382 : memref<10x128xi32, #tpu.memory_space<hbm>>) target(%arg13 : memref<10x128xi32, #tpu.memory_space<vmem>>) target_semaphore(%arg21 : memref<!tpu.dma_semaphore, #tpu.memory_space<semaphore_mem>>)
        %dma_start3A_383 = arith.constant 0 : i32
        %dma_start3A_384 = tpu.memref_slice %arg5[%add3A_378, %dma_start3A_383] : memref<2560x128xf32, #tpu.memory_space<hbm>> -> memref<10x128xf32, #tpu.memory_space<hbm>>
        %dma_start3A_385 = arith.constant 0 : i32
        %dma_start3A_386 = tpu.memref_slice %arg5[%add3A_378, %dma_start3A_385] : memref<2560x128xf32, #tpu.memory_space<hbm>> -> memref<10x128xf32, #tpu.memory_space<hbm>>
        tpu.enqueue_dma source(%dma_start3A_386 : memref<10x128xf32, #tpu.memory_space<hbm>>) target(%arg17 : memref<10x128xf32, #tpu.memory_space<vmem>>) target_semaphore(%arg21 : memref<!tpu.dma_semaphore, #tpu.memory_space<semaphore_mem>>)
      } else {
      }
    }
    %scan3A_43 = arith.constant 4 : i32
    %dma_wait3A = arith.constant 0 : i32
    %dma_wait3A_44 = arith.constant 0 : i32
    %dma_wait3A_45 = tpu.memref_slice %arg7[%dma_wait3A, %dma_wait3A_44] : memref<327680x16xf32, #tpu.memory_space<hbm>> -> memref<1280x16xf32, #tpu.memory_space<hbm>>
    %dma_wait3A_46 = arith.constant 0 : i32
    %dma_wait3A_47 = arith.constant 0 : i32
    %dma_wait3A_48 = tpu.memref_slice %arg7[%dma_wait3A_46, %dma_wait3A_47] : memref<327680x16xf32, #tpu.memory_space<hbm>> -> memref<1280x16xf32, #tpu.memory_space<hbm>>
    tpu.wait_dma2 semaphore(%arg24 : memref<!tpu.dma_semaphore, #tpu.memory_space<semaphore_mem>>) src(%arg14 : memref<1280x16xf32, #tpu.memory_space<vmem>>) dst(%dma_wait3A_48 : memref<1280x16xf32, #tpu.memory_space<hbm>>)
    %dma_wait3A_49 = arith.constant 0 : i32
    %dma_wait3A_50 = arith.constant 0 : i32
    %dma_wait3A_51 = tpu.memref_slice %arg8[%dma_wait3A_49, %dma_wait3A_50] : memref<8192x128xf32, #tpu.memory_space<hbm>> -> memref<32x128xf32, #tpu.memory_space<hbm>>
    %dma_wait3A_52 = arith.constant 0 : i32
    %dma_wait3A_53 = arith.constant 0 : i32
    %dma_wait3A_54 = tpu.memref_slice %arg8[%dma_wait3A_52, %dma_wait3A_53] : memref<8192x128xf32, #tpu.memory_space<hbm>> -> memref<32x128xf32, #tpu.memory_space<hbm>>
    tpu.wait_dma2 semaphore(%arg24 : memref<!tpu.dma_semaphore, #tpu.memory_space<semaphore_mem>>) src(%arg18 : memref<32x128xf32, #tpu.memory_space<vmem>>) dst(%dma_wait3A_54 : memref<32x128xf32, #tpu.memory_space<hbm>>)
    %dma_wait3A_55 = arith.constant 0 : i32
    %dma_wait3A_56 = arith.constant 0 : i32
    %dma_wait3A_57 = tpu.memref_slice %arg7[%dma_wait3A_55, %dma_wait3A_56] : memref<327680x16xf32, #tpu.memory_space<hbm>> -> memref<1280x16xf32, #tpu.memory_space<hbm>>
    %dma_wait3A_58 = arith.constant 0 : i32
    %dma_wait3A_59 = arith.constant 0 : i32
    %dma_wait3A_60 = tpu.memref_slice %arg7[%dma_wait3A_58, %dma_wait3A_59] : memref<327680x16xf32, #tpu.memory_space<hbm>> -> memref<1280x16xf32, #tpu.memory_space<hbm>>
    tpu.wait_dma2 semaphore(%arg25 : memref<!tpu.dma_semaphore, #tpu.memory_space<semaphore_mem>>) src(%arg15 : memref<1280x16xf32, #tpu.memory_space<vmem>>) dst(%dma_wait3A_60 : memref<1280x16xf32, #tpu.memory_space<hbm>>)
    %dma_wait3A_61 = arith.constant 0 : i32
    %dma_wait3A_62 = arith.constant 0 : i32
    %dma_wait3A_63 = tpu.memref_slice %arg8[%dma_wait3A_61, %dma_wait3A_62] : memref<8192x128xf32, #tpu.memory_space<hbm>> -> memref<32x128xf32, #tpu.memory_space<hbm>>
    %dma_wait3A_64 = arith.constant 0 : i32
    %dma_wait3A_65 = arith.constant 0 : i32
    %dma_wait3A_66 = tpu.memref_slice %arg8[%dma_wait3A_64, %dma_wait3A_65] : memref<8192x128xf32, #tpu.memory_space<hbm>> -> memref<32x128xf32, #tpu.memory_space<hbm>>
    tpu.wait_dma2 semaphore(%arg25 : memref<!tpu.dma_semaphore, #tpu.memory_space<semaphore_mem>>) src(%arg19 : memref<32x128xf32, #tpu.memory_space<vmem>>) dst(%dma_wait3A_66 : memref<32x128xf32, #tpu.memory_space<hbm>>)
    return
  }
}

#map = affine_map<(d0, d1) -> (0, 0)>
#map1 = affine_map<(d0, d1) -> (0)>
module attributes {stable_mosaic.version = 14 : i64} {
  func.func @_sc_body(%arg0: i32, %arg1: i32, %arg2: memref<2560x128xi32, #tpu.memory_space<hbm>>, %arg3: memref<20000x16xf32, #tpu.memory_space<hbm>>, %arg4: memref<20000xf32, #tpu.memory_space<hbm>>, %arg5: memref<2560x128xf32, #tpu.memory_space<hbm>>, %arg6: memref<5x32xi32, #tpu.memory_space<hbm>>, %arg7: memref<327680x16xf32, #tpu.memory_space<hbm>>, %arg8: memref<8192x128xf32, #tpu.memory_space<hbm>>, %arg9: memref<20000xf32, #tpu.memory_space<vmem>>, %arg10: memref<20000x16xf32, #tpu.memory_space<vmem_shared>>, %arg11: memref<5x32xi32, #tpu.memory_space<vmem>>, %arg12: memref<10x128xi32, #tpu.memory_space<vmem>>, %arg13: memref<10x128xi32, #tpu.memory_space<vmem>>, %arg14: memref<1280x16xf32, #tpu.memory_space<vmem>>, %arg15: memref<1280x16xf32, #tpu.memory_space<vmem>>, %arg16: memref<10x128xf32, #tpu.memory_space<vmem>>, %arg17: memref<10x128xf32, #tpu.memory_space<vmem>>, %arg18: memref<32x128xf32, #tpu.memory_space<vmem>>, %arg19: memref<32x128xf32, #tpu.memory_space<vmem>>, %arg20: memref<!tpu.dma_semaphore, #tpu.memory_space<semaphore_mem>>, %arg21: memref<!tpu.dma_semaphore, #tpu.memory_space<semaphore_mem>>, %arg22: memref<!tpu.dma_semaphore, #tpu.memory_space<semaphore_mem>>, %arg23: memref<!tpu.dma_semaphore, #tpu.memory_space<semaphore_mem>>, %arg24: memref<!tpu.dma_semaphore, #tpu.memory_space<semaphore_mem>>, %arg25: memref<!tpu.dma_semaphore, #tpu.memory_space<semaphore_mem>>) attributes {dimension_semantics = [#tpu.dimension_semantics<core_parallel>, #tpu.dimension_semantics<subcore_parallel>], iteration_bounds = array<i64: 2, 16>, scalar_prefetch = 0 : i64, scratch_operands = 17 : i64, tpu.core_type = #tpu.core_type<sc_vector_subcore>, window_params = [{transform_indices = #map}, {transform_indices = #map}, {transform_indices = #map1}, {transform_indices = #map}, {transform_indices = #map}, {transform_indices = #map}, {transform_indices = #map}]} {
    %mul3A = arith.constant 2 : i32
    %mul3A_0 = arith.muli %arg1, %mul3A : i32
    %add3A = arith.addi %mul3A_0, %arg0 : i32
    %mul3A_1 = arith.constant 80 : i32
    %mul3A_2 = arith.muli %add3A, %mul3A_1 : i32
    %mul3A_3 = arith.constant 256 : i32
    %mul3A_4 = arith.muli %add3A, %mul3A_3 : i32
    %eq3A = arith.constant 0 : i32
    %eq3A_5 = arith.cmpi eq, %arg1, %eq3A : i32
    %convert_element_type3A = arith.extui %eq3A_5 : i1 to i32
    %cond3A = arith.constant 0 : i32
    %cond3A_6 = arith.cmpi ne, %convert_element_type3A, %cond3A : i32
    scf.if %cond3A_6 {
      "tpu.region"() ({
        %run_scoped3A = tpu.sem_alloc : memref<!tpu.dma_semaphore, #tpu.memory_space<semaphore_mem>>
        tpu.enqueue_dma source(%arg3 : memref<20000x16xf32, #tpu.memory_space<hbm>>) target(%arg10 : memref<20000x16xf32, #tpu.memory_space<vmem_shared>>) target_semaphore(%run_scoped3A : memref<!tpu.dma_semaphore, #tpu.memory_space<semaphore_mem>>)
        tpu.wait_dma2 semaphore(%run_scoped3A : memref<!tpu.dma_semaphore, #tpu.memory_space<semaphore_mem>>) src(%arg3 : memref<20000x16xf32, #tpu.memory_space<hbm>>) dst(%arg10 : memref<20000x16xf32, #tpu.memory_space<vmem_shared>>)
        tpu.yield
      }) : () -> ()
    } else {
    }
    "tpu.region"() ({
      %run_scoped3A = tpu.sem_alloc : memref<!tpu.dma_semaphore, #tpu.memory_space<semaphore_mem>>
      tpu.enqueue_dma source(%arg6 : memref<5x32xi32, #tpu.memory_space<hbm>>) target(%arg11 : memref<5x32xi32, #tpu.memory_space<vmem>>) target_semaphore(%run_scoped3A : memref<!tpu.dma_semaphore, #tpu.memory_space<semaphore_mem>>)
      tpu.wait_dma2 semaphore(%run_scoped3A : memref<!tpu.dma_semaphore, #tpu.memory_space<semaphore_mem>>) src(%arg6 : memref<5x32xi32, #tpu.memory_space<hbm>>) dst(%arg11 : memref<5x32xi32, #tpu.memory_space<vmem>>)
      tpu.yield
    }) : () -> ()
    "tpu.region"() ({
      %run_scoped3A = tpu.sem_alloc : memref<!tpu.dma_semaphore, #tpu.memory_space<semaphore_mem>>
      tpu.enqueue_dma source(%arg4 : memref<20000xf32, #tpu.memory_space<hbm>>) target(%arg9 : memref<20000xf32, #tpu.memory_space<vmem>>) target_semaphore(%run_scoped3A : memref<!tpu.dma_semaphore, #tpu.memory_space<semaphore_mem>>)
      tpu.wait_dma2 semaphore(%run_scoped3A : memref<!tpu.dma_semaphore, #tpu.memory_space<semaphore_mem>>) src(%arg4 : memref<20000xf32, #tpu.memory_space<hbm>>) dst(%arg9 : memref<20000xf32, #tpu.memory_space<vmem>>)
      tpu.yield
    }) : () -> ()
    %barrier3A = arith.constant 0 : index
    tpu.barrier barrier_id(%barrier3A)
    %broadcast_in_dim3A = arith.constant 0.000000e+00 : f32
    %broadcast_in_dim3A_7 = vector.broadcast %broadcast_in_dim3A : f32 to vector<16xf32>
    %scan3A = arith.constant 0 : i32
    %scan3A_8 = arith.constant 0 : i32
    %scan3A_9 = arith.constant 32 : i32
    %scan3A_10 = arith.addi %scan3A_8, %scan3A_9 : i32
    %scan3A_11 = arith.constant 1 : i32
    scf.for %scan3A_67 = %scan3A_8 to %scan3A_10 step %scan3A_11  : i32 {
      %swap3A = arith.index_cast %scan3A_67 : i32 to index
      %swap3A_68 = arith.constant 0 : index
      %swap3A_69 = tpu.vector_load %arg18[%swap3A, %swap3A_68] {strides = array<i32>} : memref<32x128xf32, #tpu.memory_space<vmem>>, vector<16xf32>,
      tpu.vector_store %arg18[%swap3A, %swap3A_68], %broadcast_in_dim3A_7 {strides = array<i32>} : memref<32x128xf32, #tpu.memory_space<vmem>>, vector<16xf32>,
      %swap3A_70 = arith.index_cast %scan3A_67 : i32 to index
      %swap3A_71 = arith.constant 16 : index
      %swap3A_72 = tpu.vector_load %arg18[%swap3A_70, %swap3A_71] {strides = array<i32>} : memref<32x128xf32, #tpu.memory_space<vmem>>, vector<16xf32>,
      tpu.vector_store %arg18[%swap3A_70, %swap3A_71], %broadcast_in_dim3A_7 {strides = array<i32>} : memref<32x128xf32, #tpu.memory_space<vmem>>, vector<16xf32>,
      %swap3A_73 = arith.index_cast %scan3A_67 : i32 to index
      %swap3A_74 = arith.constant 32 : index
      %swap3A_75 = tpu.vector_load %arg18[%swap3A_73, %swap3A_74] {strides = array<i32>} : memref<32x128xf32, #tpu.memory_space<vmem>>, vector<16xf32>,
      tpu.vector_store %arg18[%swap3A_73, %swap3A_74], %broadcast_in_dim3A_7 {strides = array<i32>} : memref<32x128xf32, #tpu.memory_space<vmem>>, vector<16xf32>,
      %swap3A_76 = arith.index_cast %scan3A_67 : i32 to index
      %swap3A_77 = arith.constant 48 : index
      %swap3A_78 = tpu.vector_load %arg18[%swap3A_76, %swap3A_77] {strides = array<i32>} : memref<32x128xf32, #tpu.memory_space<vmem>>, vector<16xf32>,
      tpu.vector_store %arg18[%swap3A_76, %swap3A_77], %broadcast_in_dim3A_7 {strides = array<i32>} : memref<32x128xf32, #tpu.memory_space<vmem>>, vector<16xf32>,
      %swap3A_79 = arith.index_cast %scan3A_67 : i32 to index
      %swap3A_80 = arith.constant 64 : index
      %swap3A_81 = tpu.vector_load %arg18[%swap3A_79, %swap3A_80] {strides = array<i32>} : memref<32x128xf32, #tpu.memory_space<vmem>>, vector<16xf32>,
      tpu.vector_store %arg18[%swap3A_79, %swap3A_80], %broadcast_in_dim3A_7 {strides = array<i32>} : memref<32x128xf32, #tpu.memory_space<vmem>>, vector<16xf32>,
      %swap3A_82 = arith.index_cast %scan3A_67 : i32 to index
      %swap3A_83 = arith.constant 80 : index
      %swap3A_84 = tpu.vector_load %arg18[%swap3A_82, %swap3A_83] {strides = array<i32>} : memref<32x128xf32, #tpu.memory_space<vmem>>, vector<16xf32>,
      tpu.vector_store %arg18[%swap3A_82, %swap3A_83], %broadcast_in_dim3A_7 {strides = array<i32>} : memref<32x128xf32, #tpu.memory_space<vmem>>, vector<16xf32>,
      %swap3A_85 = arith.index_cast %scan3A_67 : i32 to index
      %swap3A_86 = arith.constant 96 : index
      %swap3A_87 = tpu.vector_load %arg18[%swap3A_85, %swap3A_86] {strides = array<i32>} : memref<32x128xf32, #tpu.memory_space<vmem>>, vector<16xf32>,
      tpu.vector_store %arg18[%swap3A_85, %swap3A_86], %broadcast_in_dim3A_7 {strides = array<i32>} : memref<32x128xf32, #tpu.memory_space<vmem>>, vector<16xf32>,
      %swap3A_88 = arith.index_cast %scan3A_67 : i32 to index
      %swap3A_89 = arith.constant 112 : index
      %swap3A_90 = tpu.vector_load %arg18[%swap3A_88, %swap3A_89] {strides = array<i32>} : memref<32x128xf32, #tpu.memory_space<vmem>>, vector<16xf32>,
      tpu.vector_store %arg18[%swap3A_88, %swap3A_89], %broadcast_in_dim3A_7 {strides = array<i32>} : memref<32x128xf32, #tpu.memory_space<vmem>>, vector<16xf32>,
    }
    %scan3A_12 = arith.constant 32 : i32
    %scan3A_13 = arith.constant 0 : i32
    %scan3A_14 = arith.constant 0 : i32
    %scan3A_15 = arith.constant 32 : i32
    %scan3A_16 = arith.addi %scan3A_14, %scan3A_15 : i32
    %scan3A_17 = arith.constant 1 : i32
    scf.for %scan3A_67 = %scan3A_14 to %scan3A_16 step %scan3A_17  : i32 {
      %swap3A = arith.index_cast %scan3A_67 : i32 to index
      %swap3A_68 = arith.constant 0 : index
      %swap3A_69 = tpu.vector_load %arg19[%swap3A, %swap3A_68] {strides = array<i32>} : memref<32x128xf32, #tpu.memory_space<vmem>>, vector<16xf32>,
      tpu.vector_store %arg19[%swap3A, %swap3A_68], %broadcast_in_dim3A_7 {strides = array<i32>} : memref<32x128xf32, #tpu.memory_space<vmem>>, vector<16xf32>,
      %swap3A_70 = arith.index_cast %scan3A_67 : i32 to index
      %swap3A_71 = arith.constant 16 : index
      %swap3A_72 = tpu.vector_load %arg19[%swap3A_70, %swap3A_71] {strides = array<i32>} : memref<32x128xf32, #tpu.memory_space<vmem>>, vector<16xf32>,
      tpu.vector_store %arg19[%swap3A_70, %swap3A_71], %broadcast_in_dim3A_7 {strides = array<i32>} : memref<32x128xf32, #tpu.memory_space<vmem>>, vector<16xf32>,
      %swap3A_73 = arith.index_cast %scan3A_67 : i32 to index
      %swap3A_74 = arith.constant 32 : index
      %swap3A_75 = tpu.vector_load %arg19[%swap3A_73, %swap3A_74] {strides = array<i32>} : memref<32x128xf32, #tpu.memory_space<vmem>>, vector<16xf32>,
      tpu.vector_store %arg19[%swap3A_73, %swap3A_74], %broadcast_in_dim3A_7 {strides = array<i32>} : memref<32x128xf32, #tpu.memory_space<vmem>>, vector<16xf32>,
      %swap3A_76 = arith.index_cast %scan3A_67 : i32 to index
      %swap3A_77 = arith.constant 48 : index
      %swap3A_78 = tpu.vector_load %arg19[%swap3A_76, %swap3A_77] {strides = array<i32>} : memref<32x128xf32, #tpu.memory_space<vmem>>, vector<16xf32>,
      tpu.vector_store %arg19[%swap3A_76, %swap3A_77], %broadcast_in_dim3A_7 {strides = array<i32>} : memref<32x128xf32, #tpu.memory_space<vmem>>, vector<16xf32>,
      %swap3A_79 = arith.index_cast %scan3A_67 : i32 to index
      %swap3A_80 = arith.constant 64 : index
      %swap3A_81 = tpu.vector_load %arg19[%swap3A_79, %swap3A_80] {strides = array<i32>} : memref<32x128xf32, #tpu.memory_space<vmem>>, vector<16xf32>,
      tpu.vector_store %arg19[%swap3A_79, %swap3A_80], %broadcast_in_dim3A_7 {strides = array<i32>} : memref<32x128xf32, #tpu.memory_space<vmem>>, vector<16xf32>,
      %swap3A_82 = arith.index_cast %scan3A_67 : i32 to index
      %swap3A_83 = arith.constant 80 : index
      %swap3A_84 = tpu.vector_load %arg19[%swap3A_82, %swap3A_83] {strides = array<i32>} : memref<32x128xf32, #tpu.memory_space<vmem>>, vector<16xf32>,
      tpu.vector_store %arg19[%swap3A_82, %swap3A_83], %broadcast_in_dim3A_7 {strides = array<i32>} : memref<32x128xf32, #tpu.memory_space<vmem>>, vector<16xf32>,
      %swap3A_85 = arith.index_cast %scan3A_67 : i32 to index
      %swap3A_86 = arith.constant 96 : index
      %swap3A_87 = tpu.vector_load %arg19[%swap3A_85, %swap3A_86] {strides = array<i32>} : memref<32x128xf32, #tpu.memory_space<vmem>>, vector<16xf32>,
      tpu.vector_store %arg19[%swap3A_85, %swap3A_86], %broadcast_in_dim3A_7 {strides = array<i32>} : memref<32x128xf32, #tpu.memory_space<vmem>>, vector<16xf32>,
      %swap3A_88 = arith.index_cast %scan3A_67 : i32 to index
      %swap3A_89 = arith.constant 112 : index
      %swap3A_90 = tpu.vector_load %arg19[%swap3A_88, %swap3A_89] {strides = array<i32>} : memref<32x128xf32, #tpu.memory_space<vmem>>, vector<16xf32>,
      tpu.vector_store %arg19[%swap3A_88, %swap3A_89], %broadcast_in_dim3A_7 {strides = array<i32>} : memref<32x128xf32, #tpu.memory_space<vmem>>, vector<16xf32>,
    }
    %scan3A_18 = arith.constant 32 : i32
    %add3A_19 = arith.constant 0 : i32
    %add3A_20 = arith.addi %mul3A_2, %add3A_19 : i32
    %dma_start3A = arith.constant 0 : i32
    %dma_start3A_21 = tpu.memref_slice %arg2[%add3A_20, %dma_start3A] : memref<2560x128xi32, #tpu.memory_space<hbm>> -> memref<10x128xi32, #tpu.memory_space<hbm>>
    %dma_start3A_22 = arith.constant 0 : i32
    %dma_start3A_23 = tpu.memref_slice %arg2[%add3A_20, %dma_start3A_22] : memref<2560x128xi32, #tpu.memory_space<hbm>> -> memref<10x128xi32, #tpu.memory_space<hbm>>
    tpu.enqueue_dma source(%dma_start3A_23 : memref<10x128xi32, #tpu.memory_space<hbm>>) target(%arg12 : memref<10x128xi32, #tpu.memory_space<vmem>>) target_semaphore(%arg20 : memref<!tpu.dma_semaphore, #tpu.memory_space<semaphore_mem>>)
    %dma_start3A_24 = arith.constant 0 : i32
    %dma_start3A_25 = tpu.memref_slice %arg5[%add3A_20, %dma_start3A_24] : memref<2560x128xf32, #tpu.memory_space<hbm>> -> memref<10x128xf32, #tpu.memory_space<hbm>>
    %dma_start3A_26 = arith.constant 0 : i32
    %dma_start3A_27 = tpu.memref_slice %arg5[%add3A_20, %dma_start3A_26] : memref<2560x128xf32, #tpu.memory_space<hbm>> -> memref<10x128xf32, #tpu.memory_space<hbm>>
    tpu.enqueue_dma source(%dma_start3A_27 : memref<10x128xf32, #tpu.memory_space<hbm>>) target(%arg16 : memref<10x128xf32, #tpu.memory_space<vmem>>) target_semaphore(%arg20 : memref<!tpu.dma_semaphore, #tpu.memory_space<semaphore_mem>>)
    %add3A_28 = arith.constant 10 : i32
    %add3A_29 = arith.addi %mul3A_2, %add3A_28 : i32
    %dma_start3A_30 = arith.constant 0 : i32
    %dma_start3A_31 = tpu.memref_slice %arg2[%add3A_29, %dma_start3A_30] : memref<2560x128xi32, #tpu.memory_space<hbm>> -> memref<10x128xi32, #tpu.memory_space<hbm>>
    %dma_start3A_32 = arith.constant 0 : i32
    %dma_start3A_33 = tpu.memref_slice %arg2[%add3A_29, %dma_start3A_32] : memref<2560x128xi32, #tpu.memory_space<hbm>> -> memref<10x128xi32, #tpu.memory_space<hbm>>
    tpu.enqueue_dma source(%dma_start3A_33 : memref<10x128xi32, #tpu.memory_space<hbm>>) target(%arg13 : memref<10x128xi32, #tpu.memory_space<vmem>>) target_semaphore(%arg21 : memref<!tpu.dma_semaphore, #tpu.memory_space<semaphore_mem>>)
    %dma_start3A_34 = arith.constant 0 : i32
    %dma_start3A_35 = tpu.memref_slice %arg5[%add3A_29, %dma_start3A_34] : memref<2560x128xf32, #tpu.memory_space<hbm>> -> memref<10x128xf32, #tpu.memory_space<hbm>>
    %dma_start3A_36 = arith.constant 0 : i32
    %dma_start3A_37 = tpu.memref_slice %arg5[%add3A_29, %dma_start3A_36] : memref<2560x128xf32, #tpu.memory_space<hbm>> -> memref<10x128xf32, #tpu.memory_space<hbm>>
    tpu.enqueue_dma source(%dma_start3A_37 : memref<10x128xf32, #tpu.memory_space<hbm>>) target(%arg17 : memref<10x128xf32, #tpu.memory_space<vmem>>) target_semaphore(%arg21 : memref<!tpu.dma_semaphore, #tpu.memory_space<semaphore_mem>>)
    %scan3A_38 = arith.constant 0 : i32
    %scan3A_39 = arith.constant 0 : i32
    %scan3A_40 = arith.constant 4 : i32
    %scan3A_41 = arith.addi %scan3A_39, %scan3A_40 : i32
    %scan3A_42 = arith.constant 1 : i32
    scf.for %scan3A_67 = %scan3A_39 to %scan3A_41 step %scan3A_42  : i32 {
      %gt3A = arith.constant 0 : i32
      %gt3A_68 = arith.cmpi sgt, %scan3A_67, %gt3A : i32
      %convert_element_type3A_69 = arith.extui %gt3A_68 : i1 to i32
      %cond3A_70 = arith.constant 0 : i32
      %cond3A_71 = arith.cmpi ne, %convert_element_type3A_69, %cond3A_70 : i32
      scf.if %cond3A_71 {
        %dma_wait3A_374 = arith.constant 0 : i32
        %dma_wait3A_375 = arith.constant 0 : i32
        %dma_wait3A_376 = tpu.memref_slice %arg7[%dma_wait3A_374, %dma_wait3A_375] : memref<327680x16xf32, #tpu.memory_space<hbm>> -> memref<1280x16xf32, #tpu.memory_space<hbm>>
        %dma_wait3A_377 = arith.constant 0 : i32
        %dma_wait3A_378 = arith.constant 0 : i32
        %dma_wait3A_379 = tpu.memref_slice %arg7[%dma_wait3A_377, %dma_wait3A_378] : memref<327680x16xf32, #tpu.memory_space<hbm>> -> memref<1280x16xf32, #tpu.memory_space<hbm>>
        tpu.wait_dma2 semaphore(%arg24 : memref<!tpu.dma_semaphore, #tpu.memory_space<semaphore_mem>>) src(%arg14 : memref<1280x16xf32, #tpu.memory_space<vmem>>) dst(%dma_wait3A_379 : memref<1280x16xf32, #tpu.memory_space<hbm>>)
        %dma_wait3A_380 = arith.constant 0 : i32
        %dma_wait3A_381 = arith.constant 0 : i32
        %dma_wait3A_382 = tpu.memref_slice %arg8[%dma_wait3A_380, %dma_wait3A_381] : memref<8192x128xf32, #tpu.memory_space<hbm>> -> memref<32x128xf32, #tpu.memory_space<hbm>>
        %dma_wait3A_383 = arith.constant 0 : i32
        %dma_wait3A_384 = arith.constant 0 : i32
        %dma_wait3A_385 = tpu.memref_slice %arg8[%dma_wait3A_383, %dma_wait3A_384] : memref<8192x128xf32, #tpu.memory_space<hbm>> -> memref<32x128xf32, #tpu.memory_space<hbm>>
        tpu.wait_dma2 semaphore(%arg24 : memref<!tpu.dma_semaphore, #tpu.memory_space<semaphore_mem>>) src(%arg18 : memref<32x128xf32, #tpu.memory_space<vmem>>) dst(%dma_wait3A_385 : memref<32x128xf32, #tpu.memory_space<hbm>>)
      } else {
      }
      %dma_wait3A_72 = arith.constant 0 : i32
      %dma_wait3A_73 = arith.constant 0 : i32
      %dma_wait3A_74 = tpu.memref_slice %arg2[%dma_wait3A_72, %dma_wait3A_73] : memref<2560x128xi32, #tpu.memory_space<hbm>> -> memref<10x128xi32, #tpu.memory_space<hbm>>
      %dma_wait3A_75 = arith.constant 0 : i32
      %dma_wait3A_76 = arith.constant 0 : i32
      %dma_wait3A_77 = tpu.memref_slice %arg2[%dma_wait3A_75, %dma_wait3A_76] : memref<2560x128xi32, #tpu.memory_space<hbm>> -> memref<10x128xi32, #tpu.memory_space<hbm>>
      tpu.wait_dma2 semaphore(%arg20 : memref<!tpu.dma_semaphore, #tpu.memory_space<semaphore_mem>>) src(%dma_wait3A_77 : memref<10x128xi32, #tpu.memory_space<hbm>>) dst(%arg12 : memref<10x128xi32, #tpu.memory_space<vmem>>)
      %dma_wait3A_78 = arith.constant 0 : i32
      %dma_wait3A_79 = arith.constant 0 : i32
      %dma_wait3A_80 = tpu.memref_slice %arg5[%dma_wait3A_78, %dma_wait3A_79] : memref<2560x128xf32, #tpu.memory_space<hbm>> -> memref<10x128xf32, #tpu.memory_space<hbm>>
      %dma_wait3A_81 = arith.constant 0 : i32
      %dma_wait3A_82 = arith.constant 0 : i32
      %dma_wait3A_83 = tpu.memref_slice %arg5[%dma_wait3A_81, %dma_wait3A_82] : memref<2560x128xf32, #tpu.memory_space<hbm>> -> memref<10x128xf32, #tpu.memory_space<hbm>>
      tpu.wait_dma2 semaphore(%arg20 : memref<!tpu.dma_semaphore, #tpu.memory_space<semaphore_mem>>) src(%dma_wait3A_83 : memref<10x128xf32, #tpu.memory_space<hbm>>) dst(%arg16 : memref<10x128xf32, #tpu.memory_space<vmem>>)
      %dma_start3A_84 = arith.constant 0 : i32
      %dma_start3A_85 = arith.constant 0 : i32
      %dma_start3A_86 = arith.constant 0 : i32
      %dma_start3A_87 = tpu.memref_slice %arg14[%dma_start3A_85, %dma_start3A_86] : memref<1280x16xf32, #tpu.memory_space<vmem>> -> memref<128x16xf32, #tpu.memory_space<vmem>>
      %dma_start3A_88 = arith.constant 0 : i32
      %dma_start3A_89 = tpu.memref_slice %arg12[%dma_start3A_84, %dma_start3A_88] : memref<10x128xi32, #tpu.memory_space<vmem>> -> memref<1x128xi32, #tpu.memory_space<vmem>>
      %dma_start3A_90 = tpu.memref_squeeze %dma_start3A_89 : memref<1x128xi32, #tpu.memory_space<vmem>> -> memref<128xi32, #tpu.memory_space<vmem>>
      %dma_start3A_91 = arith.constant 0 : i32
      %dma_start3A_92 = arith.constant 0 : i32
      %dma_start3A_93 = tpu.memref_slice %arg10[%dma_start3A_91, %dma_start3A_92] : memref<20000x16xf32, #tpu.memory_space<vmem_shared>> -> memref<20000x16xf32, #tpu.memory_space<vmem_shared>>
      tpu.enqueue_indirect_dma source(%dma_start3A_93 : memref<20000x16xf32, #tpu.memory_space<vmem_shared>>) target(%dma_start3A_87 : memref<128x16xf32, #tpu.memory_space<vmem>>) offsets(%dma_start3A_90 : memref<128xi32, #tpu.memory_space<vmem>>) semaphore(%arg22 : memref<!tpu.dma_semaphore, #tpu.memory_space<semaphore_mem>>)
      %dma_start3A_94 = arith.constant 1 : i32
      %dma_start3A_95 = arith.constant 128 : i32
      %dma_start3A_96 = arith.constant 0 : i32
      %dma_start3A_97 = tpu.memref_slice %arg14[%dma_start3A_95, %dma_start3A_96] : memref<1280x16xf32, #tpu.memory_space<vmem>> -> memref<128x16xf32, #tpu.memory_space<vmem>>
      %dma_start3A_98 = arith.constant 0 : i32
      %dma_start3A_99 = tpu.memref_slice %arg12[%dma_start3A_94, %dma_start3A_98] : memref<10x128xi32, #tpu.memory_space<vmem>> -> memref<1x128xi32, #tpu.memory_space<vmem>>
      %dma_start3A_100 = tpu.memref_squeeze %dma_start3A_99 : memref<1x128xi32, #tpu.memory_space<vmem>> -> memref<128xi32, #tpu.memory_space<vmem>>
      %dma_start3A_101 = arith.constant 0 : i32
      %dma_start3A_102 = arith.constant 0 : i32
      %dma_start3A_103 = tpu.memref_slice %arg10[%dma_start3A_101, %dma_start3A_102] : memref<20000x16xf32, #tpu.memory_space<vmem_shared>> -> memref<20000x16xf32, #tpu.memory_space<vmem_shared>>
      tpu.enqueue_indirect_dma source(%dma_start3A_103 : memref<20000x16xf32, #tpu.memory_space<vmem_shared>>) target(%dma_start3A_97 : memref<128x16xf32, #tpu.memory_space<vmem>>) offsets(%dma_start3A_100 : memref<128xi32, #tpu.memory_space<vmem>>) semaphore(%arg22 : memref<!tpu.dma_semaphore, #tpu.memory_space<semaphore_mem>>)
      %dma_start3A_104 = arith.constant 2 : i32
      %dma_start3A_105 = arith.constant 256 : i32
      %dma_start3A_106 = arith.constant 0 : i32
      %dma_start3A_107 = tpu.memref_slice %arg14[%dma_start3A_105, %dma_start3A_106] : memref<1280x16xf32, #tpu.memory_space<vmem>> -> memref<128x16xf32, #tpu.memory_space<vmem>>
      %dma_start3A_108 = arith.constant 0 : i32
      %dma_start3A_109 = tpu.memref_slice %arg12[%dma_start3A_104, %dma_start3A_108] : memref<10x128xi32, #tpu.memory_space<vmem>> -> memref<1x128xi32, #tpu.memory_space<vmem>>
      %dma_start3A_110 = tpu.memref_squeeze %dma_start3A_109 : memref<1x128xi32, #tpu.memory_space<vmem>> -> memref<128xi32, #tpu.memory_space<vmem>>
      %dma_start3A_111 = arith.constant 0 : i32
      %dma_start3A_112 = arith.constant 0 : i32
      %dma_start3A_113 = tpu.memref_slice %arg10[%dma_start3A_111, %dma_start3A_112] : memref<20000x16xf32, #tpu.memory_space<vmem_shared>> -> memref<20000x16xf32, #tpu.memory_space<vmem_shared>>
      tpu.enqueue_indirect_dma source(%dma_start3A_113 : memref<20000x16xf32, #tpu.memory_space<vmem_shared>>) target(%dma_start3A_107 : memref<128x16xf32, #tpu.memory_space<vmem>>) offsets(%dma_start3A_110 : memref<128xi32, #tpu.memory_space<vmem>>) semaphore(%arg22 : memref<!tpu.dma_semaphore, #tpu.memory_space<semaphore_mem>>)
      %dma_start3A_114 = arith.constant 3 : i32
      %dma_start3A_115 = arith.constant 384 : i32
      %dma_start3A_116 = arith.constant 0 : i32
      %dma_start3A_117 = tpu.memref_slice %arg14[%dma_start3A_115, %dma_start3A_116] : memref<1280x16xf32, #tpu.memory_space<vmem>> -> memref<128x16xf32, #tpu.memory_space<vmem>>
      %dma_start3A_118 = arith.constant 0 : i32
      %dma_start3A_119 = tpu.memref_slice %arg12[%dma_start3A_114, %dma_start3A_118] : memref<10x128xi32, #tpu.memory_space<vmem>> -> memref<1x128xi32, #tpu.memory_space<vmem>>
      %dma_start3A_120 = tpu.memref_squeeze %dma_start3A_119 : memref<1x128xi32, #tpu.memory_space<vmem>> -> memref<128xi32, #tpu.memory_space<vmem>>
      %dma_start3A_121 = arith.constant 0 : i32
      %dma_start3A_122 = arith.constant 0 : i32
      %dma_start3A_123 = tpu.memref_slice %arg10[%dma_start3A_121, %dma_start3A_122] : memref<20000x16xf32, #tpu.memory_space<vmem_shared>> -> memref<20000x16xf32, #tpu.memory_space<vmem_shared>>
      tpu.enqueue_indirect_dma source(%dma_start3A_123 : memref<20000x16xf32, #tpu.memory_space<vmem_shared>>) target(%dma_start3A_117 : memref<128x16xf32, #tpu.memory_space<vmem>>) offsets(%dma_start3A_120 : memref<128xi32, #tpu.memory_space<vmem>>) semaphore(%arg22 : memref<!tpu.dma_semaphore, #tpu.memory_space<semaphore_mem>>)
      %dma_start3A_124 = arith.constant 4 : i32
      %dma_start3A_125 = arith.constant 512 : i32
      %dma_start3A_126 = arith.constant 0 : i32
      %dma_start3A_127 = tpu.memref_slice %arg14[%dma_start3A_125, %dma_start3A_126] : memref<1280x16xf32, #tpu.memory_space<vmem>> -> memref<128x16xf32, #tpu.memory_space<vmem>>
      %dma_start3A_128 = arith.constant 0 : i32
      %dma_start3A_129 = tpu.memref_slice %arg12[%dma_start3A_124, %dma_start3A_128] : memref<10x128xi32, #tpu.memory_space<vmem>> -> memref<1x128xi32, #tpu.memory_space<vmem>>
      %dma_start3A_130 = tpu.memref_squeeze %dma_start3A_129 : memref<1x128xi32, #tpu.memory_space<vmem>> -> memref<128xi32, #tpu.memory_space<vmem>>
      %dma_start3A_131 = arith.constant 0 : i32
      %dma_start3A_132 = arith.constant 0 : i32
      %dma_start3A_133 = tpu.memref_slice %arg10[%dma_start3A_131, %dma_start3A_132] : memref<20000x16xf32, #tpu.memory_space<vmem_shared>> -> memref<20000x16xf32, #tpu.memory_space<vmem_shared>>
      tpu.enqueue_indirect_dma source(%dma_start3A_133 : memref<20000x16xf32, #tpu.memory_space<vmem_shared>>) target(%dma_start3A_127 : memref<128x16xf32, #tpu.memory_space<vmem>>) offsets(%dma_start3A_130 : memref<128xi32, #tpu.memory_space<vmem>>) semaphore(%arg22 : memref<!tpu.dma_semaphore, #tpu.memory_space<semaphore_mem>>)
      %dma_start3A_134 = arith.constant 5 : i32
      %dma_start3A_135 = arith.constant 640 : i32
      %dma_start3A_136 = arith.constant 0 : i32
      %dma_start3A_137 = tpu.memref_slice %arg14[%dma_start3A_135, %dma_start3A_136] : memref<1280x16xf32, #tpu.memory_space<vmem>> -> memref<128x16xf32, #tpu.memory_space<vmem>>
      %dma_start3A_138 = arith.constant 0 : i32
      %dma_start3A_139 = tpu.memref_slice %arg12[%dma_start3A_134, %dma_start3A_138] : memref<10x128xi32, #tpu.memory_space<vmem>> -> memref<1x128xi32, #tpu.memory_space<vmem>>
      %dma_start3A_140 = tpu.memref_squeeze %dma_start3A_139 : memref<1x128xi32, #tpu.memory_space<vmem>> -> memref<128xi32, #tpu.memory_space<vmem>>
      %dma_start3A_141 = arith.constant 0 : i32
      %dma_start3A_142 = arith.constant 0 : i32
      %dma_start3A_143 = tpu.memref_slice %arg10[%dma_start3A_141, %dma_start3A_142] : memref<20000x16xf32, #tpu.memory_space<vmem_shared>> -> memref<20000x16xf32, #tpu.memory_space<vmem_shared>>
      tpu.enqueue_indirect_dma source(%dma_start3A_143 : memref<20000x16xf32, #tpu.memory_space<vmem_shared>>) target(%dma_start3A_137 : memref<128x16xf32, #tpu.memory_space<vmem>>) offsets(%dma_start3A_140 : memref<128xi32, #tpu.memory_space<vmem>>) semaphore(%arg22 : memref<!tpu.dma_semaphore, #tpu.memory_space<semaphore_mem>>)
      %dma_start3A_144 = arith.constant 6 : i32
      %dma_start3A_145 = arith.constant 768 : i32
      %dma_start3A_146 = arith.constant 0 : i32
      %dma_start3A_147 = tpu.memref_slice %arg14[%dma_start3A_145, %dma_start3A_146] : memref<1280x16xf32, #tpu.memory_space<vmem>> -> memref<128x16xf32, #tpu.memory_space<vmem>>
      %dma_start3A_148 = arith.constant 0 : i32
      %dma_start3A_149 = tpu.memref_slice %arg12[%dma_start3A_144, %dma_start3A_148] : memref<10x128xi32, #tpu.memory_space<vmem>> -> memref<1x128xi32, #tpu.memory_space<vmem>>
      %dma_start3A_150 = tpu.memref_squeeze %dma_start3A_149 : memref<1x128xi32, #tpu.memory_space<vmem>> -> memref<128xi32, #tpu.memory_space<vmem>>
      %dma_start3A_151 = arith.constant 0 : i32
      %dma_start3A_152 = arith.constant 0 : i32
      %dma_start3A_153 = tpu.memref_slice %arg10[%dma_start3A_151, %dma_start3A_152] : memref<20000x16xf32, #tpu.memory_space<vmem_shared>> -> memref<20000x16xf32, #tpu.memory_space<vmem_shared>>
      tpu.enqueue_indirect_dma source(%dma_start3A_153 : memref<20000x16xf32, #tpu.memory_space<vmem_shared>>) target(%dma_start3A_147 : memref<128x16xf32, #tpu.memory_space<vmem>>) offsets(%dma_start3A_150 : memref<128xi32, #tpu.memory_space<vmem>>) semaphore(%arg22 : memref<!tpu.dma_semaphore, #tpu.memory_space<semaphore_mem>>)
      %dma_start3A_154 = arith.constant 7 : i32
      %dma_start3A_155 = arith.constant 896 : i32
      %dma_start3A_156 = arith.constant 0 : i32
      %dma_start3A_157 = tpu.memref_slice %arg14[%dma_start3A_155, %dma_start3A_156] : memref<1280x16xf32, #tpu.memory_space<vmem>> -> memref<128x16xf32, #tpu.memory_space<vmem>>
      %dma_start3A_158 = arith.constant 0 : i32
      %dma_start3A_159 = tpu.memref_slice %arg12[%dma_start3A_154, %dma_start3A_158] : memref<10x128xi32, #tpu.memory_space<vmem>> -> memref<1x128xi32, #tpu.memory_space<vmem>>
      %dma_start3A_160 = tpu.memref_squeeze %dma_start3A_159 : memref<1x128xi32, #tpu.memory_space<vmem>> -> memref<128xi32, #tpu.memory_space<vmem>>
      %dma_start3A_161 = arith.constant 0 : i32
      %dma_start3A_162 = arith.constant 0 : i32
      %dma_start3A_163 = tpu.memref_slice %arg10[%dma_start3A_161, %dma_start3A_162] : memref<20000x16xf32, #tpu.memory_space<vmem_shared>> -> memref<20000x16xf32, #tpu.memory_space<vmem_shared>>
      tpu.enqueue_indirect_dma source(%dma_start3A_163 : memref<20000x16xf32, #tpu.memory_space<vmem_shared>>) target(%dma_start3A_157 : memref<128x16xf32, #tpu.memory_space<vmem>>) offsets(%dma_start3A_160 : memref<128xi32, #tpu.memory_space<vmem>>) semaphore(%arg22 : memref<!tpu.dma_semaphore, #tpu.memory_space<semaphore_mem>>)
      %dma_start3A_164 = arith.constant 8 : i32
      %dma_start3A_165 = arith.constant 1024 : i32
      %dma_start3A_166 = arith.constant 0 : i32
      %dma_start3A_167 = tpu.memref_slice %arg14[%dma_start3A_165, %dma_start3A_166] : memref<1280x16xf32, #tpu.memory_space<vmem>> -> memref<128x16xf32, #tpu.memory_space<vmem>>
      %dma_start3A_168 = arith.constant 0 : i32
      %dma_start3A_169 = tpu.memref_slice %arg12[%dma_start3A_164, %dma_start3A_168] : memref<10x128xi32, #tpu.memory_space<vmem>> -> memref<1x128xi32, #tpu.memory_space<vmem>>
      %dma_start3A_170 = tpu.memref_squeeze %dma_start3A_169 : memref<1x128xi32, #tpu.memory_space<vmem>> -> memref<128xi32, #tpu.memory_space<vmem>>
      %dma_start3A_171 = arith.constant 0 : i32
      %dma_start3A_172 = arith.constant 0 : i32
      %dma_start3A_173 = tpu.memref_slice %arg10[%dma_start3A_171, %dma_start3A_172] : memref<20000x16xf32, #tpu.memory_space<vmem_shared>> -> memref<20000x16xf32, #tpu.memory_space<vmem_shared>>
      tpu.enqueue_indirect_dma source(%dma_start3A_173 : memref<20000x16xf32, #tpu.memory_space<vmem_shared>>) target(%dma_start3A_167 : memref<128x16xf32, #tpu.memory_space<vmem>>) offsets(%dma_start3A_170 : memref<128xi32, #tpu.memory_space<vmem>>) semaphore(%arg22 : memref<!tpu.dma_semaphore, #tpu.memory_space<semaphore_mem>>)
      %dma_start3A_174 = arith.constant 9 : i32
      %dma_start3A_175 = arith.constant 1152 : i32
      %dma_start3A_176 = arith.constant 0 : i32
      %dma_start3A_177 = tpu.memref_slice %arg14[%dma_start3A_175, %dma_start3A_176] : memref<1280x16xf32, #tpu.memory_space<vmem>> -> memref<128x16xf32, #tpu.memory_space<vmem>>
      %dma_start3A_178 = arith.constant 0 : i32
      %dma_start3A_179 = tpu.memref_slice %arg12[%dma_start3A_174, %dma_start3A_178] : memref<10x128xi32, #tpu.memory_space<vmem>> -> memref<1x128xi32, #tpu.memory_space<vmem>>
      %dma_start3A_180 = tpu.memref_squeeze %dma_start3A_179 : memref<1x128xi32, #tpu.memory_space<vmem>> -> memref<128xi32, #tpu.memory_space<vmem>>
      %dma_start3A_181 = arith.constant 0 : i32
      %dma_start3A_182 = arith.constant 0 : i32
      %dma_start3A_183 = tpu.memref_slice %arg10[%dma_start3A_181, %dma_start3A_182] : memref<20000x16xf32, #tpu.memory_space<vmem_shared>> -> memref<20000x16xf32, #tpu.memory_space<vmem_shared>>
      tpu.enqueue_indirect_dma source(%dma_start3A_183 : memref<20000x16xf32, #tpu.memory_space<vmem_shared>>) target(%dma_start3A_177 : memref<128x16xf32, #tpu.memory_space<vmem>>) offsets(%dma_start3A_180 : memref<128xi32, #tpu.memory_space<vmem>>) semaphore(%arg22 : memref<!tpu.dma_semaphore, #tpu.memory_space<semaphore_mem>>)
      %scan3A_184 = arith.constant 0 : i32
      %scan3A_185 = arith.constant 0 : i32
      %scan3A_186 = arith.constant 16 : i32
      %scan3A_187 = arith.addi %scan3A_185, %scan3A_186 : i32
      %scan3A_188 = arith.constant 1 : i32
      scf.for %scan3A_374 = %scan3A_185 to %scan3A_187 step %scan3A_188  : i32 {
        %mul3A_375 = arith.constant 5 : i32
        %mul3A_376 = arith.muli %mul3A_375, %scan3A_374 : i32
        %add3A_377 = arith.constant 0 : i32
        %add3A_378 = arith.addi %mul3A_376, %add3A_377 : i32
        %get3A = arith.constant 0 : i32
        %get3A_379 = arith.index_cast %get3A : i32 to index
        %get3A_380 = arith.constant 0 : index
        %get3A_381 = tpu.vector_load %arg11[%get3A_379, %get3A_380] {strides = array<i32>} : memref<5x32xi32, #tpu.memory_space<vmem>>, vector<16xi32>,
        %get3A_382 = arith.constant 0 : i32
        %get3A_383 = arith.index_cast %get3A_382 : i32 to index
        %get3A_384 = arith.constant 16 : index
        %get3A_385 = tpu.vector_load %arg11[%get3A_383, %get3A_384] {strides = array<i32>} : memref<5x32xi32, #tpu.memory_space<vmem>>, vector<16xi32>,
        %mul3A_386 = arith.constant 2 : i32
        %mul3A_387 = arith.muli %mul3A_386, %scan3A_374 : i32
        %add3A_388 = vector.broadcast %mul3A_387 : i32 to vector<16xi32>
        %add3A_389 = arith.addi %get3A_385, %add3A_388 : vector<16xi32>
        %shift_right_logical3A = arith.constant 3 : i32
        %shift_right_logical3A_390 = arith.shrui %add3A_378, %shift_right_logical3A : i32
        %and3A = arith.constant 7 : i32
        %and3A_391 = arith.andi %add3A_378, %and3A : i32
        %mul3A_392 = arith.constant 16 : i32
        %mul3A_393 = arith.muli %mul3A_392, %and3A_391 : i32
        %get3A_394 = arith.index_cast %shift_right_logical3A_390 : i32 to index
        %get3A_395 = arith.index_cast %mul3A_393 : i32 to index
        %get3A_396 = tpu.vector_load %arg12[%get3A_394, %get3A_395] {strides = array<i32>} : memref<10x128xi32, #tpu.memory_space<vmem>>, vector<16xi32>,
        %gather3A = tpu.vector_load_idx %arg9[%get3A_396] : memref<20000xf32, #tpu.memory_space<vmem>>[vector<16xi32>], vector<16xf32>,
        %get3A_397 = arith.index_cast %shift_right_logical3A_390 : i32 to index
        %get3A_398 = arith.index_cast %mul3A_393 : i32 to index
        %get3A_399 = tpu.vector_load %arg16[%get3A_397, %get3A_398] {strides = array<i32>} : memref<10x128xf32, #tpu.memory_space<vmem>>, vector<16xf32>,
        %mul3A_400 = arith.mulf %gather3A, %get3A_399 : vector<16xf32>
        tpu.vector_store_idx %arg18[%add3A_389, %get3A_381], %mul3A_400 : memref<32x128xf32, #tpu.memory_space<vmem>>[vector<16xi32>, vector<16xi32>], vector<16xf32>,
        %mul3A_401 = arith.constant 5 : i32
        %mul3A_402 = arith.muli %mul3A_401, %scan3A_374 : i32
        %add3A_403 = arith.constant 1 : i32
        %add3A_404 = arith.addi %mul3A_402, %add3A_403 : i32
        %get3A_405 = arith.constant 1 : i32
        %get3A_406 = arith.index_cast %get3A_405 : i32 to index
        %get3A_407 = arith.constant 0 : index
        %get3A_408 = tpu.vector_load %arg11[%get3A_406, %get3A_407] {strides = array<i32>} : memref<5x32xi32, #tpu.memory_space<vmem>>, vector<16xi32>,
        %get3A_409 = arith.constant 1 : i32
        %get3A_410 = arith.index_cast %get3A_409 : i32 to index
        %get3A_411 = arith.constant 16 : index
        %get3A_412 = tpu.vector_load %arg11[%get3A_410, %get3A_411] {strides = array<i32>} : memref<5x32xi32, #tpu.memory_space<vmem>>, vector<16xi32>,
        %mul3A_413 = arith.constant 2 : i32
        %mul3A_414 = arith.muli %mul3A_413, %scan3A_374 : i32
        %add3A_415 = vector.broadcast %mul3A_414 : i32 to vector<16xi32>
        %add3A_416 = arith.addi %get3A_412, %add3A_415 : vector<16xi32>
        %shift_right_logical3A_417 = arith.constant 3 : i32
        %shift_right_logical3A_418 = arith.shrui %add3A_404, %shift_right_logical3A_417 : i32
        %and3A_419 = arith.constant 7 : i32
        %and3A_420 = arith.andi %add3A_404, %and3A_419 : i32
        %mul3A_421 = arith.constant 16 : i32
        %mul3A_422 = arith.muli %mul3A_421, %and3A_420 : i32
        %get3A_423 = arith.index_cast %shift_right_logical3A_418 : i32 to index
        %get3A_424 = arith.index_cast %mul3A_422 : i32 to index
        %get3A_425 = tpu.vector_load %arg12[%get3A_423, %get3A_424] {strides = array<i32>} : memref<10x128xi32, #tpu.memory_space<vmem>>, vector<16xi32>,
        %gather3A_426 = tpu.vector_load_idx %arg9[%get3A_425] : memref<20000xf32, #tpu.memory_space<vmem>>[vector<16xi32>], vector<16xf32>,
        %get3A_427 = arith.index_cast %shift_right_logical3A_418 : i32 to index
        %get3A_428 = arith.index_cast %mul3A_422 : i32 to index
        %get3A_429 = tpu.vector_load %arg16[%get3A_427, %get3A_428] {strides = array<i32>} : memref<10x128xf32, #tpu.memory_space<vmem>>, vector<16xf32>,
        %mul3A_430 = arith.mulf %gather3A_426, %get3A_429 : vector<16xf32>
        tpu.vector_store_idx %arg18[%add3A_416, %get3A_408], %mul3A_430 : memref<32x128xf32, #tpu.memory_space<vmem>>[vector<16xi32>, vector<16xi32>], vector<16xf32>,
        %mul3A_431 = arith.constant 5 : i32
        %mul3A_432 = arith.muli %mul3A_431, %scan3A_374 : i32
        %add3A_433 = arith.constant 2 : i32
        %add3A_434 = arith.addi %mul3A_432, %add3A_433 : i32
        %get3A_435 = arith.constant 2 : i32
        %get3A_436 = arith.index_cast %get3A_435 : i32 to index
        %get3A_437 = arith.constant 0 : index
        %get3A_438 = tpu.vector_load %arg11[%get3A_436, %get3A_437] {strides = array<i32>} : memref<5x32xi32, #tpu.memory_space<vmem>>, vector<16xi32>,
        %get3A_439 = arith.constant 2 : i32
        %get3A_440 = arith.index_cast %get3A_439 : i32 to index
        %get3A_441 = arith.constant 16 : index
        %get3A_442 = tpu.vector_load %arg11[%get3A_440, %get3A_441] {strides = array<i32>} : memref<5x32xi32, #tpu.memory_space<vmem>>, vector<16xi32>,
        %mul3A_443 = arith.constant 2 : i32
        %mul3A_444 = arith.muli %mul3A_443, %scan3A_374 : i32
        %add3A_445 = vector.broadcast %mul3A_444 : i32 to vector<16xi32>
        %add3A_446 = arith.addi %get3A_442, %add3A_445 : vector<16xi32>
        %shift_right_logical3A_447 = arith.constant 3 : i32
        %shift_right_logical3A_448 = arith.shrui %add3A_434, %shift_right_logical3A_447 : i32
        %and3A_449 = arith.constant 7 : i32
        %and3A_450 = arith.andi %add3A_434, %and3A_449 : i32
        %mul3A_451 = arith.constant 16 : i32
        %mul3A_452 = arith.muli %mul3A_451, %and3A_450 : i32
        %get3A_453 = arith.index_cast %shift_right_logical3A_448 : i32 to index
        %get3A_454 = arith.index_cast %mul3A_452 : i32 to index
        %get3A_455 = tpu.vector_load %arg12[%get3A_453, %get3A_454] {strides = array<i32>} : memref<10x128xi32, #tpu.memory_space<vmem>>, vector<16xi32>,
        %gather3A_456 = tpu.vector_load_idx %arg9[%get3A_455] : memref<20000xf32, #tpu.memory_space<vmem>>[vector<16xi32>], vector<16xf32>,
        %get3A_457 = arith.index_cast %shift_right_logical3A_448 : i32 to index
        %get3A_458 = arith.index_cast %mul3A_452 : i32 to index
        %get3A_459 = tpu.vector_load %arg16[%get3A_457, %get3A_458] {strides = array<i32>} : memref<10x128xf32, #tpu.memory_space<vmem>>, vector<16xf32>,
        %mul3A_460 = arith.mulf %gather3A_456, %get3A_459 : vector<16xf32>
        tpu.vector_store_idx %arg18[%add3A_446, %get3A_438], %mul3A_460 : memref<32x128xf32, #tpu.memory_space<vmem>>[vector<16xi32>, vector<16xi32>], vector<16xf32>,
        %mul3A_461 = arith.constant 5 : i32
        %mul3A_462 = arith.muli %mul3A_461, %scan3A_374 : i32
        %add3A_463 = arith.constant 3 : i32
        %add3A_464 = arith.addi %mul3A_462, %add3A_463 : i32
        %get3A_465 = arith.constant 3 : i32
        %get3A_466 = arith.index_cast %get3A_465 : i32 to index
        %get3A_467 = arith.constant 0 : index
        %get3A_468 = tpu.vector_load %arg11[%get3A_466, %get3A_467] {strides = array<i32>} : memref<5x32xi32, #tpu.memory_space<vmem>>, vector<16xi32>,
        %get3A_469 = arith.constant 3 : i32
        %get3A_470 = arith.index_cast %get3A_469 : i32 to index
        %get3A_471 = arith.constant 16 : index
        %get3A_472 = tpu.vector_load %arg11[%get3A_470, %get3A_471] {strides = array<i32>} : memref<5x32xi32, #tpu.memory_space<vmem>>, vector<16xi32>,
        %mul3A_473 = arith.constant 2 : i32
        %mul3A_474 = arith.muli %mul3A_473, %scan3A_374 : i32
        %add3A_475 = vector.broadcast %mul3A_474 : i32 to vector<16xi32>
        %add3A_476 = arith.addi %get3A_472, %add3A_475 : vector<16xi32>
        %shift_right_logical3A_477 = arith.constant 3 : i32
        %shift_right_logical3A_478 = arith.shrui %add3A_464, %shift_right_logical3A_477 : i32
        %and3A_479 = arith.constant 7 : i32
        %and3A_480 = arith.andi %add3A_464, %and3A_479 : i32
        %mul3A_481 = arith.constant 16 : i32
        %mul3A_482 = arith.muli %mul3A_481, %and3A_480 : i32
        %get3A_483 = arith.index_cast %shift_right_logical3A_478 : i32 to index
        %get3A_484 = arith.index_cast %mul3A_482 : i32 to index
        %get3A_485 = tpu.vector_load %arg12[%get3A_483, %get3A_484] {strides = array<i32>} : memref<10x128xi32, #tpu.memory_space<vmem>>, vector<16xi32>,
        %gather3A_486 = tpu.vector_load_idx %arg9[%get3A_485] : memref<20000xf32, #tpu.memory_space<vmem>>[vector<16xi32>], vector<16xf32>,
        %get3A_487 = arith.index_cast %shift_right_logical3A_478 : i32 to index
        %get3A_488 = arith.index_cast %mul3A_482 : i32 to index
        %get3A_489 = tpu.vector_load %arg16[%get3A_487, %get3A_488] {strides = array<i32>} : memref<10x128xf32, #tpu.memory_space<vmem>>, vector<16xf32>,
        %mul3A_490 = arith.mulf %gather3A_486, %get3A_489 : vector<16xf32>
        tpu.vector_store_idx %arg18[%add3A_476, %get3A_468], %mul3A_490 : memref<32x128xf32, #tpu.memory_space<vmem>>[vector<16xi32>, vector<16xi32>], vector<16xf32>,
        %mul3A_491 = arith.constant 5 : i32
        %mul3A_492 = arith.muli %mul3A_491, %scan3A_374 : i32
        %add3A_493 = arith.constant 4 : i32
        %add3A_494 = arith.addi %mul3A_492, %add3A_493 : i32
        %get3A_495 = arith.constant 4 : i32
        %get3A_496 = arith.index_cast %get3A_495 : i32 to index
        %get3A_497 = arith.constant 0 : index
        %get3A_498 = tpu.vector_load %arg11[%get3A_496, %get3A_497] {strides = array<i32>} : memref<5x32xi32, #tpu.memory_space<vmem>>, vector<16xi32>,
        %get3A_499 = arith.constant 4 : i32
        %get3A_500 = arith.index_cast %get3A_499 : i32 to index
        %get3A_501 = arith.constant 16 : index
        %get3A_502 = tpu.vector_load %arg11[%get3A_500, %get3A_501] {strides = array<i32>} : memref<5x32xi32, #tpu.memory_space<vmem>>, vector<16xi32>,
        %mul3A_503 = arith.constant 2 : i32
        %mul3A_504 = arith.muli %mul3A_503, %scan3A_374 : i32
        %add3A_505 = vector.broadcast %mul3A_504 : i32 to vector<16xi32>
        %add3A_506 = arith.addi %get3A_502, %add3A_505 : vector<16xi32>
        %shift_right_logical3A_507 = arith.constant 3 : i32
        %shift_right_logical3A_508 = arith.shrui %add3A_494, %shift_right_logical3A_507 : i32
        %and3A_509 = arith.constant 7 : i32
        %and3A_510 = arith.andi %add3A_494, %and3A_509 : i32
        %mul3A_511 = arith.constant 16 : i32
        %mul3A_512 = arith.muli %mul3A_511, %and3A_510 : i32
        %get3A_513 = arith.index_cast %shift_right_logical3A_508 : i32 to index
        %get3A_514 = arith.index_cast %mul3A_512 : i32 to index
        %get3A_515 = tpu.vector_load %arg12[%get3A_513, %get3A_514] {strides = array<i32>} : memref<10x128xi32, #tpu.memory_space<vmem>>, vector<16xi32>,
        %gather3A_516 = tpu.vector_load_idx %arg9[%get3A_515] : memref<20000xf32, #tpu.memory_space<vmem>>[vector<16xi32>], vector<16xf32>,
        %get3A_517 = arith.index_cast %shift_right_logical3A_508 : i32 to index
        %get3A_518 = arith.index_cast %mul3A_512 : i32 to index
        %get3A_519 = tpu.vector_load %arg16[%get3A_517, %get3A_518] {strides = array<i32>} : memref<10x128xf32, #tpu.memory_space<vmem>>, vector<16xf32>,
        %mul3A_520 = arith.mulf %gather3A_516, %get3A_519 : vector<16xf32>
        tpu.vector_store_idx %arg18[%add3A_506, %get3A_498], %mul3A_520 : memref<32x128xf32, #tpu.memory_space<vmem>>[vector<16xi32>, vector<16xi32>], vector<16xf32>,
      }
      %scan3A_189 = arith.constant 16 : i32
      %gt3A_190 = arith.constant 0 : i32
      %gt3A_191 = arith.cmpi sgt, %scan3A_67, %gt3A_190 : i32
      %convert_element_type3A_192 = arith.extui %gt3A_191 : i1 to i32
      %cond3A_193 = arith.constant 0 : i32
      %cond3A_194 = arith.cmpi ne, %convert_element_type3A_192, %cond3A_193 : i32
      scf.if %cond3A_194 {
        %dma_wait3A_374 = arith.constant 0 : i32
        %dma_wait3A_375 = arith.constant 0 : i32
        %dma_wait3A_376 = tpu.memref_slice %arg7[%dma_wait3A_374, %dma_wait3A_375] : memref<327680x16xf32, #tpu.memory_space<hbm>> -> memref<1280x16xf32, #tpu.memory_space<hbm>>
        %dma_wait3A_377 = arith.constant 0 : i32
        %dma_wait3A_378 = arith.constant 0 : i32
        %dma_wait3A_379 = tpu.memref_slice %arg7[%dma_wait3A_377, %dma_wait3A_378] : memref<327680x16xf32, #tpu.memory_space<hbm>> -> memref<1280x16xf32, #tpu.memory_space<hbm>>
        tpu.wait_dma2 semaphore(%arg25 : memref<!tpu.dma_semaphore, #tpu.memory_space<semaphore_mem>>) src(%arg15 : memref<1280x16xf32, #tpu.memory_space<vmem>>) dst(%dma_wait3A_379 : memref<1280x16xf32, #tpu.memory_space<hbm>>)
        %dma_wait3A_380 = arith.constant 0 : i32
        %dma_wait3A_381 = arith.constant 0 : i32
        %dma_wait3A_382 = tpu.memref_slice %arg8[%dma_wait3A_380, %dma_wait3A_381] : memref<8192x128xf32, #tpu.memory_space<hbm>> -> memref<32x128xf32, #tpu.memory_space<hbm>>
        %dma_wait3A_383 = arith.constant 0 : i32
        %dma_wait3A_384 = arith.constant 0 : i32
        %dma_wait3A_385 = tpu.memref_slice %arg8[%dma_wait3A_383, %dma_wait3A_384] : memref<8192x128xf32, #tpu.memory_space<hbm>> -> memref<32x128xf32, #tpu.memory_space<hbm>>
        tpu.wait_dma2 semaphore(%arg25 : memref<!tpu.dma_semaphore, #tpu.memory_space<semaphore_mem>>) src(%arg19 : memref<32x128xf32, #tpu.memory_space<vmem>>) dst(%dma_wait3A_385 : memref<32x128xf32, #tpu.memory_space<hbm>>)
      } else {
      }
      %dma_wait3A_195 = arith.constant 0 : i32
      %dma_wait3A_196 = arith.constant 0 : i32
      %dma_wait3A_197 = tpu.memref_slice %arg2[%dma_wait3A_195, %dma_wait3A_196] : memref<2560x128xi32, #tpu.memory_space<hbm>> -> memref<10x128xi32, #tpu.memory_space<hbm>>
      %dma_wait3A_198 = arith.constant 0 : i32
      %dma_wait3A_199 = arith.constant 0 : i32
      %dma_wait3A_200 = tpu.memref_slice %arg2[%dma_wait3A_198, %dma_wait3A_199] : memref<2560x128xi32, #tpu.memory_space<hbm>> -> memref<10x128xi32, #tpu.memory_space<hbm>>
      tpu.wait_dma2 semaphore(%arg21 : memref<!tpu.dma_semaphore, #tpu.memory_space<semaphore_mem>>) src(%dma_wait3A_200 : memref<10x128xi32, #tpu.memory_space<hbm>>) dst(%arg13 : memref<10x128xi32, #tpu.memory_space<vmem>>)
      %dma_wait3A_201 = arith.constant 0 : i32
      %dma_wait3A_202 = arith.constant 0 : i32
      %dma_wait3A_203 = tpu.memref_slice %arg5[%dma_wait3A_201, %dma_wait3A_202] : memref<2560x128xf32, #tpu.memory_space<hbm>> -> memref<10x128xf32, #tpu.memory_space<hbm>>
      %dma_wait3A_204 = arith.constant 0 : i32
      %dma_wait3A_205 = arith.constant 0 : i32
      %dma_wait3A_206 = tpu.memref_slice %arg5[%dma_wait3A_204, %dma_wait3A_205] : memref<2560x128xf32, #tpu.memory_space<hbm>> -> memref<10x128xf32, #tpu.memory_space<hbm>>
      tpu.wait_dma2 semaphore(%arg21 : memref<!tpu.dma_semaphore, #tpu.memory_space<semaphore_mem>>) src(%dma_wait3A_206 : memref<10x128xf32, #tpu.memory_space<hbm>>) dst(%arg17 : memref<10x128xf32, #tpu.memory_space<vmem>>)
      %dma_start3A_207 = arith.constant 0 : i32
      %dma_start3A_208 = arith.constant 0 : i32
      %dma_start3A_209 = arith.constant 0 : i32
      %dma_start3A_210 = tpu.memref_slice %arg15[%dma_start3A_208, %dma_start3A_209] : memref<1280x16xf32, #tpu.memory_space<vmem>> -> memref<128x16xf32, #tpu.memory_space<vmem>>
      %dma_start3A_211 = arith.constant 0 : i32
      %dma_start3A_212 = tpu.memref_slice %arg13[%dma_start3A_207, %dma_start3A_211] : memref<10x128xi32, #tpu.memory_space<vmem>> -> memref<1x128xi32, #tpu.memory_space<vmem>>
      %dma_start3A_213 = tpu.memref_squeeze %dma_start3A_212 : memref<1x128xi32, #tpu.memory_space<vmem>> -> memref<128xi32, #tpu.memory_space<vmem>>
      %dma_start3A_214 = arith.constant 0 : i32
      %dma_start3A_215 = arith.constant 0 : i32
      %dma_start3A_216 = tpu.memref_slice %arg10[%dma_start3A_214, %dma_start3A_215] : memref<20000x16xf32, #tpu.memory_space<vmem_shared>> -> memref<20000x16xf32, #tpu.memory_space<vmem_shared>>
      tpu.enqueue_indirect_dma source(%dma_start3A_216 : memref<20000x16xf32, #tpu.memory_space<vmem_shared>>) target(%dma_start3A_210 : memref<128x16xf32, #tpu.memory_space<vmem>>) offsets(%dma_start3A_213 : memref<128xi32, #tpu.memory_space<vmem>>) semaphore(%arg23 : memref<!tpu.dma_semaphore, #tpu.memory_space<semaphore_mem>>)
      %dma_start3A_217 = arith.constant 1 : i32
      %dma_start3A_218 = arith.constant 128 : i32
      %dma_start3A_219 = arith.constant 0 : i32
      %dma_start3A_220 = tpu.memref_slice %arg15[%dma_start3A_218, %dma_start3A_219] : memref<1280x16xf32, #tpu.memory_space<vmem>> -> memref<128x16xf32, #tpu.memory_space<vmem>>
      %dma_start3A_221 = arith.constant 0 : i32
      %dma_start3A_222 = tpu.memref_slice %arg13[%dma_start3A_217, %dma_start3A_221] : memref<10x128xi32, #tpu.memory_space<vmem>> -> memref<1x128xi32, #tpu.memory_space<vmem>>
      %dma_start3A_223 = tpu.memref_squeeze %dma_start3A_222 : memref<1x128xi32, #tpu.memory_space<vmem>> -> memref<128xi32, #tpu.memory_space<vmem>>
      %dma_start3A_224 = arith.constant 0 : i32
      %dma_start3A_225 = arith.constant 0 : i32
      %dma_start3A_226 = tpu.memref_slice %arg10[%dma_start3A_224, %dma_start3A_225] : memref<20000x16xf32, #tpu.memory_space<vmem_shared>> -> memref<20000x16xf32, #tpu.memory_space<vmem_shared>>
      tpu.enqueue_indirect_dma source(%dma_start3A_226 : memref<20000x16xf32, #tpu.memory_space<vmem_shared>>) target(%dma_start3A_220 : memref<128x16xf32, #tpu.memory_space<vmem>>) offsets(%dma_start3A_223 : memref<128xi32, #tpu.memory_space<vmem>>) semaphore(%arg23 : memref<!tpu.dma_semaphore, #tpu.memory_space<semaphore_mem>>)
      %dma_start3A_227 = arith.constant 2 : i32
      %dma_start3A_228 = arith.constant 256 : i32
      %dma_start3A_229 = arith.constant 0 : i32
      %dma_start3A_230 = tpu.memref_slice %arg15[%dma_start3A_228, %dma_start3A_229] : memref<1280x16xf32, #tpu.memory_space<vmem>> -> memref<128x16xf32, #tpu.memory_space<vmem>>
      %dma_start3A_231 = arith.constant 0 : i32
      %dma_start3A_232 = tpu.memref_slice %arg13[%dma_start3A_227, %dma_start3A_231] : memref<10x128xi32, #tpu.memory_space<vmem>> -> memref<1x128xi32, #tpu.memory_space<vmem>>
      %dma_start3A_233 = tpu.memref_squeeze %dma_start3A_232 : memref<1x128xi32, #tpu.memory_space<vmem>> -> memref<128xi32, #tpu.memory_space<vmem>>
      %dma_start3A_234 = arith.constant 0 : i32
      %dma_start3A_235 = arith.constant 0 : i32
      %dma_start3A_236 = tpu.memref_slice %arg10[%dma_start3A_234, %dma_start3A_235] : memref<20000x16xf32, #tpu.memory_space<vmem_shared>> -> memref<20000x16xf32, #tpu.memory_space<vmem_shared>>
      tpu.enqueue_indirect_dma source(%dma_start3A_236 : memref<20000x16xf32, #tpu.memory_space<vmem_shared>>) target(%dma_start3A_230 : memref<128x16xf32, #tpu.memory_space<vmem>>) offsets(%dma_start3A_233 : memref<128xi32, #tpu.memory_space<vmem>>) semaphore(%arg23 : memref<!tpu.dma_semaphore, #tpu.memory_space<semaphore_mem>>)
      %dma_start3A_237 = arith.constant 3 : i32
      %dma_start3A_238 = arith.constant 384 : i32
      %dma_start3A_239 = arith.constant 0 : i32
      %dma_start3A_240 = tpu.memref_slice %arg15[%dma_start3A_238, %dma_start3A_239] : memref<1280x16xf32, #tpu.memory_space<vmem>> -> memref<128x16xf32, #tpu.memory_space<vmem>>
      %dma_start3A_241 = arith.constant 0 : i32
      %dma_start3A_242 = tpu.memref_slice %arg13[%dma_start3A_237, %dma_start3A_241] : memref<10x128xi32, #tpu.memory_space<vmem>> -> memref<1x128xi32, #tpu.memory_space<vmem>>
      %dma_start3A_243 = tpu.memref_squeeze %dma_start3A_242 : memref<1x128xi32, #tpu.memory_space<vmem>> -> memref<128xi32, #tpu.memory_space<vmem>>
      %dma_start3A_244 = arith.constant 0 : i32
      %dma_start3A_245 = arith.constant 0 : i32
      %dma_start3A_246 = tpu.memref_slice %arg10[%dma_start3A_244, %dma_start3A_245] : memref<20000x16xf32, #tpu.memory_space<vmem_shared>> -> memref<20000x16xf32, #tpu.memory_space<vmem_shared>>
      tpu.enqueue_indirect_dma source(%dma_start3A_246 : memref<20000x16xf32, #tpu.memory_space<vmem_shared>>) target(%dma_start3A_240 : memref<128x16xf32, #tpu.memory_space<vmem>>) offsets(%dma_start3A_243 : memref<128xi32, #tpu.memory_space<vmem>>) semaphore(%arg23 : memref<!tpu.dma_semaphore, #tpu.memory_space<semaphore_mem>>)
      %dma_start3A_247 = arith.constant 4 : i32
      %dma_start3A_248 = arith.constant 512 : i32
      %dma_start3A_249 = arith.constant 0 : i32
      %dma_start3A_250 = tpu.memref_slice %arg15[%dma_start3A_248, %dma_start3A_249] : memref<1280x16xf32, #tpu.memory_space<vmem>> -> memref<128x16xf32, #tpu.memory_space<vmem>>
      %dma_start3A_251 = arith.constant 0 : i32
      %dma_start3A_252 = tpu.memref_slice %arg13[%dma_start3A_247, %dma_start3A_251] : memref<10x128xi32, #tpu.memory_space<vmem>> -> memref<1x128xi32, #tpu.memory_space<vmem>>
      %dma_start3A_253 = tpu.memref_squeeze %dma_start3A_252 : memref<1x128xi32, #tpu.memory_space<vmem>> -> memref<128xi32, #tpu.memory_space<vmem>>
      %dma_start3A_254 = arith.constant 0 : i32
      %dma_start3A_255 = arith.constant 0 : i32
      %dma_start3A_256 = tpu.memref_slice %arg10[%dma_start3A_254, %dma_start3A_255] : memref<20000x16xf32, #tpu.memory_space<vmem_shared>> -> memref<20000x16xf32, #tpu.memory_space<vmem_shared>>
      tpu.enqueue_indirect_dma source(%dma_start3A_256 : memref<20000x16xf32, #tpu.memory_space<vmem_shared>>) target(%dma_start3A_250 : memref<128x16xf32, #tpu.memory_space<vmem>>) offsets(%dma_start3A_253 : memref<128xi32, #tpu.memory_space<vmem>>) semaphore(%arg23 : memref<!tpu.dma_semaphore, #tpu.memory_space<semaphore_mem>>)
      %dma_start3A_257 = arith.constant 5 : i32
      %dma_start3A_258 = arith.constant 640 : i32
      %dma_start3A_259 = arith.constant 0 : i32
      %dma_start3A_260 = tpu.memref_slice %arg15[%dma_start3A_258, %dma_start3A_259] : memref<1280x16xf32, #tpu.memory_space<vmem>> -> memref<128x16xf32, #tpu.memory_space<vmem>>
      %dma_start3A_261 = arith.constant 0 : i32
      %dma_start3A_262 = tpu.memref_slice %arg13[%dma_start3A_257, %dma_start3A_261] : memref<10x128xi32, #tpu.memory_space<vmem>> -> memref<1x128xi32, #tpu.memory_space<vmem>>
      %dma_start3A_263 = tpu.memref_squeeze %dma_start3A_262 : memref<1x128xi32, #tpu.memory_space<vmem>> -> memref<128xi32, #tpu.memory_space<vmem>>
      %dma_start3A_264 = arith.constant 0 : i32
      %dma_start3A_265 = arith.constant 0 : i32
      %dma_start3A_266 = tpu.memref_slice %arg10[%dma_start3A_264, %dma_start3A_265] : memref<20000x16xf32, #tpu.memory_space<vmem_shared>> -> memref<20000x16xf32, #tpu.memory_space<vmem_shared>>
      tpu.enqueue_indirect_dma source(%dma_start3A_266 : memref<20000x16xf32, #tpu.memory_space<vmem_shared>>) target(%dma_start3A_260 : memref<128x16xf32, #tpu.memory_space<vmem>>) offsets(%dma_start3A_263 : memref<128xi32, #tpu.memory_space<vmem>>) semaphore(%arg23 : memref<!tpu.dma_semaphore, #tpu.memory_space<semaphore_mem>>)
      %dma_start3A_267 = arith.constant 6 : i32
      %dma_start3A_268 = arith.constant 768 : i32
      %dma_start3A_269 = arith.constant 0 : i32
      %dma_start3A_270 = tpu.memref_slice %arg15[%dma_start3A_268, %dma_start3A_269] : memref<1280x16xf32, #tpu.memory_space<vmem>> -> memref<128x16xf32, #tpu.memory_space<vmem>>
      %dma_start3A_271 = arith.constant 0 : i32
      %dma_start3A_272 = tpu.memref_slice %arg13[%dma_start3A_267, %dma_start3A_271] : memref<10x128xi32, #tpu.memory_space<vmem>> -> memref<1x128xi32, #tpu.memory_space<vmem>>
      %dma_start3A_273 = tpu.memref_squeeze %dma_start3A_272 : memref<1x128xi32, #tpu.memory_space<vmem>> -> memref<128xi32, #tpu.memory_space<vmem>>
      %dma_start3A_274 = arith.constant 0 : i32
      %dma_start3A_275 = arith.constant 0 : i32
      %dma_start3A_276 = tpu.memref_slice %arg10[%dma_start3A_274, %dma_start3A_275] : memref<20000x16xf32, #tpu.memory_space<vmem_shared>> -> memref<20000x16xf32, #tpu.memory_space<vmem_shared>>
      tpu.enqueue_indirect_dma source(%dma_start3A_276 : memref<20000x16xf32, #tpu.memory_space<vmem_shared>>) target(%dma_start3A_270 : memref<128x16xf32, #tpu.memory_space<vmem>>) offsets(%dma_start3A_273 : memref<128xi32, #tpu.memory_space<vmem>>) semaphore(%arg23 : memref<!tpu.dma_semaphore, #tpu.memory_space<semaphore_mem>>)
      %dma_start3A_277 = arith.constant 7 : i32
      %dma_start3A_278 = arith.constant 896 : i32
      %dma_start3A_279 = arith.constant 0 : i32
      %dma_start3A_280 = tpu.memref_slice %arg15[%dma_start3A_278, %dma_start3A_279] : memref<1280x16xf32, #tpu.memory_space<vmem>> -> memref<128x16xf32, #tpu.memory_space<vmem>>
      %dma_start3A_281 = arith.constant 0 : i32
      %dma_start3A_282 = tpu.memref_slice %arg13[%dma_start3A_277, %dma_start3A_281] : memref<10x128xi32, #tpu.memory_space<vmem>> -> memref<1x128xi32, #tpu.memory_space<vmem>>
      %dma_start3A_283 = tpu.memref_squeeze %dma_start3A_282 : memref<1x128xi32, #tpu.memory_space<vmem>> -> memref<128xi32, #tpu.memory_space<vmem>>
      %dma_start3A_284 = arith.constant 0 : i32
      %dma_start3A_285 = arith.constant 0 : i32
      %dma_start3A_286 = tpu.memref_slice %arg10[%dma_start3A_284, %dma_start3A_285] : memref<20000x16xf32, #tpu.memory_space<vmem_shared>> -> memref<20000x16xf32, #tpu.memory_space<vmem_shared>>
      tpu.enqueue_indirect_dma source(%dma_start3A_286 : memref<20000x16xf32, #tpu.memory_space<vmem_shared>>) target(%dma_start3A_280 : memref<128x16xf32, #tpu.memory_space<vmem>>) offsets(%dma_start3A_283 : memref<128xi32, #tpu.memory_space<vmem>>) semaphore(%arg23 : memref<!tpu.dma_semaphore, #tpu.memory_space<semaphore_mem>>)
      %dma_start3A_287 = arith.constant 8 : i32
      %dma_start3A_288 = arith.constant 1024 : i32
      %dma_start3A_289 = arith.constant 0 : i32
      %dma_start3A_290 = tpu.memref_slice %arg15[%dma_start3A_288, %dma_start3A_289] : memref<1280x16xf32, #tpu.memory_space<vmem>> -> memref<128x16xf32, #tpu.memory_space<vmem>>
      %dma_start3A_291 = arith.constant 0 : i32
      %dma_start3A_292 = tpu.memref_slice %arg13[%dma_start3A_287, %dma_start3A_291] : memref<10x128xi32, #tpu.memory_space<vmem>> -> memref<1x128xi32, #tpu.memory_space<vmem>>
      %dma_start3A_293 = tpu.memref_squeeze %dma_start3A_292 : memref<1x128xi32, #tpu.memory_space<vmem>> -> memref<128xi32, #tpu.memory_space<vmem>>
      %dma_start3A_294 = arith.constant 0 : i32
      %dma_start3A_295 = arith.constant 0 : i32
      %dma_start3A_296 = tpu.memref_slice %arg10[%dma_start3A_294, %dma_start3A_295] : memref<20000x16xf32, #tpu.memory_space<vmem_shared>> -> memref<20000x16xf32, #tpu.memory_space<vmem_shared>>
      tpu.enqueue_indirect_dma source(%dma_start3A_296 : memref<20000x16xf32, #tpu.memory_space<vmem_shared>>) target(%dma_start3A_290 : memref<128x16xf32, #tpu.memory_space<vmem>>) offsets(%dma_start3A_293 : memref<128xi32, #tpu.memory_space<vmem>>) semaphore(%arg23 : memref<!tpu.dma_semaphore, #tpu.memory_space<semaphore_mem>>)
      %dma_start3A_297 = arith.constant 9 : i32
      %dma_start3A_298 = arith.constant 1152 : i32
      %dma_start3A_299 = arith.constant 0 : i32
      %dma_start3A_300 = tpu.memref_slice %arg15[%dma_start3A_298, %dma_start3A_299] : memref<1280x16xf32, #tpu.memory_space<vmem>> -> memref<128x16xf32, #tpu.memory_space<vmem>>
      %dma_start3A_301 = arith.constant 0 : i32
      %dma_start3A_302 = tpu.memref_slice %arg13[%dma_start3A_297, %dma_start3A_301] : memref<10x128xi32, #tpu.memory_space<vmem>> -> memref<1x128xi32, #tpu.memory_space<vmem>>
      %dma_start3A_303 = tpu.memref_squeeze %dma_start3A_302 : memref<1x128xi32, #tpu.memory_space<vmem>> -> memref<128xi32, #tpu.memory_space<vmem>>
      %dma_start3A_304 = arith.constant 0 : i32
      %dma_start3A_305 = arith.constant 0 : i32
      %dma_start3A_306 = tpu.memref_slice %arg10[%dma_start3A_304, %dma_start3A_305] : memref<20000x16xf32, #tpu.memory_space<vmem_shared>> -> memref<20000x16xf32, #tpu.memory_space<vmem_shared>>
      tpu.enqueue_indirect_dma source(%dma_start3A_306 : memref<20000x16xf32, #tpu.memory_space<vmem_shared>>) target(%dma_start3A_300 : memref<128x16xf32, #tpu.memory_space<vmem>>) offsets(%dma_start3A_303 : memref<128xi32, #tpu.memory_space<vmem>>) semaphore(%arg23 : memref<!tpu.dma_semaphore, #tpu.memory_space<semaphore_mem>>)
      %scan3A_307 = arith.constant 0 : i32
      %scan3A_308 = arith.constant 0 : i32
      %scan3A_309 = arith.constant 16 : i32
      %scan3A_310 = arith.addi %scan3A_308, %scan3A_309 : i32
      %scan3A_311 = arith.constant 1 : i32
      scf.for %scan3A_374 = %scan3A_308 to %scan3A_310 step %scan3A_311  : i32 {
        %mul3A_375 = arith.constant 5 : i32
        %mul3A_376 = arith.muli %mul3A_375, %scan3A_374 : i32
        %add3A_377 = arith.constant 0 : i32
        %add3A_378 = arith.addi %mul3A_376, %add3A_377 : i32
        %get3A = arith.constant 0 : i32
        %get3A_379 = arith.index_cast %get3A : i32 to index
        %get3A_380 = arith.constant 0 : index
        %get3A_381 = tpu.vector_load %arg11[%get3A_379, %get3A_380] {strides = array<i32>} : memref<5x32xi32, #tpu.memory_space<vmem>>, vector<16xi32>,
        %get3A_382 = arith.constant 0 : i32
        %get3A_383 = arith.index_cast %get3A_382 : i32 to index
        %get3A_384 = arith.constant 16 : index
        %get3A_385 = tpu.vector_load %arg11[%get3A_383, %get3A_384] {strides = array<i32>} : memref<5x32xi32, #tpu.memory_space<vmem>>, vector<16xi32>,
        %mul3A_386 = arith.constant 2 : i32
        %mul3A_387 = arith.muli %mul3A_386, %scan3A_374 : i32
        %add3A_388 = vector.broadcast %mul3A_387 : i32 to vector<16xi32>
        %add3A_389 = arith.addi %get3A_385, %add3A_388 : vector<16xi32>
        %shift_right_logical3A = arith.constant 3 : i32
        %shift_right_logical3A_390 = arith.shrui %add3A_378, %shift_right_logical3A : i32
        %and3A = arith.constant 7 : i32
        %and3A_391 = arith.andi %add3A_378, %and3A : i32
        %mul3A_392 = arith.constant 16 : i32
        %mul3A_393 = arith.muli %mul3A_392, %and3A_391 : i32
        %get3A_394 = arith.index_cast %shift_right_logical3A_390 : i32 to index
        %get3A_395 = arith.index_cast %mul3A_393 : i32 to index
        %get3A_396 = tpu.vector_load %arg13[%get3A_394, %get3A_395] {strides = array<i32>} : memref<10x128xi32, #tpu.memory_space<vmem>>, vector<16xi32>,
        %gather3A = tpu.vector_load_idx %arg9[%get3A_396] : memref<20000xf32, #tpu.memory_space<vmem>>[vector<16xi32>], vector<16xf32>,
        %get3A_397 = arith.index_cast %shift_right_logical3A_390 : i32 to index
        %get3A_398 = arith.index_cast %mul3A_393 : i32 to index
        %get3A_399 = tpu.vector_load %arg17[%get3A_397, %get3A_398] {strides = array<i32>} : memref<10x128xf32, #tpu.memory_space<vmem>>, vector<16xf32>,
        %mul3A_400 = arith.mulf %gather3A, %get3A_399 : vector<16xf32>
        tpu.vector_store_idx %arg19[%add3A_389, %get3A_381], %mul3A_400 : memref<32x128xf32, #tpu.memory_space<vmem>>[vector<16xi32>, vector<16xi32>], vector<16xf32>,
        %mul3A_401 = arith.constant 5 : i32
        %mul3A_402 = arith.muli %mul3A_401, %scan3A_374 : i32
        %add3A_403 = arith.constant 1 : i32
        %add3A_404 = arith.addi %mul3A_402, %add3A_403 : i32
        %get3A_405 = arith.constant 1 : i32
        %get3A_406 = arith.index_cast %get3A_405 : i32 to index
        %get3A_407 = arith.constant 0 : index
        %get3A_408 = tpu.vector_load %arg11[%get3A_406, %get3A_407] {strides = array<i32>} : memref<5x32xi32, #tpu.memory_space<vmem>>, vector<16xi32>,
        %get3A_409 = arith.constant 1 : i32
        %get3A_410 = arith.index_cast %get3A_409 : i32 to index
        %get3A_411 = arith.constant 16 : index
        %get3A_412 = tpu.vector_load %arg11[%get3A_410, %get3A_411] {strides = array<i32>} : memref<5x32xi32, #tpu.memory_space<vmem>>, vector<16xi32>,
        %mul3A_413 = arith.constant 2 : i32
        %mul3A_414 = arith.muli %mul3A_413, %scan3A_374 : i32
        %add3A_415 = vector.broadcast %mul3A_414 : i32 to vector<16xi32>
        %add3A_416 = arith.addi %get3A_412, %add3A_415 : vector<16xi32>
        %shift_right_logical3A_417 = arith.constant 3 : i32
        %shift_right_logical3A_418 = arith.shrui %add3A_404, %shift_right_logical3A_417 : i32
        %and3A_419 = arith.constant 7 : i32
        %and3A_420 = arith.andi %add3A_404, %and3A_419 : i32
        %mul3A_421 = arith.constant 16 : i32
        %mul3A_422 = arith.muli %mul3A_421, %and3A_420 : i32
        %get3A_423 = arith.index_cast %shift_right_logical3A_418 : i32 to index
        %get3A_424 = arith.index_cast %mul3A_422 : i32 to index
        %get3A_425 = tpu.vector_load %arg13[%get3A_423, %get3A_424] {strides = array<i32>} : memref<10x128xi32, #tpu.memory_space<vmem>>, vector<16xi32>,
        %gather3A_426 = tpu.vector_load_idx %arg9[%get3A_425] : memref<20000xf32, #tpu.memory_space<vmem>>[vector<16xi32>], vector<16xf32>,
        %get3A_427 = arith.index_cast %shift_right_logical3A_418 : i32 to index
        %get3A_428 = arith.index_cast %mul3A_422 : i32 to index
        %get3A_429 = tpu.vector_load %arg17[%get3A_427, %get3A_428] {strides = array<i32>} : memref<10x128xf32, #tpu.memory_space<vmem>>, vector<16xf32>,
        %mul3A_430 = arith.mulf %gather3A_426, %get3A_429 : vector<16xf32>
        tpu.vector_store_idx %arg19[%add3A_416, %get3A_408], %mul3A_430 : memref<32x128xf32, #tpu.memory_space<vmem>>[vector<16xi32>, vector<16xi32>], vector<16xf32>,
        %mul3A_431 = arith.constant 5 : i32
        %mul3A_432 = arith.muli %mul3A_431, %scan3A_374 : i32
        %add3A_433 = arith.constant 2 : i32
        %add3A_434 = arith.addi %mul3A_432, %add3A_433 : i32
        %get3A_435 = arith.constant 2 : i32
        %get3A_436 = arith.index_cast %get3A_435 : i32 to index
        %get3A_437 = arith.constant 0 : index
        %get3A_438 = tpu.vector_load %arg11[%get3A_436, %get3A_437] {strides = array<i32>} : memref<5x32xi32, #tpu.memory_space<vmem>>, vector<16xi32>,
        %get3A_439 = arith.constant 2 : i32
        %get3A_440 = arith.index_cast %get3A_439 : i32 to index
        %get3A_441 = arith.constant 16 : index
        %get3A_442 = tpu.vector_load %arg11[%get3A_440, %get3A_441] {strides = array<i32>} : memref<5x32xi32, #tpu.memory_space<vmem>>, vector<16xi32>,
        %mul3A_443 = arith.constant 2 : i32
        %mul3A_444 = arith.muli %mul3A_443, %scan3A_374 : i32
        %add3A_445 = vector.broadcast %mul3A_444 : i32 to vector<16xi32>
        %add3A_446 = arith.addi %get3A_442, %add3A_445 : vector<16xi32>
        %shift_right_logical3A_447 = arith.constant 3 : i32
        %shift_right_logical3A_448 = arith.shrui %add3A_434, %shift_right_logical3A_447 : i32
        %and3A_449 = arith.constant 7 : i32
        %and3A_450 = arith.andi %add3A_434, %and3A_449 : i32
        %mul3A_451 = arith.constant 16 : i32
        %mul3A_452 = arith.muli %mul3A_451, %and3A_450 : i32
        %get3A_453 = arith.index_cast %shift_right_logical3A_448 : i32 to index
        %get3A_454 = arith.index_cast %mul3A_452 : i32 to index
        %get3A_455 = tpu.vector_load %arg13[%get3A_453, %get3A_454] {strides = array<i32>} : memref<10x128xi32, #tpu.memory_space<vmem>>, vector<16xi32>,
        %gather3A_456 = tpu.vector_load_idx %arg9[%get3A_455] : memref<20000xf32, #tpu.memory_space<vmem>>[vector<16xi32>], vector<16xf32>,
        %get3A_457 = arith.index_cast %shift_right_logical3A_448 : i32 to index
        %get3A_458 = arith.index_cast %mul3A_452 : i32 to index
        %get3A_459 = tpu.vector_load %arg17[%get3A_457, %get3A_458] {strides = array<i32>} : memref<10x128xf32, #tpu.memory_space<vmem>>, vector<16xf32>,
        %mul3A_460 = arith.mulf %gather3A_456, %get3A_459 : vector<16xf32>
        tpu.vector_store_idx %arg19[%add3A_446, %get3A_438], %mul3A_460 : memref<32x128xf32, #tpu.memory_space<vmem>>[vector<16xi32>, vector<16xi32>], vector<16xf32>,
        %mul3A_461 = arith.constant 5 : i32
        %mul3A_462 = arith.muli %mul3A_461, %scan3A_374 : i32
        %add3A_463 = arith.constant 3 : i32
        %add3A_464 = arith.addi %mul3A_462, %add3A_463 : i32
        %get3A_465 = arith.constant 3 : i32
        %get3A_466 = arith.index_cast %get3A_465 : i32 to index
        %get3A_467 = arith.constant 0 : index
        %get3A_468 = tpu.vector_load %arg11[%get3A_466, %get3A_467] {strides = array<i32>} : memref<5x32xi32, #tpu.memory_space<vmem>>, vector<16xi32>,
        %get3A_469 = arith.constant 3 : i32
        %get3A_470 = arith.index_cast %get3A_469 : i32 to index
        %get3A_471 = arith.constant 16 : index
        %get3A_472 = tpu.vector_load %arg11[%get3A_470, %get3A_471] {strides = array<i32>} : memref<5x32xi32, #tpu.memory_space<vmem>>, vector<16xi32>,
        %mul3A_473 = arith.constant 2 : i32
        %mul3A_474 = arith.muli %mul3A_473, %scan3A_374 : i32
        %add3A_475 = vector.broadcast %mul3A_474 : i32 to vector<16xi32>
        %add3A_476 = arith.addi %get3A_472, %add3A_475 : vector<16xi32>
        %shift_right_logical3A_477 = arith.constant 3 : i32
        %shift_right_logical3A_478 = arith.shrui %add3A_464, %shift_right_logical3A_477 : i32
        %and3A_479 = arith.constant 7 : i32
        %and3A_480 = arith.andi %add3A_464, %and3A_479 : i32
        %mul3A_481 = arith.constant 16 : i32
        %mul3A_482 = arith.muli %mul3A_481, %and3A_480 : i32
        %get3A_483 = arith.index_cast %shift_right_logical3A_478 : i32 to index
        %get3A_484 = arith.index_cast %mul3A_482 : i32 to index
        %get3A_485 = tpu.vector_load %arg13[%get3A_483, %get3A_484] {strides = array<i32>} : memref<10x128xi32, #tpu.memory_space<vmem>>, vector<16xi32>,
        %gather3A_486 = tpu.vector_load_idx %arg9[%get3A_485] : memref<20000xf32, #tpu.memory_space<vmem>>[vector<16xi32>], vector<16xf32>,
        %get3A_487 = arith.index_cast %shift_right_logical3A_478 : i32 to index
        %get3A_488 = arith.index_cast %mul3A_482 : i32 to index
        %get3A_489 = tpu.vector_load %arg17[%get3A_487, %get3A_488] {strides = array<i32>} : memref<10x128xf32, #tpu.memory_space<vmem>>, vector<16xf32>,
        %mul3A_490 = arith.mulf %gather3A_486, %get3A_489 : vector<16xf32>
        tpu.vector_store_idx %arg19[%add3A_476, %get3A_468], %mul3A_490 : memref<32x128xf32, #tpu.memory_space<vmem>>[vector<16xi32>, vector<16xi32>], vector<16xf32>,
        %mul3A_491 = arith.constant 5 : i32
        %mul3A_492 = arith.muli %mul3A_491, %scan3A_374 : i32
        %add3A_493 = arith.constant 4 : i32
        %add3A_494 = arith.addi %mul3A_492, %add3A_493 : i32
        %get3A_495 = arith.constant 4 : i32
        %get3A_496 = arith.index_cast %get3A_495 : i32 to index
        %get3A_497 = arith.constant 0 : index
        %get3A_498 = tpu.vector_load %arg11[%get3A_496, %get3A_497] {strides = array<i32>} : memref<5x32xi32, #tpu.memory_space<vmem>>, vector<16xi32>,
        %get3A_499 = arith.constant 4 : i32
        %get3A_500 = arith.index_cast %get3A_499 : i32 to index
        %get3A_501 = arith.constant 16 : index
        %get3A_502 = tpu.vector_load %arg11[%get3A_500, %get3A_501] {strides = array<i32>} : memref<5x32xi32, #tpu.memory_space<vmem>>, vector<16xi32>,
        %mul3A_503 = arith.constant 2 : i32
        %mul3A_504 = arith.muli %mul3A_503, %scan3A_374 : i32
        %add3A_505 = vector.broadcast %mul3A_504 : i32 to vector<16xi32>
        %add3A_506 = arith.addi %get3A_502, %add3A_505 : vector<16xi32>
        %shift_right_logical3A_507 = arith.constant 3 : i32
        %shift_right_logical3A_508 = arith.shrui %add3A_494, %shift_right_logical3A_507 : i32
        %and3A_509 = arith.constant 7 : i32
        %and3A_510 = arith.andi %add3A_494, %and3A_509 : i32
        %mul3A_511 = arith.constant 16 : i32
        %mul3A_512 = arith.muli %mul3A_511, %and3A_510 : i32
        %get3A_513 = arith.index_cast %shift_right_logical3A_508 : i32 to index
        %get3A_514 = arith.index_cast %mul3A_512 : i32 to index
        %get3A_515 = tpu.vector_load %arg13[%get3A_513, %get3A_514] {strides = array<i32>} : memref<10x128xi32, #tpu.memory_space<vmem>>, vector<16xi32>,
        %gather3A_516 = tpu.vector_load_idx %arg9[%get3A_515] : memref<20000xf32, #tpu.memory_space<vmem>>[vector<16xi32>], vector<16xf32>,
        %get3A_517 = arith.index_cast %shift_right_logical3A_508 : i32 to index
        %get3A_518 = arith.index_cast %mul3A_512 : i32 to index
        %get3A_519 = tpu.vector_load %arg17[%get3A_517, %get3A_518] {strides = array<i32>} : memref<10x128xf32, #tpu.memory_space<vmem>>, vector<16xf32>,
        %mul3A_520 = arith.mulf %gather3A_516, %get3A_519 : vector<16xf32>
        tpu.vector_store_idx %arg19[%add3A_506, %get3A_498], %mul3A_520 : memref<32x128xf32, #tpu.memory_space<vmem>>[vector<16xi32>, vector<16xi32>], vector<16xf32>,
      }
      %scan3A_312 = arith.constant 16 : i32
      %mul3A_313 = arith.constant 2 : i32
      %mul3A_314 = arith.muli %mul3A_313, %scan3A_67 : i32
      %add3A_315 = arith.constant 0 : i32
      %add3A_316 = arith.addi %mul3A_314, %add3A_315 : i32
      %dma_wait3A_317 = arith.constant 0 : i32
      %dma_wait3A_318 = arith.constant 0 : i32
      %dma_wait3A_319 = tpu.memref_slice %arg10[%dma_wait3A_317, %dma_wait3A_318] : memref<20000x16xf32, #tpu.memory_space<vmem_shared>> -> memref<1280x16xf32, #tpu.memory_space<vmem_shared>>
      %dma_wait3A_320 = arith.constant 0 : i32
      %dma_wait3A_321 = arith.constant 0 : i32
      %dma_wait3A_322 = tpu.memref_slice %arg10[%dma_wait3A_320, %dma_wait3A_321] : memref<20000x16xf32, #tpu.memory_space<vmem_shared>> -> memref<1280x16xf32, #tpu.memory_space<vmem_shared>>
      tpu.wait_dma2 semaphore(%arg22 : memref<!tpu.dma_semaphore, #tpu.memory_space<semaphore_mem>>) src(%dma_wait3A_322 : memref<1280x16xf32, #tpu.memory_space<vmem_shared>>) dst(%arg14 : memref<1280x16xf32, #tpu.memory_space<vmem>>)
      %mul3A_323 = arith.constant 10 : i32
      %mul3A_324 = arith.muli %add3A_316, %mul3A_323 : i32
      %add3A_325 = arith.addi %mul3A_2, %mul3A_324 : i32
      %mul3A_326 = arith.constant 128 : i32
      %mul3A_327 = arith.muli %add3A_325, %mul3A_326 : i32
      %dma_start3A_328 = arith.constant 0 : i32
      %dma_start3A_329 = tpu.memref_slice %arg7[%mul3A_327, %dma_start3A_328] : memref<327680x16xf32, #tpu.memory_space<hbm>> -> memref<1280x16xf32, #tpu.memory_space<hbm>>
      %dma_start3A_330 = arith.constant 0 : i32
      %dma_start3A_331 = tpu.memref_slice %arg7[%mul3A_327, %dma_start3A_330] : memref<327680x16xf32, #tpu.memory_space<hbm>> -> memref<1280x16xf32, #tpu.memory_space<hbm>>
      tpu.enqueue_dma source(%arg14 : memref<1280x16xf32, #tpu.memory_space<vmem>>) target(%dma_start3A_331 : memref<1280x16xf32, #tpu.memory_space<hbm>>) target_semaphore(%arg24 : memref<!tpu.dma_semaphore, #tpu.memory_space<semaphore_mem>>)
      %mul3A_332 = arith.constant 32 : i32
      %mul3A_333 = arith.muli %add3A_316, %mul3A_332 : i32
      %add3A_334 = arith.addi %mul3A_4, %mul3A_333 : i32
      %dma_start3A_335 = arith.constant 0 : i32
      %dma_start3A_336 = tpu.memref_slice %arg8[%add3A_334, %dma_start3A_335] : memref<8192x128xf32, #tpu.memory_space<hbm>> -> memref<32x128xf32, #tpu.memory_space<hbm>>
      %dma_start3A_337 = arith.constant 0 : i32
      %dma_start3A_338 = tpu.memref_slice %arg8[%add3A_334, %dma_start3A_337] : memref<8192x128xf32, #tpu.memory_space<hbm>> -> memref<32x128xf32, #tpu.memory_space<hbm>>
      tpu.enqueue_dma source(%arg18 : memref<32x128xf32, #tpu.memory_space<vmem>>) target(%dma_start3A_338 : memref<32x128xf32, #tpu.memory_space<hbm>>) target_semaphore(%arg24 : memref<!tpu.dma_semaphore, #tpu.memory_space<semaphore_mem>>)
      %lt3A = arith.constant 3 : i32
      %lt3A_339 = arith.cmpi slt, %scan3A_67, %lt3A : i32
      %convert_element_type3A_340 = arith.extui %lt3A_339 : i1 to i32
      %cond3A_341 = arith.constant 0 : i32
      %cond3A_342 = arith.cmpi ne, %convert_element_type3A_340, %cond3A_341 : i32
      scf.if %cond3A_342 {
        %add3A_374 = arith.constant 2 : i32
        %add3A_375 = arith.addi %add3A_316, %add3A_374 : i32
        %mul3A_376 = arith.constant 10 : i32
        %mul3A_377 = arith.muli %add3A_375, %mul3A_376 : i32
        %add3A_378 = arith.addi %mul3A_2, %mul3A_377 : i32
        %dma_start3A_379 = arith.constant 0 : i32
        %dma_start3A_380 = tpu.memref_slice %arg2[%add3A_378, %dma_start3A_379] : memref<2560x128xi32, #tpu.memory_space<hbm>> -> memref<10x128xi32, #tpu.memory_space<hbm>>
        %dma_start3A_381 = arith.constant 0 : i32
        %dma_start3A_382 = tpu.memref_slice %arg2[%add3A_378, %dma_start3A_381] : memref<2560x128xi32, #tpu.memory_space<hbm>> -> memref<10x128xi32, #tpu.memory_space<hbm>>
        tpu.enqueue_dma source(%dma_start3A_382 : memref<10x128xi32, #tpu.memory_space<hbm>>) target(%arg12 : memref<10x128xi32, #tpu.memory_space<vmem>>) target_semaphore(%arg20 : memref<!tpu.dma_semaphore, #tpu.memory_space<semaphore_mem>>)
        %dma_start3A_383 = arith.constant 0 : i32
        %dma_start3A_384 = tpu.memref_slice %arg5[%add3A_378, %dma_start3A_383] : memref<2560x128xf32, #tpu.memory_space<hbm>> -> memref<10x128xf32, #tpu.memory_space<hbm>>
        %dma_start3A_385 = arith.constant 0 : i32
        %dma_start3A_386 = tpu.memref_slice %arg5[%add3A_378, %dma_start3A_385] : memref<2560x128xf32, #tpu.memory_space<hbm>> -> memref<10x128xf32, #tpu.memory_space<hbm>>
        tpu.enqueue_dma source(%dma_start3A_386 : memref<10x128xf32, #tpu.memory_space<hbm>>) target(%arg16 : memref<10x128xf32, #tpu.memory_space<vmem>>) target_semaphore(%arg20 : memref<!tpu.dma_semaphore, #tpu.memory_space<semaphore_mem>>)
      } else {
      }
      %mul3A_343 = arith.constant 2 : i32
      %mul3A_344 = arith.muli %mul3A_343, %scan3A_67 : i32
      %add3A_345 = arith.constant 1 : i32
      %add3A_346 = arith.addi %mul3A_344, %add3A_345 : i32
      %dma_wait3A_347 = arith.constant 0 : i32
      %dma_wait3A_348 = arith.constant 0 : i32
      %dma_wait3A_349 = tpu.memref_slice %arg10[%dma_wait3A_347, %dma_wait3A_348] : memref<20000x16xf32, #tpu.memory_space<vmem_shared>> -> memref<1280x16xf32, #tpu.memory_space<vmem_shared>>
      %dma_wait3A_350 = arith.constant 0 : i32
      %dma_wait3A_351 = arith.constant 0 : i32
      %dma_wait3A_352 = tpu.memref_slice %arg10[%dma_wait3A_350, %dma_wait3A_351] : memref<20000x16xf32, #tpu.memory_space<vmem_shared>> -> memref<1280x16xf32, #tpu.memory_space<vmem_shared>>
      tpu.wait_dma2 semaphore(%arg23 : memref<!tpu.dma_semaphore, #tpu.memory_space<semaphore_mem>>) src(%dma_wait3A_352 : memref<1280x16xf32, #tpu.memory_space<vmem_shared>>) dst(%arg15 : memref<1280x16xf32, #tpu.memory_space<vmem>>)
      %mul3A_353 = arith.constant 10 : i32
      %mul3A_354 = arith.muli %add3A_346, %mul3A_353 : i32
      %add3A_355 = arith.addi %mul3A_2, %mul3A_354 : i32
      %mul3A_356 = arith.constant 128 : i32
      %mul3A_357 = arith.muli %add3A_355, %mul3A_356 : i32
      %dma_start3A_358 = arith.constant 0 : i32
      %dma_start3A_359 = tpu.memref_slice %arg7[%mul3A_357, %dma_start3A_358] : memref<327680x16xf32, #tpu.memory_space<hbm>> -> memref<1280x16xf32, #tpu.memory_space<hbm>>
      %dma_start3A_360 = arith.constant 0 : i32
      %dma_start3A_361 = tpu.memref_slice %arg7[%mul3A_357, %dma_start3A_360] : memref<327680x16xf32, #tpu.memory_space<hbm>> -> memref<1280x16xf32, #tpu.memory_space<hbm>>
      tpu.enqueue_dma source(%arg15 : memref<1280x16xf32, #tpu.memory_space<vmem>>) target(%dma_start3A_361 : memref<1280x16xf32, #tpu.memory_space<hbm>>) target_semaphore(%arg25 : memref<!tpu.dma_semaphore, #tpu.memory_space<semaphore_mem>>)
      %mul3A_362 = arith.constant 32 : i32
      %mul3A_363 = arith.muli %add3A_346, %mul3A_362 : i32
      %add3A_364 = arith.addi %mul3A_4, %mul3A_363 : i32
      %dma_start3A_365 = arith.constant 0 : i32
      %dma_start3A_366 = tpu.memref_slice %arg8[%add3A_364, %dma_start3A_365] : memref<8192x128xf32, #tpu.memory_space<hbm>> -> memref<32x128xf32, #tpu.memory_space<hbm>>
      %dma_start3A_367 = arith.constant 0 : i32
      %dma_start3A_368 = tpu.memref_slice %arg8[%add3A_364, %dma_start3A_367] : memref<8192x128xf32, #tpu.memory_space<hbm>> -> memref<32x128xf32, #tpu.memory_space<hbm>>
      tpu.enqueue_dma source(%arg19 : memref<32x128xf32, #tpu.memory_space<vmem>>) target(%dma_start3A_368 : memref<32x128xf32, #tpu.memory_space<hbm>>) target_semaphore(%arg25 : memref<!tpu.dma_semaphore, #tpu.memory_space<semaphore_mem>>)
      %lt3A_369 = arith.constant 3 : i32
      %lt3A_370 = arith.cmpi slt, %scan3A_67, %lt3A_369 : i32
      %convert_element_type3A_371 = arith.extui %lt3A_370 : i1 to i32
      %cond3A_372 = arith.constant 0 : i32
      %cond3A_373 = arith.cmpi ne, %convert_element_type3A_371, %cond3A_372 : i32
      scf.if %cond3A_373 {
        %add3A_374 = arith.constant 2 : i32
        %add3A_375 = arith.addi %add3A_346, %add3A_374 : i32
        %mul3A_376 = arith.constant 10 : i32
        %mul3A_377 = arith.muli %add3A_375, %mul3A_376 : i32
        %add3A_378 = arith.addi %mul3A_2, %mul3A_377 : i32
        %dma_start3A_379 = arith.constant 0 : i32
        %dma_start3A_380 = tpu.memref_slice %arg2[%add3A_378, %dma_start3A_379] : memref<2560x128xi32, #tpu.memory_space<hbm>> -> memref<10x128xi32, #tpu.memory_space<hbm>>
        %dma_start3A_381 = arith.constant 0 : i32
        %dma_start3A_382 = tpu.memref_slice %arg2[%add3A_378, %dma_start3A_381] : memref<2560x128xi32, #tpu.memory_space<hbm>> -> memref<10x128xi32, #tpu.memory_space<hbm>>
        tpu.enqueue_dma source(%dma_start3A_382 : memref<10x128xi32, #tpu.memory_space<hbm>>) target(%arg13 : memref<10x128xi32, #tpu.memory_space<vmem>>) target_semaphore(%arg21 : memref<!tpu.dma_semaphore, #tpu.memory_space<semaphore_mem>>)
        %dma_start3A_383 = arith.constant 0 : i32
        %dma_start3A_384 = tpu.memref_slice %arg5[%add3A_378, %dma_start3A_383] : memref<2560x128xf32, #tpu.memory_space<hbm>> -> memref<10x128xf32, #tpu.memory_space<hbm>>
        %dma_start3A_385 = arith.constant 0 : i32
        %dma_start3A_386 = tpu.memref_slice %arg5[%add3A_378, %dma_start3A_385] : memref<2560x128xf32, #tpu.memory_space<hbm>> -> memref<10x128xf32, #tpu.memory_space<hbm>>
        tpu.enqueue_dma source(%dma_start3A_386 : memref<10x128xf32, #tpu.memory_space<hbm>>) target(%arg17 : memref<10x128xf32, #tpu.memory_space<vmem>>) target_semaphore(%arg21 : memref<!tpu.dma_semaphore, #tpu.memory_space<semaphore_mem>>)
      } else {
      }
    }
    %scan3A_43 = arith.constant 4 : i32
    %dma_wait3A = arith.constant 0 : i32
    %dma_wait3A_44 = arith.constant 0 : i32
    %dma_wait3A_45 = tpu.memref_slice %arg7[%dma_wait3A, %dma_wait3A_44] : memref<327680x16xf32, #tpu.memory_space<hbm>> -> memref<1280x16xf32, #tpu.memory_space<hbm>>
    %dma_wait3A_46 = arith.constant 0 : i32
    %dma_wait3A_47 = arith.constant 0 : i32
    %dma_wait3A_48 = tpu.memref_slice %arg7[%dma_wait3A_46, %dma_wait3A_47] : memref<327680x16xf32, #tpu.memory_space<hbm>> -> memref<1280x16xf32, #tpu.memory_space<hbm>>
    tpu.wait_dma2 semaphore(%arg24 : memref<!tpu.dma_semaphore, #tpu.memory_space<semaphore_mem>>) src(%arg14 : memref<1280x16xf32, #tpu.memory_space<vmem>>) dst(%dma_wait3A_48 : memref<1280x16xf32, #tpu.memory_space<hbm>>)
    %dma_wait3A_49 = arith.constant 0 : i32
    %dma_wait3A_50 = arith.constant 0 : i32
    %dma_wait3A_51 = tpu.memref_slice %arg8[%dma_wait3A_49, %dma_wait3A_50] : memref<8192x128xf32, #tpu.memory_space<hbm>> -> memref<32x128xf32, #tpu.memory_space<hbm>>
    %dma_wait3A_52 = arith.constant 0 : i32
    %dma_wait3A_53 = arith.constant 0 : i32
    %dma_wait3A_54 = tpu.memref_slice %arg8[%dma_wait3A_52, %dma_wait3A_53] : memref<8192x128xf32, #tpu.memory_space<hbm>> -> memref<32x128xf32, #tpu.memory_space<hbm>>
    tpu.wait_dma2 semaphore(%arg24 : memref<!tpu.dma_semaphore, #tpu.memory_space<semaphore_mem>>) src(%arg18 : memref<32x128xf32, #tpu.memory_space<vmem>>) dst(%dma_wait3A_54 : memref<32x128xf32, #tpu.memory_space<hbm>>)
    %dma_wait3A_55 = arith.constant 0 : i32
    %dma_wait3A_56 = arith.constant 0 : i32
    %dma_wait3A_57 = tpu.memref_slice %arg7[%dma_wait3A_55, %dma_wait3A_56] : memref<327680x16xf32, #tpu.memory_space<hbm>> -> memref<1280x16xf32, #tpu.memory_space<hbm>>
    %dma_wait3A_58 = arith.constant 0 : i32
    %dma_wait3A_59 = arith.constant 0 : i32
    %dma_wait3A_60 = tpu.memref_slice %arg7[%dma_wait3A_58, %dma_wait3A_59] : memref<327680x16xf32, #tpu.memory_space<hbm>> -> memref<1280x16xf32, #tpu.memory_space<hbm>>
    tpu.wait_dma2 semaphore(%arg25 : memref<!tpu.dma_semaphore, #tpu.memory_space<semaphore_mem>>) src(%arg15 : memref<1280x16xf32, #tpu.memory_space<vmem>>) dst(%dma_wait3A_60 : memref<1280x16xf32, #tpu.memory_space<hbm>>)
    %dma_wait3A_61 = arith.constant 0 : i32
    %dma_wait3A_62 = arith.constant 0 : i32
    %dma_wait3A_63 = tpu.memref_slice %arg8[%dma_wait3A_61, %dma_wait3A_62] : memref<8192x128xf32, #tpu.memory_space<hbm>> -> memref<32x128xf32, #tpu.memory_space<hbm>>
    %dma_wait3A_64 = arith.constant 0 : i32
    %dma_wait3A_65 = arith.constant 0 : i32
    %dma_wait3A_66 = tpu.memref_slice %arg8[%dma_wait3A_64, %dma_wait3A_65] : memref<8192x128xf32, #tpu.memory_space<hbm>> -> memref<32x128xf32, #tpu.memory_space<hbm>>
    tpu.wait_dma2 semaphore(%arg25 : memref<!tpu.dma_semaphore, #tpu.memory_space<semaphore_mem>>) src(%arg19 : memref<32x128xf32, #tpu.memory_space<vmem>>) dst(%dma_wait3A_66 : memref<32x128xf32, #tpu.memory_space<hbm>>)
    return
  }
}

module attributes {stable_mosaic.version = 14 : i64} {
  func.func @_tc_body(%arg0: i32, %arg1: memref<10240x128xf32, #tpu.memory_space<vmem>>, %arg2: memref<2048x13xf32, #tpu.memory_space<vmem>>, %arg3: memref<2048x128xf32, #tpu.memory_space<vmem>>, %arg4: memref<640x256xf32, #tpu.memory_space<vmem>>, %arg5: memref<13x256xf32, #tpu.memory_space<vmem>>, %arg6: memref<1x256xf32, #tpu.memory_space<vmem>>, %arg7: memref<1x256xf32, #tpu.memory_space<vmem>>, %arg8: memref<1x256xf32, #tpu.memory_space<vmem>>, %arg9: memref<1x256xf32, #tpu.memory_space<vmem>>, %arg10: memref<1x256xf32, #tpu.memory_space<vmem>>, %arg11: memref<256x128xf32, #tpu.memory_space<vmem>>, %arg12: memref<1x128xf32, #tpu.memory_space<vmem>>, %arg13: memref<1x128xf32, #tpu.memory_space<vmem>>, %arg14: memref<1x128xf32, #tpu.memory_space<vmem>>, %arg15: memref<1x128xf32, #tpu.memory_space<vmem>>, %arg16: memref<1x128xf32, #tpu.memory_space<vmem>>, %arg17: memref<128x2xf32, #tpu.memory_space<vmem>>, %arg18: memref<128x2xf32, #tpu.memory_space<vmem>>, %arg19: memref<1x2xf32, #tpu.memory_space<vmem>>, %arg20: memref<2048x2xf32, #tpu.memory_space<vmem>>) attributes {dimension_semantics = [#tpu.dimension_semantics<arbitrary>], iteration_bounds = array<i64: 4>, scalar_prefetch = 0 : i64, scratch_operands = 0 : i64, tpu.core_type = #tpu.core_type<tc>, window_params = [{transform_indices = @transform_0, window_bounds = array<i64: 10240, 128>}, {transform_indices = @transform_1, window_bounds = array<i64: 2048, 13>}, {transform_indices = @transform_2, window_bounds = array<i64: 2048, 128>}, {pipeline_mode = #tpu.pipeline_mode<synchronous>, transform_indices = @transform_3, window_bounds = array<i64: 640, 256>}, {pipeline_mode = #tpu.pipeline_mode<synchronous>, transform_indices = @transform_4, window_bounds = array<i64: 13, 256>}, {pipeline_mode = #tpu.pipeline_mode<synchronous>, transform_indices = @transform_5, window_bounds = array<i64: 1, 256>}, {pipeline_mode = #tpu.pipeline_mode<synchronous>, transform_indices = @transform_6, window_bounds = array<i64: 1, 256>}, {pipeline_mode = #tpu.pipeline_mode<synchronous>, transform_indices = @transform_7, window_bounds = array<i64: 1, 256>}, {pipeline_mode = #tpu.pipeline_mode<synchronous>, transform_indices = @transform_8, window_bounds = array<i64: 1, 256>}, {pipeline_mode = #tpu.pipeline_mode<synchronous>, transform_indices = @transform_9, window_bounds = array<i64: 1, 256>}, {pipeline_mode = #tpu.pipeline_mode<synchronous>, transform_indices = @transform_10, window_bounds = array<i64: 256, 128>}, {pipeline_mode = #tpu.pipeline_mode<synchronous>, transform_indices = @transform_11, window_bounds = array<i64: 1, 128>}, {pipeline_mode = #tpu.pipeline_mode<synchronous>, transform_indices = @transform_12, window_bounds = array<i64: 1, 128>}, {pipeline_mode = #tpu.pipeline_mode<synchronous>, transform_indices = @transform_13, window_bounds = array<i64: 1, 128>}, {pipeline_mode = #tpu.pipeline_mode<synchronous>, transform_indices = @transform_14, window_bounds = array<i64: 1, 128>}, {pipeline_mode = #tpu.pipeline_mode<synchronous>, transform_indices = @transform_15, window_bounds = array<i64: 1, 128>}, {pipeline_mode = #tpu.pipeline_mode<synchronous>, transform_indices = @transform_16, window_bounds = array<i64: 128, 2>}, {pipeline_mode = #tpu.pipeline_mode<synchronous>, transform_indices = @transform_17, window_bounds = array<i64: 128, 2>}, {pipeline_mode = #tpu.pipeline_mode<synchronous>, transform_indices = @transform_18, window_bounds = array<i64: 1, 2>}, {transform_indices = @transform_19, window_bounds = array<i64: 2048, 2>}]} {
    %get3A = arith.constant 0 : index
    %get3A_0 = arith.constant 0 : index
    %get3A_1 = vector.load %arg1[%get3A, %get3A_0] : memref<10240x128xf32, #tpu.memory_space<vmem>>, vector<10240x128xf32>
    %reshape3A = vector.shape_cast %get3A_1 : vector<10240x128xf32> to vector<2048x640xf32>
    %get3A_2 = arith.constant 0 : index
    %get3A_3 = arith.constant 0 : index
    %get3A_4 = vector.load %arg4[%get3A_2, %get3A_3] : memref<640x256xf32, #tpu.memory_space<vmem>>, vector<640x256xf32>
    %dot_general3A = arith.constant dense<0.000000e+00> : vector<2048x256xf32>
    %dot_general3A_5 = tpu.matmul %reshape3A, %get3A_4, %dot_general3A {dimension_numbers = #tpu.dot_dimension_numbers<[1], [0], [0], [1], [0, 0, 1, 1], [], []>, transpose_lhs_hint = false} : vector<2048x640xf32>, vector<640x256xf32>, vector<2048x256xf32> -> vector<2048x256xf32>
    %get3A_6 = arith.constant 0 : index
    %get3A_7 = arith.constant 0 : index
    %get3A_8 = vector.load %arg2[%get3A_6, %get3A_7] : memref<2048x13xf32, #tpu.memory_space<vmem>>, vector<2048x13xf32>
    %get3A_9 = arith.constant 0 : index
    %get3A_10 = arith.constant 0 : index
    %get3A_11 = vector.load %arg5[%get3A_9, %get3A_10] : memref<13x256xf32, #tpu.memory_space<vmem>>, vector<13x256xf32>
    %dot_general3A_12 = arith.constant dense<0.000000e+00> : vector<2048x256xf32>
    %dot_general3A_13 = tpu.matmul %get3A_8, %get3A_11, %dot_general3A_12 {dimension_numbers = #tpu.dot_dimension_numbers<[1], [0], [0], [1], [0, 0, 1, 1], [], []>, transpose_lhs_hint = false} : vector<2048x13xf32>, vector<13x256xf32>, vector<2048x256xf32> -> vector<2048x256xf32>
    %add3A = arith.addf %dot_general3A_5, %dot_general3A_13 : vector<2048x256xf32>
    %get3A_14 = arith.constant 0 : index
    %get3A_15 = arith.constant 0 : index
    %get3A_16 = vector.load %arg6[%get3A_14, %get3A_15] : memref<1x256xf32, #tpu.memory_space<vmem>>, vector<1x256xf32>
    %add3A_17 = vector.broadcast %get3A_16 : vector<1x256xf32> to vector<2048x256xf32>
    %add3A_18 = arith.addf %add3A, %add3A_17 : vector<2048x256xf32>
    %max3A = arith.constant 0.000000e+00 : f32
    %max3A_19 = vector.broadcast %max3A : f32 to vector<2048x256xf32>
    %max3A_20 = arith.maximumf %add3A_18, %max3A_19 : vector<2048x256xf32>
    %get3A_21 = arith.constant 0 : index
    %get3A_22 = arith.constant 0 : index
    %get3A_23 = vector.load %arg7[%get3A_21, %get3A_22] : memref<1x256xf32, #tpu.memory_space<vmem>>, vector<1x256xf32>
    %get3A_24 = arith.constant 0 : index
    %get3A_25 = arith.constant 0 : index
    %get3A_26 = vector.load %arg10[%get3A_24, %get3A_25] : memref<1x256xf32, #tpu.memory_space<vmem>>, vector<1x256xf32>
    %add3A_27 = arith.constant 1.000000e-03 : f32
    %add3A_28 = vector.broadcast %add3A_27 : f32 to vector<1x256xf32>
    %add3A_29 = arith.addf %get3A_26, %add3A_28 : vector<1x256xf32>
    %rsqrt3A = math.rsqrt %add3A_29 : vector<1x256xf32>
    %mul3A = arith.mulf %get3A_23, %rsqrt3A : vector<1x256xf32>
    %get3A_30 = arith.constant 0 : index
    %get3A_31 = arith.constant 0 : index
    %get3A_32 = vector.load %arg9[%get3A_30, %get3A_31] : memref<1x256xf32, #tpu.memory_space<vmem>>, vector<1x256xf32>
    %sub3A = vector.broadcast %get3A_32 : vector<1x256xf32> to vector<2048x256xf32>
    %sub3A_33 = arith.subf %max3A_20, %sub3A : vector<2048x256xf32>
    %mul3A_34 = vector.broadcast %mul3A : vector<1x256xf32> to vector<2048x256xf32>
    %mul3A_35 = arith.mulf %sub3A_33, %mul3A_34 : vector<2048x256xf32>
    %get3A_36 = arith.constant 0 : index
    %get3A_37 = arith.constant 0 : index
    %get3A_38 = vector.load %arg8[%get3A_36, %get3A_37] : memref<1x256xf32, #tpu.memory_space<vmem>>, vector<1x256xf32>
    %add3A_39 = vector.broadcast %get3A_38 : vector<1x256xf32> to vector<2048x256xf32>
    %add3A_40 = arith.addf %mul3A_35, %add3A_39 : vector<2048x256xf32>
    %get3A_41 = arith.constant 0 : index
    %get3A_42 = arith.constant 0 : index
    %get3A_43 = vector.load %arg11[%get3A_41, %get3A_42] : memref<256x128xf32, #tpu.memory_space<vmem>>, vector<256x128xf32>
    %dot_general3A_44 = arith.constant dense<0.000000e+00> : vector<2048x128xf32>
    %dot_general3A_45 = tpu.matmul %add3A_40, %get3A_43, %dot_general3A_44 {dimension_numbers = #tpu.dot_dimension_numbers<[1], [0], [0], [1], [0, 0, 1, 1], [], []>, transpose_lhs_hint = false} : vector<2048x256xf32>, vector<256x128xf32>, vector<2048x128xf32> -> vector<2048x128xf32>
    %get3A_46 = arith.constant 0 : index
    %get3A_47 = arith.constant 0 : index
    %get3A_48 = vector.load %arg12[%get3A_46, %get3A_47] : memref<1x128xf32, #tpu.memory_space<vmem>>, vector<1x128xf32>
    %add3A_49 = vector.broadcast %get3A_48 : vector<1x128xf32> to vector<2048x128xf32>
    %add3A_50 = arith.addf %dot_general3A_45, %add3A_49 : vector<2048x128xf32>
    %max3A_51 = arith.constant 0.000000e+00 : f32
    %max3A_52 = vector.broadcast %max3A_51 : f32 to vector<2048x128xf32>
    %max3A_53 = arith.maximumf %add3A_50, %max3A_52 : vector<2048x128xf32>
    %get3A_54 = arith.constant 0 : index
    %get3A_55 = arith.constant 0 : index
    %get3A_56 = vector.load %arg13[%get3A_54, %get3A_55] : memref<1x128xf32, #tpu.memory_space<vmem>>, vector<1x128xf32>
    %get3A_57 = arith.constant 0 : index
    %get3A_58 = arith.constant 0 : index
    %get3A_59 = vector.load %arg16[%get3A_57, %get3A_58] : memref<1x128xf32, #tpu.memory_space<vmem>>, vector<1x128xf32>
    %add3A_60 = arith.constant 1.000000e-03 : f32
    %add3A_61 = vector.broadcast %add3A_60 : f32 to vector<1x128xf32>
    %add3A_62 = arith.addf %get3A_59, %add3A_61 : vector<1x128xf32>
    %rsqrt3A_63 = math.rsqrt %add3A_62 : vector<1x128xf32>
    %mul3A_64 = arith.mulf %get3A_56, %rsqrt3A_63 : vector<1x128xf32>
    %get3A_65 = arith.constant 0 : index
    %get3A_66 = arith.constant 0 : index
    %get3A_67 = vector.load %arg15[%get3A_65, %get3A_66] : memref<1x128xf32, #tpu.memory_space<vmem>>, vector<1x128xf32>
    %sub3A_68 = vector.broadcast %get3A_67 : vector<1x128xf32> to vector<2048x128xf32>
    %sub3A_69 = arith.subf %max3A_53, %sub3A_68 : vector<2048x128xf32>
    %mul3A_70 = vector.broadcast %mul3A_64 : vector<1x128xf32> to vector<2048x128xf32>
    %mul3A_71 = arith.mulf %sub3A_69, %mul3A_70 : vector<2048x128xf32>
    %get3A_72 = arith.constant 0 : index
    %get3A_73 = arith.constant 0 : index
    %get3A_74 = vector.load %arg14[%get3A_72, %get3A_73] : memref<1x128xf32, #tpu.memory_space<vmem>>, vector<1x128xf32>
    %add3A_75 = vector.broadcast %get3A_74 : vector<1x128xf32> to vector<2048x128xf32>
    %add3A_76 = arith.addf %mul3A_71, %add3A_75 : vector<2048x128xf32>
    %get3A_77 = arith.constant 0 : index
    %get3A_78 = arith.constant 0 : index
    %get3A_79 = vector.load %arg3[%get3A_77, %get3A_78] : memref<2048x128xf32, #tpu.memory_space<vmem>>, vector<2048x128xf32>
    %get3A_80 = arith.constant 0 : index
    %get3A_81 = arith.constant 0 : index
    %get3A_82 = vector.load %arg17[%get3A_80, %get3A_81] : memref<128x2xf32, #tpu.memory_space<vmem>>, vector<128x2xf32>
    %dot_general3A_83 = arith.constant dense<0.000000e+00> : vector<2048x2xf32>
    %dot_general3A_84 = tpu.matmul %get3A_79, %get3A_82, %dot_general3A_83 {dimension_numbers = #tpu.dot_dimension_numbers<[1], [0], [0], [1], [0, 0, 1, 1], [], []>, transpose_lhs_hint = false} : vector<2048x128xf32>, vector<128x2xf32>, vector<2048x2xf32> -> vector<2048x2xf32>
    %get3A_85 = arith.constant 0 : index
    %get3A_86 = arith.constant 0 : index
    %get3A_87 = vector.load %arg18[%get3A_85, %get3A_86] : memref<128x2xf32, #tpu.memory_space<vmem>>, vector<128x2xf32>
    %dot_general3A_88 = arith.constant dense<0.000000e+00> : vector<2048x2xf32>
    %dot_general3A_89 = tpu.matmul %add3A_76, %get3A_87, %dot_general3A_88 {dimension_numbers = #tpu.dot_dimension_numbers<[1], [0], [0], [1], [0, 0, 1, 1], [], []>, transpose_lhs_hint = false} : vector<2048x128xf32>, vector<128x2xf32>, vector<2048x2xf32> -> vector<2048x2xf32>
    %add3A_90 = arith.addf %dot_general3A_84, %dot_general3A_89 : vector<2048x2xf32>
    %get3A_91 = arith.constant 0 : index
    %get3A_92 = arith.constant 0 : index
    %get3A_93 = vector.load %arg19[%get3A_91, %get3A_92] : memref<1x2xf32, #tpu.memory_space<vmem>>, vector<1x2xf32>
    %add3A_94 = vector.broadcast %get3A_93 : vector<1x2xf32> to vector<2048x2xf32>
    %add3A_95 = arith.addf %add3A_90, %add3A_94 : vector<2048x2xf32>
    %reduce_max3A = arith.constant dense<0xFF800000> : vector<2048xf32>
    %reduce_max3A_96 = vector.multi_reduction <maximumf>, %add3A_95, %reduce_max3A [1] : vector<2048x2xf32> to vector<2048xf32>
    %broadcast_in_dim3A = vector.shape_cast %reduce_max3A_96 : vector<2048xf32> to vector<2048x1xf32>
    %sub3A_97 = vector.broadcast %broadcast_in_dim3A : vector<2048x1xf32> to vector<2048x2xf32>
    %sub3A_98 = arith.subf %add3A_95, %sub3A_97 : vector<2048x2xf32>
    %exp3A = math.exp %sub3A_98 : vector<2048x2xf32>
    %reduce_sum3A = arith.constant dense<0.000000e+00> : vector<2048xf32>
    %reduce_sum3A_99 = vector.multi_reduction <add>, %exp3A, %reduce_sum3A [1] : vector<2048x2xf32> to vector<2048xf32>
    %broadcast_in_dim3A_100 = vector.shape_cast %reduce_sum3A_99 : vector<2048xf32> to vector<2048x1xf32>
    %div3A = vector.broadcast %broadcast_in_dim3A_100 : vector<2048x1xf32> to vector<2048x2xf32>
    %div3A_101 = arith.divf %exp3A, %div3A : vector<2048x2xf32>
    %swap3A = arith.constant 0 : index
    %swap3A_102 = arith.constant 0 : index
    %swap3A_103 = vector.load %arg20[%swap3A, %swap3A_102] : memref<2048x2xf32, #tpu.memory_space<vmem>>, vector<2048x2xf32>
    tpu.vector_store %arg20[%swap3A, %swap3A_102], %div3A_101 {strides = array<i32>} : memref<2048x2xf32, #tpu.memory_space<vmem>>, vector<2048x2xf32>,
    return
  }
  func.func @transform_0(%arg0: i32) -> (i32, i32) {
    %c0_i32 = arith.constant 0 : i32
    %c0_i32_0 = arith.constant 0 : i32
    return %arg0, %c0_i32 : i32, i32
  }
  func.func @transform_1(%arg0: i32) -> (i32, i32) {
    %add3A = arith.constant 4 : i32
    %add3A_0 = arith.addi %arg0, %add3A : i32
    %c0_i32 = arith.constant 0 : i32
    %c0_i32_1 = arith.constant 0 : i32
    return %add3A_0, %c0_i32 : i32, i32
  }
  func.func @transform_2(%arg0: i32) -> (i32, i32) {
    %c0_i32 = arith.constant 0 : i32
    %c0_i32_0 = arith.constant 0 : i32
    return %arg0, %c0_i32 : i32, i32
  }
  func.func @transform_3(%arg0: i32) -> (i32, i32) {
    %c0_i32 = arith.constant 0 : i32
    %c0_i32_0 = arith.constant 0 : i32
    %c0_i32_1 = arith.constant 0 : i32
    return %c0_i32, %c0_i32_0 : i32, i32
  }
  func.func @transform_4(%arg0: i32) -> (i32, i32) {
    %c0_i32 = arith.constant 0 : i32
    %c0_i32_0 = arith.constant 0 : i32
    %c0_i32_1 = arith.constant 0 : i32
    return %c0_i32, %c0_i32_0 : i32, i32
  }
  func.func @transform_5(%arg0: i32) -> (i32, i32) {
    %c0_i32 = arith.constant 0 : i32
    %c0_i32_0 = arith.constant 0 : i32
    %c0_i32_1 = arith.constant 0 : i32
    return %c0_i32, %c0_i32_0 : i32, i32
  }
  func.func @transform_6(%arg0: i32) -> (i32, i32) {
    %c0_i32 = arith.constant 0 : i32
    %c0_i32_0 = arith.constant 0 : i32
    %c0_i32_1 = arith.constant 0 : i32
    return %c0_i32, %c0_i32_0 : i32, i32
  }
  func.func @transform_7(%arg0: i32) -> (i32, i32) {
    %c0_i32 = arith.constant 0 : i32
    %c0_i32_0 = arith.constant 0 : i32
    %c0_i32_1 = arith.constant 0 : i32
    return %c0_i32, %c0_i32_0 : i32, i32
  }
  func.func @transform_8(%arg0: i32) -> (i32, i32) {
    %c0_i32 = arith.constant 0 : i32
    %c0_i32_0 = arith.constant 0 : i32
    %c0_i32_1 = arith.constant 0 : i32
    return %c0_i32, %c0_i32_0 : i32, i32
  }
  func.func @transform_9(%arg0: i32) -> (i32, i32) {
    %c0_i32 = arith.constant 0 : i32
    %c0_i32_0 = arith.constant 0 : i32
    %c0_i32_1 = arith.constant 0 : i32
    return %c0_i32, %c0_i32_0 : i32, i32
  }
  func.func @transform_10(%arg0: i32) -> (i32, i32) {
    %c0_i32 = arith.constant 0 : i32
    %c0_i32_0 = arith.constant 0 : i32
    %c0_i32_1 = arith.constant 0 : i32
    return %c0_i32, %c0_i32_0 : i32, i32
  }
  func.func @transform_11(%arg0: i32) -> (i32, i32) {
    %c0_i32 = arith.constant 0 : i32
    %c0_i32_0 = arith.constant 0 : i32
    %c0_i32_1 = arith.constant 0 : i32
    return %c0_i32, %c0_i32_0 : i32, i32
  }
  func.func @transform_12(%arg0: i32) -> (i32, i32) {
    %c0_i32 = arith.constant 0 : i32
    %c0_i32_0 = arith.constant 0 : i32
    %c0_i32_1 = arith.constant 0 : i32
    return %c0_i32, %c0_i32_0 : i32, i32
  }
  func.func @transform_13(%arg0: i32) -> (i32, i32) {
    %c0_i32 = arith.constant 0 : i32
    %c0_i32_0 = arith.constant 0 : i32
    %c0_i32_1 = arith.constant 0 : i32
    return %c0_i32, %c0_i32_0 : i32, i32
  }
  func.func @transform_14(%arg0: i32) -> (i32, i32) {
    %c0_i32 = arith.constant 0 : i32
    %c0_i32_0 = arith.constant 0 : i32
    %c0_i32_1 = arith.constant 0 : i32
    return %c0_i32, %c0_i32_0 : i32, i32
  }
  func.func @transform_15(%arg0: i32) -> (i32, i32) {
    %c0_i32 = arith.constant 0 : i32
    %c0_i32_0 = arith.constant 0 : i32
    %c0_i32_1 = arith.constant 0 : i32
    return %c0_i32, %c0_i32_0 : i32, i32
  }
  func.func @transform_16(%arg0: i32) -> (i32, i32) {
    %c0_i32 = arith.constant 0 : i32
    %c0_i32_0 = arith.constant 0 : i32
    %c0_i32_1 = arith.constant 0 : i32
    return %c0_i32, %c0_i32_0 : i32, i32
  }
  func.func @transform_17(%arg0: i32) -> (i32, i32) {
    %c0_i32 = arith.constant 0 : i32
    %c0_i32_0 = arith.constant 0 : i32
    %c0_i32_1 = arith.constant 0 : i32
    return %c0_i32, %c0_i32_0 : i32, i32
  }
  func.func @transform_18(%arg0: i32) -> (i32, i32) {
    %c0_i32 = arith.constant 0 : i32
    %c0_i32_0 = arith.constant 0 : i32
    %c0_i32_1 = arith.constant 0 : i32
    return %c0_i32, %c0_i32_0 : i32, i32
  }
  func.func @transform_19(%arg0: i32) -> (i32, i32) {
    %c0_i32 = arith.constant 0 : i32
    %c0_i32_0 = arith.constant 0 : i32
    return %arg0, %c0_i32 : i32, i32
  }
}

module attributes {stable_mosaic.version = 14 : i64} {
  func.func @_tc_body(%arg0: i32, %arg1: memref<10240x128xf32, #tpu.memory_space<vmem>>, %arg2: memref<2048x13xf32, #tpu.memory_space<vmem>>, %arg3: memref<2048x128xf32, #tpu.memory_space<vmem>>, %arg4: memref<640x256xf32, #tpu.memory_space<vmem>>, %arg5: memref<13x256xf32, #tpu.memory_space<vmem>>, %arg6: memref<1x256xf32, #tpu.memory_space<vmem>>, %arg7: memref<1x256xf32, #tpu.memory_space<vmem>>, %arg8: memref<1x256xf32, #tpu.memory_space<vmem>>, %arg9: memref<1x256xf32, #tpu.memory_space<vmem>>, %arg10: memref<1x256xf32, #tpu.memory_space<vmem>>, %arg11: memref<256x128xf32, #tpu.memory_space<vmem>>, %arg12: memref<1x128xf32, #tpu.memory_space<vmem>>, %arg13: memref<1x128xf32, #tpu.memory_space<vmem>>, %arg14: memref<1x128xf32, #tpu.memory_space<vmem>>, %arg15: memref<1x128xf32, #tpu.memory_space<vmem>>, %arg16: memref<1x128xf32, #tpu.memory_space<vmem>>, %arg17: memref<128x2xf32, #tpu.memory_space<vmem>>, %arg18: memref<128x2xf32, #tpu.memory_space<vmem>>, %arg19: memref<1x2xf32, #tpu.memory_space<vmem>>, %arg20: memref<2048x2xf32, #tpu.memory_space<vmem>>) attributes {dimension_semantics = [#tpu.dimension_semantics<arbitrary>], iteration_bounds = array<i64: 4>, scalar_prefetch = 0 : i64, scratch_operands = 0 : i64, tpu.core_type = #tpu.core_type<tc>, window_params = [{transform_indices = @transform_0, window_bounds = array<i64: 10240, 128>}, {transform_indices = @transform_1, window_bounds = array<i64: 2048, 13>}, {transform_indices = @transform_2, window_bounds = array<i64: 2048, 128>}, {pipeline_mode = #tpu.pipeline_mode<synchronous>, transform_indices = @transform_3, window_bounds = array<i64: 640, 256>}, {pipeline_mode = #tpu.pipeline_mode<synchronous>, transform_indices = @transform_4, window_bounds = array<i64: 13, 256>}, {pipeline_mode = #tpu.pipeline_mode<synchronous>, transform_indices = @transform_5, window_bounds = array<i64: 1, 256>}, {pipeline_mode = #tpu.pipeline_mode<synchronous>, transform_indices = @transform_6, window_bounds = array<i64: 1, 256>}, {pipeline_mode = #tpu.pipeline_mode<synchronous>, transform_indices = @transform_7, window_bounds = array<i64: 1, 256>}, {pipeline_mode = #tpu.pipeline_mode<synchronous>, transform_indices = @transform_8, window_bounds = array<i64: 1, 256>}, {pipeline_mode = #tpu.pipeline_mode<synchronous>, transform_indices = @transform_9, window_bounds = array<i64: 1, 256>}, {pipeline_mode = #tpu.pipeline_mode<synchronous>, transform_indices = @transform_10, window_bounds = array<i64: 256, 128>}, {pipeline_mode = #tpu.pipeline_mode<synchronous>, transform_indices = @transform_11, window_bounds = array<i64: 1, 128>}, {pipeline_mode = #tpu.pipeline_mode<synchronous>, transform_indices = @transform_12, window_bounds = array<i64: 1, 128>}, {pipeline_mode = #tpu.pipeline_mode<synchronous>, transform_indices = @transform_13, window_bounds = array<i64: 1, 128>}, {pipeline_mode = #tpu.pipeline_mode<synchronous>, transform_indices = @transform_14, window_bounds = array<i64: 1, 128>}, {pipeline_mode = #tpu.pipeline_mode<synchronous>, transform_indices = @transform_15, window_bounds = array<i64: 1, 128>}, {pipeline_mode = #tpu.pipeline_mode<synchronous>, transform_indices = @transform_16, window_bounds = array<i64: 128, 2>}, {pipeline_mode = #tpu.pipeline_mode<synchronous>, transform_indices = @transform_17, window_bounds = array<i64: 128, 2>}, {pipeline_mode = #tpu.pipeline_mode<synchronous>, transform_indices = @transform_18, window_bounds = array<i64: 1, 2>}, {transform_indices = @transform_19, window_bounds = array<i64: 2048, 2>}]} {
    %get3A = arith.constant 0 : index
    %get3A_0 = arith.constant 0 : index
    %get3A_1 = vector.load %arg1[%get3A, %get3A_0] : memref<10240x128xf32, #tpu.memory_space<vmem>>, vector<10240x128xf32>
    %reshape3A = vector.shape_cast %get3A_1 : vector<10240x128xf32> to vector<2048x640xf32>
    %get3A_2 = arith.constant 0 : index
    %get3A_3 = arith.constant 0 : index
    %get3A_4 = vector.load %arg4[%get3A_2, %get3A_3] : memref<640x256xf32, #tpu.memory_space<vmem>>, vector<640x256xf32>
    %dot_general3A = arith.constant dense<0.000000e+00> : vector<2048x256xf32>
    %dot_general3A_5 = tpu.matmul %reshape3A, %get3A_4, %dot_general3A {dimension_numbers = #tpu.dot_dimension_numbers<[1], [0], [0], [1], [0, 0, 1, 1], [], []>, transpose_lhs_hint = false} : vector<2048x640xf32>, vector<640x256xf32>, vector<2048x256xf32> -> vector<2048x256xf32>
    %get3A_6 = arith.constant 0 : index
    %get3A_7 = arith.constant 0 : index
    %get3A_8 = vector.load %arg2[%get3A_6, %get3A_7] : memref<2048x13xf32, #tpu.memory_space<vmem>>, vector<2048x13xf32>
    %get3A_9 = arith.constant 0 : index
    %get3A_10 = arith.constant 0 : index
    %get3A_11 = vector.load %arg5[%get3A_9, %get3A_10] : memref<13x256xf32, #tpu.memory_space<vmem>>, vector<13x256xf32>
    %dot_general3A_12 = arith.constant dense<0.000000e+00> : vector<2048x256xf32>
    %dot_general3A_13 = tpu.matmul %get3A_8, %get3A_11, %dot_general3A_12 {dimension_numbers = #tpu.dot_dimension_numbers<[1], [0], [0], [1], [0, 0, 1, 1], [], []>, transpose_lhs_hint = false} : vector<2048x13xf32>, vector<13x256xf32>, vector<2048x256xf32> -> vector<2048x256xf32>
    %add3A = arith.addf %dot_general3A_5, %dot_general3A_13 : vector<2048x256xf32>
    %get3A_14 = arith.constant 0 : index
    %get3A_15 = arith.constant 0 : index
    %get3A_16 = vector.load %arg6[%get3A_14, %get3A_15] : memref<1x256xf32, #tpu.memory_space<vmem>>, vector<1x256xf32>
    %add3A_17 = vector.broadcast %get3A_16 : vector<1x256xf32> to vector<2048x256xf32>
    %add3A_18 = arith.addf %add3A, %add3A_17 : vector<2048x256xf32>
    %max3A = arith.constant 0.000000e+00 : f32
    %max3A_19 = vector.broadcast %max3A : f32 to vector<2048x256xf32>
    %max3A_20 = arith.maximumf %add3A_18, %max3A_19 : vector<2048x256xf32>
    %get3A_21 = arith.constant 0 : index
    %get3A_22 = arith.constant 0 : index
    %get3A_23 = vector.load %arg7[%get3A_21, %get3A_22] : memref<1x256xf32, #tpu.memory_space<vmem>>, vector<1x256xf32>
    %get3A_24 = arith.constant 0 : index
    %get3A_25 = arith.constant 0 : index
    %get3A_26 = vector.load %arg10[%get3A_24, %get3A_25] : memref<1x256xf32, #tpu.memory_space<vmem>>, vector<1x256xf32>
    %add3A_27 = arith.constant 1.000000e-03 : f32
    %add3A_28 = vector.broadcast %add3A_27 : f32 to vector<1x256xf32>
    %add3A_29 = arith.addf %get3A_26, %add3A_28 : vector<1x256xf32>
    %rsqrt3A = math.rsqrt %add3A_29 : vector<1x256xf32>
    %mul3A = arith.mulf %get3A_23, %rsqrt3A : vector<1x256xf32>
    %get3A_30 = arith.constant 0 : index
    %get3A_31 = arith.constant 0 : index
    %get3A_32 = vector.load %arg9[%get3A_30, %get3A_31] : memref<1x256xf32, #tpu.memory_space<vmem>>, vector<1x256xf32>
    %sub3A = vector.broadcast %get3A_32 : vector<1x256xf32> to vector<2048x256xf32>
    %sub3A_33 = arith.subf %max3A_20, %sub3A : vector<2048x256xf32>
    %mul3A_34 = vector.broadcast %mul3A : vector<1x256xf32> to vector<2048x256xf32>
    %mul3A_35 = arith.mulf %sub3A_33, %mul3A_34 : vector<2048x256xf32>
    %get3A_36 = arith.constant 0 : index
    %get3A_37 = arith.constant 0 : index
    %get3A_38 = vector.load %arg8[%get3A_36, %get3A_37] : memref<1x256xf32, #tpu.memory_space<vmem>>, vector<1x256xf32>
    %add3A_39 = vector.broadcast %get3A_38 : vector<1x256xf32> to vector<2048x256xf32>
    %add3A_40 = arith.addf %mul3A_35, %add3A_39 : vector<2048x256xf32>
    %get3A_41 = arith.constant 0 : index
    %get3A_42 = arith.constant 0 : index
    %get3A_43 = vector.load %arg11[%get3A_41, %get3A_42] : memref<256x128xf32, #tpu.memory_space<vmem>>, vector<256x128xf32>
    %dot_general3A_44 = arith.constant dense<0.000000e+00> : vector<2048x128xf32>
    %dot_general3A_45 = tpu.matmul %add3A_40, %get3A_43, %dot_general3A_44 {dimension_numbers = #tpu.dot_dimension_numbers<[1], [0], [0], [1], [0, 0, 1, 1], [], []>, transpose_lhs_hint = false} : vector<2048x256xf32>, vector<256x128xf32>, vector<2048x128xf32> -> vector<2048x128xf32>
    %get3A_46 = arith.constant 0 : index
    %get3A_47 = arith.constant 0 : index
    %get3A_48 = vector.load %arg12[%get3A_46, %get3A_47] : memref<1x128xf32, #tpu.memory_space<vmem>>, vector<1x128xf32>
    %add3A_49 = vector.broadcast %get3A_48 : vector<1x128xf32> to vector<2048x128xf32>
    %add3A_50 = arith.addf %dot_general3A_45, %add3A_49 : vector<2048x128xf32>
    %max3A_51 = arith.constant 0.000000e+00 : f32
    %max3A_52 = vector.broadcast %max3A_51 : f32 to vector<2048x128xf32>
    %max3A_53 = arith.maximumf %add3A_50, %max3A_52 : vector<2048x128xf32>
    %get3A_54 = arith.constant 0 : index
    %get3A_55 = arith.constant 0 : index
    %get3A_56 = vector.load %arg13[%get3A_54, %get3A_55] : memref<1x128xf32, #tpu.memory_space<vmem>>, vector<1x128xf32>
    %get3A_57 = arith.constant 0 : index
    %get3A_58 = arith.constant 0 : index
    %get3A_59 = vector.load %arg16[%get3A_57, %get3A_58] : memref<1x128xf32, #tpu.memory_space<vmem>>, vector<1x128xf32>
    %add3A_60 = arith.constant 1.000000e-03 : f32
    %add3A_61 = vector.broadcast %add3A_60 : f32 to vector<1x128xf32>
    %add3A_62 = arith.addf %get3A_59, %add3A_61 : vector<1x128xf32>
    %rsqrt3A_63 = math.rsqrt %add3A_62 : vector<1x128xf32>
    %mul3A_64 = arith.mulf %get3A_56, %rsqrt3A_63 : vector<1x128xf32>
    %get3A_65 = arith.constant 0 : index
    %get3A_66 = arith.constant 0 : index
    %get3A_67 = vector.load %arg15[%get3A_65, %get3A_66] : memref<1x128xf32, #tpu.memory_space<vmem>>, vector<1x128xf32>
    %sub3A_68 = vector.broadcast %get3A_67 : vector<1x128xf32> to vector<2048x128xf32>
    %sub3A_69 = arith.subf %max3A_53, %sub3A_68 : vector<2048x128xf32>
    %mul3A_70 = vector.broadcast %mul3A_64 : vector<1x128xf32> to vector<2048x128xf32>
    %mul3A_71 = arith.mulf %sub3A_69, %mul3A_70 : vector<2048x128xf32>
    %get3A_72 = arith.constant 0 : index
    %get3A_73 = arith.constant 0 : index
    %get3A_74 = vector.load %arg14[%get3A_72, %get3A_73] : memref<1x128xf32, #tpu.memory_space<vmem>>, vector<1x128xf32>
    %add3A_75 = vector.broadcast %get3A_74 : vector<1x128xf32> to vector<2048x128xf32>
    %add3A_76 = arith.addf %mul3A_71, %add3A_75 : vector<2048x128xf32>
    %get3A_77 = arith.constant 0 : index
    %get3A_78 = arith.constant 0 : index
    %get3A_79 = vector.load %arg3[%get3A_77, %get3A_78] : memref<2048x128xf32, #tpu.memory_space<vmem>>, vector<2048x128xf32>
    %get3A_80 = arith.constant 0 : index
    %get3A_81 = arith.constant 0 : index
    %get3A_82 = vector.load %arg17[%get3A_80, %get3A_81] : memref<128x2xf32, #tpu.memory_space<vmem>>, vector<128x2xf32>
    %dot_general3A_83 = arith.constant dense<0.000000e+00> : vector<2048x2xf32>
    %dot_general3A_84 = tpu.matmul %get3A_79, %get3A_82, %dot_general3A_83 {dimension_numbers = #tpu.dot_dimension_numbers<[1], [0], [0], [1], [0, 0, 1, 1], [], []>, transpose_lhs_hint = false} : vector<2048x128xf32>, vector<128x2xf32>, vector<2048x2xf32> -> vector<2048x2xf32>
    %get3A_85 = arith.constant 0 : index
    %get3A_86 = arith.constant 0 : index
    %get3A_87 = vector.load %arg18[%get3A_85, %get3A_86] : memref<128x2xf32, #tpu.memory_space<vmem>>, vector<128x2xf32>
    %dot_general3A_88 = arith.constant dense<0.000000e+00> : vector<2048x2xf32>
    %dot_general3A_89 = tpu.matmul %add3A_76, %get3A_87, %dot_general3A_88 {dimension_numbers = #tpu.dot_dimension_numbers<[1], [0], [0], [1], [0, 0, 1, 1], [], []>, transpose_lhs_hint = false} : vector<2048x128xf32>, vector<128x2xf32>, vector<2048x2xf32> -> vector<2048x2xf32>
    %add3A_90 = arith.addf %dot_general3A_84, %dot_general3A_89 : vector<2048x2xf32>
    %get3A_91 = arith.constant 0 : index
    %get3A_92 = arith.constant 0 : index
    %get3A_93 = vector.load %arg19[%get3A_91, %get3A_92] : memref<1x2xf32, #tpu.memory_space<vmem>>, vector<1x2xf32>
    %add3A_94 = vector.broadcast %get3A_93 : vector<1x2xf32> to vector<2048x2xf32>
    %add3A_95 = arith.addf %add3A_90, %add3A_94 : vector<2048x2xf32>
    %reduce_max3A = arith.constant dense<0xFF800000> : vector<2048xf32>
    %reduce_max3A_96 = vector.multi_reduction <maximumf>, %add3A_95, %reduce_max3A [1] : vector<2048x2xf32> to vector<2048xf32>
    %broadcast_in_dim3A = vector.shape_cast %reduce_max3A_96 : vector<2048xf32> to vector<2048x1xf32>
    %sub3A_97 = vector.broadcast %broadcast_in_dim3A : vector<2048x1xf32> to vector<2048x2xf32>
    %sub3A_98 = arith.subf %add3A_95, %sub3A_97 : vector<2048x2xf32>
    %exp3A = math.exp %sub3A_98 : vector<2048x2xf32>
    %reduce_sum3A = arith.constant dense<0.000000e+00> : vector<2048xf32>
    %reduce_sum3A_99 = vector.multi_reduction <add>, %exp3A, %reduce_sum3A [1] : vector<2048x2xf32> to vector<2048xf32>
    %broadcast_in_dim3A_100 = vector.shape_cast %reduce_sum3A_99 : vector<2048xf32> to vector<2048x1xf32>
    %div3A = vector.broadcast %broadcast_in_dim3A_100 : vector<2048x1xf32> to vector<2048x2xf32>
    %div3A_101 = arith.divf %exp3A, %div3A : vector<2048x2xf32>
    %swap3A = arith.constant 0 : index
    %swap3A_102 = arith.constant 0 : index
    %swap3A_103 = vector.load %arg20[%swap3A, %swap3A_102] : memref<2048x2xf32, #tpu.memory_space<vmem>>, vector<2048x2xf32>
    tpu.vector_store %arg20[%swap3A, %swap3A_102], %div3A_101 {strides = array<i32>} : memref<2048x2xf32, #tpu.memory_space<vmem>>, vector<2048x2xf32>,
    return
  }
  func.func @transform_0(%arg0: i32) -> (i32, i32) {
    %c0_i32 = arith.constant 0 : i32
    %c0_i32_0 = arith.constant 0 : i32
    return %arg0, %c0_i32 : i32, i32
  }
  func.func @transform_1(%arg0: i32) -> (i32, i32) {
    %add3A = arith.constant 0 : i32
    %add3A_0 = arith.addi %arg0, %add3A : i32
    %c0_i32 = arith.constant 0 : i32
    %c0_i32_1 = arith.constant 0 : i32
    return %add3A_0, %c0_i32 : i32, i32
  }
  func.func @transform_2(%arg0: i32) -> (i32, i32) {
    %c0_i32 = arith.constant 0 : i32
    %c0_i32_0 = arith.constant 0 : i32
    return %arg0, %c0_i32 : i32, i32
  }
  func.func @transform_3(%arg0: i32) -> (i32, i32) {
    %c0_i32 = arith.constant 0 : i32
    %c0_i32_0 = arith.constant 0 : i32
    %c0_i32_1 = arith.constant 0 : i32
    return %c0_i32, %c0_i32_0 : i32, i32
  }
  func.func @transform_4(%arg0: i32) -> (i32, i32) {
    %c0_i32 = arith.constant 0 : i32
    %c0_i32_0 = arith.constant 0 : i32
    %c0_i32_1 = arith.constant 0 : i32
    return %c0_i32, %c0_i32_0 : i32, i32
  }
  func.func @transform_5(%arg0: i32) -> (i32, i32) {
    %c0_i32 = arith.constant 0 : i32
    %c0_i32_0 = arith.constant 0 : i32
    %c0_i32_1 = arith.constant 0 : i32
    return %c0_i32, %c0_i32_0 : i32, i32
  }
  func.func @transform_6(%arg0: i32) -> (i32, i32) {
    %c0_i32 = arith.constant 0 : i32
    %c0_i32_0 = arith.constant 0 : i32
    %c0_i32_1 = arith.constant 0 : i32
    return %c0_i32, %c0_i32_0 : i32, i32
  }
  func.func @transform_7(%arg0: i32) -> (i32, i32) {
    %c0_i32 = arith.constant 0 : i32
    %c0_i32_0 = arith.constant 0 : i32
    %c0_i32_1 = arith.constant 0 : i32
    return %c0_i32, %c0_i32_0 : i32, i32
  }
  func.func @transform_8(%arg0: i32) -> (i32, i32) {
    %c0_i32 = arith.constant 0 : i32
    %c0_i32_0 = arith.constant 0 : i32
    %c0_i32_1 = arith.constant 0 : i32
    return %c0_i32, %c0_i32_0 : i32, i32
  }
  func.func @transform_9(%arg0: i32) -> (i32, i32) {
    %c0_i32 = arith.constant 0 : i32
    %c0_i32_0 = arith.constant 0 : i32
    %c0_i32_1 = arith.constant 0 : i32
    return %c0_i32, %c0_i32_0 : i32, i32
  }
  func.func @transform_10(%arg0: i32) -> (i32, i32) {
    %c0_i32 = arith.constant 0 : i32
    %c0_i32_0 = arith.constant 0 : i32
    %c0_i32_1 = arith.constant 0 : i32
    return %c0_i32, %c0_i32_0 : i32, i32
  }
  func.func @transform_11(%arg0: i32) -> (i32, i32) {
    %c0_i32 = arith.constant 0 : i32
    %c0_i32_0 = arith.constant 0 : i32
    %c0_i32_1 = arith.constant 0 : i32
    return %c0_i32, %c0_i32_0 : i32, i32
  }
  func.func @transform_12(%arg0: i32) -> (i32, i32) {
    %c0_i32 = arith.constant 0 : i32
    %c0_i32_0 = arith.constant 0 : i32
    %c0_i32_1 = arith.constant 0 : i32
    return %c0_i32, %c0_i32_0 : i32, i32
  }
  func.func @transform_13(%arg0: i32) -> (i32, i32) {
    %c0_i32 = arith.constant 0 : i32
    %c0_i32_0 = arith.constant 0 : i32
    %c0_i32_1 = arith.constant 0 : i32
    return %c0_i32, %c0_i32_0 : i32, i32
  }
  func.func @transform_14(%arg0: i32) -> (i32, i32) {
    %c0_i32 = arith.constant 0 : i32
    %c0_i32_0 = arith.constant 0 : i32
    %c0_i32_1 = arith.constant 0 : i32
    return %c0_i32, %c0_i32_0 : i32, i32
  }
  func.func @transform_15(%arg0: i32) -> (i32, i32) {
    %c0_i32 = arith.constant 0 : i32
    %c0_i32_0 = arith.constant 0 : i32
    %c0_i32_1 = arith.constant 0 : i32
    return %c0_i32, %c0_i32_0 : i32, i32
  }
  func.func @transform_16(%arg0: i32) -> (i32, i32) {
    %c0_i32 = arith.constant 0 : i32
    %c0_i32_0 = arith.constant 0 : i32
    %c0_i32_1 = arith.constant 0 : i32
    return %c0_i32, %c0_i32_0 : i32, i32
  }
  func.func @transform_17(%arg0: i32) -> (i32, i32) {
    %c0_i32 = arith.constant 0 : i32
    %c0_i32_0 = arith.constant 0 : i32
    %c0_i32_1 = arith.constant 0 : i32
    return %c0_i32, %c0_i32_0 : i32, i32
  }
  func.func @transform_18(%arg0: i32) -> (i32, i32) {
    %c0_i32 = arith.constant 0 : i32
    %c0_i32_0 = arith.constant 0 : i32
    %c0_i32_1 = arith.constant 0 : i32
    return %c0_i32, %c0_i32_0 : i32, i32
  }
  func.func @transform_19(%arg0: i32) -> (i32, i32) {
    %c0_i32 = arith.constant 0 : i32
    %c0_i32_0 = arith.constant 0 : i32
    return %arg0, %c0_i32 : i32, i32
  }
}

</mosaic_0001>

<sc_bundles>
// kernel: kernel.6.cloned.1.call-start
scs
__scs_entry_jumppad:
0x0: {  	(pc) =	sbr.rel $0x88, $3  }
0x1: {  	(tag) =	ssettag $0x0;
	lr =	simm.s32 $0x1  }
0x2: {  	[smem:$0x3F8B] =	sst lr;
	_ =	strace $0xD0000000  }
0x3: {  	_ = 	snop  }
0x4: {  	_ = 	snop  }
0x5: {  	_ = 	snop  }
0x6: {  	_ = 	snop  }
0x7: {  	_ = 	snop  }
__scs_overlays_trampoline_lowered:
0x8: {  	[smem:$0x3F9A] =	sst s0  }
0x9: {  	[smem:$0x3F9B] =	sst s1  }
0xa: {  	[smem:$0x3F9C] =	sst s2  }
0xb: {  	[smem:$0x3F9D] =	sst s3  }
0xc: {  	[smem:$0x3F9E] =	sst s4  }
0xd: {  	[smem:$0x3F9F] =	sst s5  }
0xe: {  	[smem:$0x3FA0] =	sst s6  }
0xf: {  	[smem:$0x3FA1] =	sst s7  }
0x10: {  	[smem:$0x3FA2] =	sst s8  }
0x11: {  	[smem:$0x3FA3] =	sst s9;
	s0 =	simm.s32 @!p0 $0x0  }
0x12: {  	s1 =	sld [smem:$0x3F89];
	s0 =	simm.s32 @p0 $0x1  }
0x13: {  	[smem:$0x3FA4] =	sst s0;
	s0 =	simm.s32 @!p1 $0x0  }
0x14: {  	s2 =	sld [smem:$0x3F88];
	s0 =	simm.s32 @p1 $0x1  }
0x15: {  	[smem:$0x3FA5] =	sst s0;
	s0 =	simm.s32 @!p2 $0x0  }
0x16: {  	s3 =	sld [smem:$0x3FDB];
	s0 =	simm.s32 @p2 $0x1  }
0x17: {  	s4 =	simm.s32 $0x1BF5;
	[smem:$0x3FA7] =	sst s0  }
0x18: {  	s0 =	sld [smem:$0x3F8A];
	_ =	swait.ge [sflag:s4], $0x0  }
0x19: {  	s7 =	sld [smem:$0x3F8B]  }
0x1a: {  	s8 =	sadd.s32 $0xFFFFE003, lr  }
0x1b: {  	s9 =	sadd.s32 $0xFFFFFEF7, lr;
	s5 =	simm.s32 $0xFFFFFFFF;
	p2 =	slt.u32 s8, $0xFFFFF086  }
0x1c: {  	p1 =	slt.u32 s9, $0xF7A;
	s5 =	simm.s32 @!p2 $0x0  }
0x1d: {  	s5 =	simm.s32 @p1 $0x1;
	p0 =	seq.s32 s7, s2  }
0x1e: {  	s7 =	smul.u32 @!p0 $0xF7A, s2;
	p2 =	seq.s32 @!p0 s5, $0x0  }
0x1f: {  	s9 =	smul.u32 $0xF7A, s1;
	s8 =	simm.s32 @!p0 $0x1BF5;
	p2 =	por !p2, p0  }
0x20: {  	[sflag:s8] =	ssyncset.s32 @!p0 $0xFFFFF086;
	s6 =	sadd.s32 @!p0 s3, s7;
	s7 =	simm.s32 @!p0 $0x108  }
0x21: {  	s3 =	sadd.s32 s3, s9;
	s6 =	sadd.s32 @!p0 $0x88, s6;
	s7 =	simm.s32 @p2 $0x1082  }
0x22: {  	[simem:s7], [sflag:s8] =	dma.local @!p0 [hbm:s6], $0xF7A  }
0x23: {  	s9 =	sor.u32 $0xD0000000, s2;
	s6 =	simm.s32 $0x108;
	_ =	swait.ge @!p0 [sflag:s8], $0x0  }
0x24: {  	s3 =	sadd.s32 $0x88, s3;
	s6 =	simm.s32 @!p1 $0x1082;
	[sflag:s4] =	ssyncset.s32 $0xFFFFF086  }
0x25: {  	[simem:s6], [sflag:s4] =	dma.local [hbm:s3], $0xF7A  }
0x26: {  	[smem:$0x3F8B] =	sst s1;
	(tag) =	ssettag s2;
	_ =	strace s9  }
0x27: {  	s1 =	sld [smem:$0x3F9B]  }
0x28: {  	s2 =	sld [smem:$0x3F9C]  }
0x29: {  	s4 =	sld [smem:$0x3F9E]  }
0x2a: {  	p0 =	seq.s32 s5, $0x0;
	s5 =	sld [smem:$0x3F9F]  }
0x2b: {  	s6 =	sld [smem:$0x3FA0]  }
0x2c: {  	s7 =	sld [smem:$0x3FA1]  }
0x2d: {  	s3 =	simm.s32 $0x108;
	s8 =	sld [smem:$0x3FA2]  }
0x2e: {  	s3 =	simm.s32 @!p0 $0x1082;
	s9 =	sld [smem:$0x3FA3]  }
0x2f: {  	lr =	sadd.s32 s0, s3;
	s0 =	sld [smem:$0x3F9A]  }
0x30: {  	s3 =	sld [smem:$0x3F9D]  }
0x31: {  	[smem:$0x3FA6] =	sst s10  }
0x32: {  	s10 =	sld [smem:$0x3FA4];
	_ =	sdelay $0x3  }
0x33: {  	p0 =	seq.s32 s10, $0x1;
	s10 =	sld [smem:$0x3FA6];
	_ =	sdelay $0x3  }
0x34: {  	[smem:$0x3FA6] =	sst s10  }
0x35: {  	s10 =	sld [smem:$0x3FA5];
	_ =	sdelay $0x3  }
0x36: {  	p1 =	seq.s32 s10, $0x1;
	s10 =	sld [smem:$0x3FA6];
	_ =	sdelay $0x3  }
0x37: {  	[smem:$0x3FA6] =	sst s10  }
0x38: {  	s10 =	sld [smem:$0x3FA7]  }
0x39: {  	_ = 	snop;
	(pc) =	sbr.ind lr, $3  }
0x3a: {  	_ = 	snop  }
0x3b: {  	_ = 	snop  }
0x3c: {  	p2 =	seq.s32 s10, $0x1;
	s10 =	sld [smem:$0x3FA6]  }
0x3d: {  	_ =	shalt  }
0x3e: {  	_ =	shalt  }
0x3f: {  	_ =	shalt  }
0x40: {  	_ =	shalt  }
0x41: {  	_ =	shalt  }
0x42: {  	_ =	shalt  }
0x43: {  	_ =	shalt  }
0x44: {  	_ =	shalt  }
0x45: {  	_ =	shalt  }
0x46: {  	_ =	shalt  }
0x47: {  	_ =	shalt  }
0x48: {  	_ =	shalt  }
0x49: {  	_ =	shalt  }
0x4a: {  	_ =	shalt  }
0x4b: {  	_ =	shalt  }
0x4c: {  	_ =	shalt  }
0x4d: {  	_ =	shalt  }
0x4e: {  	_ =	shalt  }
0x4f: {  	_ =	shalt  }
0x50: {  	_ =	shalt  }
0x51: {  	_ =	shalt  }
0x52: {  	_ =	shalt  }
0x53: {  	_ =	shalt  }
0x54: {  	_ =	shalt  }
0x55: {  	_ =	shalt  }
0x56: {  	_ =	shalt  }
0x57: {  	_ =	shalt  }
0x58: {  	_ =	shalt  }
0x59: {  	_ =	shalt  }
0x5a: {  	_ =	shalt  }
0x5b: {  	_ =	shalt  }
0x5c: {  	_ =	shalt  }
0x5d: {  	_ =	shalt  }
0x5e: {  	_ =	shalt  }
0x5f: {  	_ =	shalt  }
0x60: {  	_ =	shalt  }
0x61: {  	_ =	shalt  }
0x62: {  	_ =	shalt  }
0x63: {  	_ =	shalt  }
0x64: {  	_ =	shalt  }
0x65: {  	_ =	shalt  }
0x66: {  	_ =	shalt  }
0x67: {  	_ =	shalt  }
0x68: {  	_ =	shalt  }
0x69: {  	_ =	shalt  }
0x6a: {  	_ =	shalt  }
0x6b: {  	_ =	shalt  }
0x6c: {  	_ =	shalt  }
0x6d: {  	_ =	shalt  }
0x6e: {  	_ =	shalt  }
0x6f: {  	_ =	shalt  }
0x70: {  	_ =	shalt  }
0x71: {  	_ =	shalt  }
0x72: {  	_ =	shalt  }
0x73: {  	_ =	shalt  }
0x74: {  	_ =	shalt  }
0x75: {  	_ =	shalt  }
0x76: {  	_ =	shalt  }
0x77: {  	_ =	shalt  }
0x78: {  	_ =	shalt  }
0x79: {  	_ =	shalt  }
0x7a: {  	_ =	shalt  }
0x7b: {  	_ =	shalt  }
0x7c: {  	_ =	shalt  }
0x7d: {  	_ =	shalt  }
0x7e: {  	_ =	shalt  }
0x7f: {  	_ =	shalt  }
0x80: {  	_ =	shalt  }
0x81: {  	_ =	shalt  }
0x82: {  	_ =	shalt  }
0x83: {  	_ =	shalt  }
0x84: {  	_ =	shalt  }
0x85: {  	_ =	shalt  }
0x86: {  	_ =	shalt  }
0x87: {  	_ =	shalt  }
.Lfunc_end0:
.L_simem_size_0:
called_computation_lowered:
.L_overlay_start_0:
0x88: {  	s2 =	sld [smem:$0x3FD9]  }
0x89: {  	s3 =	sld [smem:$0x3FFE];
	_ =	sdelay $0x1  }
0x8a: {  	s1 =	srdreg.scid  }
0x8b: {  	s0 =	sand.u32 $0x1, s1  }
0x8c: {  	s17 =	sshll.u32 s0, $0xA;
	s2 =	sadd.s32 s3, s2  }
0x8d: {  	s2 =	sadd.s32 s2, s17  }
0x8e: {  	[smem:$0x3FB2] =	sst s2  }
0x8f: {  	_ = 	snop  }
0x90: {  	s18 =	sld [smem:$0x3FD0];
	(tm) =	ssettm $0x1  }
0x91: {  	s19 =	sld [smem:$0x3FFB];
	_ =	sdelay $0x3  }
0x92: {  	_ =	strace s19  }
0x93: {  	s2 =	sld [smem:$0x3FFC];
	_ =	sdelay $0x3  }
0x94: {  	_ =	strace s2  }
0x95: {  	s2 =	sld [smem:$0x3FFD];
	_ =	sdelay $0x3  }
0x96: {  	_ =	strace s2  }
0x97: {  	_ =	strace $0x8FFFFFFF  }
0x98: {  	s20 =	sld [smem:$0x3FDB];
	_ =	sdelay $0x1  }
0x99: {  	s4 =	simm.s32 $_scs_section_size  }
0x9a: {  	s5 =	simm.s32 $_size__tile_overlayer_lowered;
	s6 =	simm.s32 $_tile_overlayer_lowered  }
0x9b: {  	s7 =	simm.s32 $0x1BFF;
	s21 =	sshll.u32 s6, $0x1;
	s4 =	sadd.s32 s4, s20  }
0x9c: {  	s22 =	simm.s32 $0x0;
	s5 =	sshll.u32 s5, $0x1;
	s6 =	sadd.s32 s21, s4  }
0x9d: {  	[timem:s22], [sflag:s7] =	dma.local [hbm:s6], s5  }
0x9e: {  	_ =	swait.ge [sflag:s7], s5  }
0x9f: {  	s5 =	ssub.s32 $0x0, s5;
	[sflag:s7] =	ssyncset.done $0x0  }
0xa0: {  	[sflag:s7] =	ssyncadd.s32 s5;
	_ =	sdelay $0x1  }
0xa1: {  	s23 =	simm.s32 $0x1B8B  }
0xa2: {  	_ =	swait.ge [sflag:s23], $0x1  }
0xa3: {  	[sflag:s23] =	ssyncset.done $0x0  }
0xa4: {  	[sflag:s23] =	ssyncadd.s32 $0xFFFFFFFF  }
0xa5: {  	s5 =	sld [smem:$0x0]  }
0xa6: {  	s6 =	sand.u32 $0xFFFFFFFE, s1  }
0xa7: {  	p0 =	sne.s32 s1, s6  }
0xa8: {  	s6 =	sshll.u32 @p0 s6, $0xE  }
0xa9: {  	s6 =	sadd.s32 @p0 $0x11B8D, s6;
	s7 =	sshll.u32 @p0 s5, $0x11  }
0xaa: {  	s6 =	sor.u32 @p0 s7, s6  }
0xab: {  	[sflag:s6] =	ssyncadd.remote.s32 @p0 $0x1;
	_ =	sdelay $0x1  }
0xac: {  	s6 =	simm.s32 @p0 $0x1B8D  }
0xad: {  	_ =	swait.eq @p0 [sflag:s6], $0x1  }
0xae: {  	[sflag:s6] =	ssyncadd.s32 @p0 $0xFFFFFFFF  }
0xaf: {  	s7 =	sshll.u32 @!p0 s1, $0xE  }
0xb0: {  	s7 =	sor.u32 @!p0 $0x4000, s7;
	s6 =	simm.s32 @!p0 $0x1B8D  }
0xb1: {  	s5 =	sshll.u32 @!p0 s5, $0x11;
	s7 =	sadd.s32 @!p0 $0x11B8D, s7;
	_ =	swait.eq @!p0 [sflag:s6], $0x1  }
0xb2: {  	s5 =	sor.u32 @!p0 s5, s7;
	[sflag:s6] =	ssyncadd.s32 @!p0 $0xFFFFFFFF  }
0xb3: {  	s25 =	simm.s32 $0x1B8E;
	s24 =	sld [smem:$0x3FFE];
	[sflag:s5] =	ssyncadd.remote.s32 @!p0 $0x1  }
0xb4: {  	s26 =	simm.s32 $execute0_lowered;
	[smem:$0x3FD2] =	sst s25  }
0xb5: {  	s6 =	sshll.u32 s26, $0x1;
	_ =	strace $0x80000049;
	[dreg:$0x1] =	wrdreg $0xFFFFFFFF  }
0xb6: {  	s28 =	simm.s32 $_size_execute0_lowered;
	s4 =	sadd.s32 s4, s6;
	[dreg:$0x0] =	wrdreg $0x0  }
0xb7: {  	s6 =	sshll.u32 s28, $0x1;
	[dreg:$0x2] =	wrdreg s4  }
0xb8: {  	[dreg:$0x3] =	wrdreg s6  }
0xb9: {  	[dreg:$0x4] =	wrdreg $0xC0  }
0xba: {  	_ =	task [dreg:s22], $0x5FFFF  }
0xbb: {  	[dreg:$0x1] =	wrdreg $0xFFFFFFFF  }
0xbc: {  	[dreg:$0x0] =	wrdreg $0x60  }
0xbd: {  	[dreg:$0x2] =	wrdreg s24  }
0xbe: {  	[dreg:$0x3] =	wrdreg s18  }
0xbf: {  	[dreg:$0x4] =	wrdreg $0x4E200  }
0xc0: {  	[dreg:$0x5] =	wrdreg $0x9  }
0xc1: {  	_ =	task.clear_ibuf [dreg:s22], $0x6FFFF;
	_ =	strace $0x90000049  }
0xc2: {  	s29 =	simm.s32 $0x9;
	_ =	strace $0x8000004B  }
0xc3: {  	_ =	swait.ge [sflag:s29], $0x1  }
0xc4: {  	[sflag:s29] =	ssyncadd.s32 $0xFFFFFFFF  }
0xc5: {  	_ =	strace $0x9000004B  }
0xc6: {  	_ =	sfence  }
0xc7: {  	s30 =	sld [smem:$0x0];
	_ =	sdelay $0x2  }
0xc8: {  	s31 =	sshll.u32 s1, $0xD;
	s1 =	sshrl.u32 s1, $0x2  }
0xc9: {  	s4 =	sand.u32 $0x4000, s31;
	s1 =	sadd.s32 s1, s30  }
0xca: {  	s0 =	sor.u32 s4, s0;
	s1 =	sshll.u32 s1, $0x11  }
0xcb: {  	s0 =	sor.u32 s1, s0  }
0xcc: {  	s0 =	sadd.s32 $0x8F2B, s0  }
0xcd: {  	[sflag:s0] =	ssyncadd.remote.s32 $0x1  }
0xce: {  	_ =	sfence.sel $0xFFFF  }
0xcf: {  	[dreg:$0x0] =	wrdreg $0xFFFFFFFF;
	(pc) =	sbr.abs _section_cstart, $3  }
0xd0: {  	[dreg:$0x1] =	wrdreg $0xFFFFFFFF  }
0xd1: {  	_ =	task.clear_ibuf [dreg:s22], $0x2FFFF;
	_ =	strace $0x9FFFFFFF  }
0xd2: {  	(tm) =	ssettm $0x7FFFFFFF  }
0xd3: {  	_ =	shalt  }
tec
execute0_lowered:
.L_overlay_start_1:
0x0: {  	(tag) =	ssettag $0x1  }
0x1: {  	s0 =	rddreg [dreg:$0x0]  }
0x2: {  	s2 =	rddreg [dreg:$0x2];
	s3 =	simm.s32 $0x0;
	s21 =	srdreg.scid  }
0x3: {  	s5 =	stileid.u32;
	s28 =	simm.s32 $0xA6E0;
	s30 =	simm.s32 $0x150E0  }
0x4: {  	s31 =	simm.s32 $0x2;
	s29 =	simm.s32 $0xA5E0;
	s19 =	simm.s32 $0xA660  }
0x5: {  	s12 =	simm.s32 $0x0;
	[smem:$0x7FF] =	sst s3;
	s4 =	sadd.s32 $0xECA00, s0  }
0x6: {  	s1 =	sadd.s32 $0x18C00, s0;
	s6 =	sadd.s32 $0xE2A00, s0;
	s7 =	sshll.u32 s5, $0x1  }
0x7: {  	s8 =	sadd.s32 $0x4A00, s0;
	p0 =	sne.s32 s5, $0x0;
	s5 =	simm.s32 $0x3  }
0x8: {  	_ =	strace $0x8000004A;
	[dreg:$0x4] =	wrdreg s1;
	s1 =	sand.u32 $0x1, s21  }
0x9: {  	[dreg:$0x5] =	wrdreg s8;
	s8 =	sadd.s32 $0x116A00, s0;
	s7 =	sor.u32 s1, s7  }
0xa: {  	s1 =	ssub.s32 $0x2, s1;
	s9 =	sshll.u32 s7, $0xC;
	s11 =	smul.u32 $0x500, s7  }
0xb: {  	s21 =	simm.s32 $0x13EE0;
	s10 =	sshrl.u32 s1, $0x1;
	s0 =	sadd.s32 s9, s0  }
0xc: {  	s1 =	ssub.s32 s1, s10;
	s9 =	smul.u32 $0x50, s7;
	s22 =	sadd.s32 s4, s11  }
0xd: {  	s23 =	sor.u32 $0xA0, s11;
	s24 =	sadd.s32 s6, s11;
	s14 =	sadd.s32 $0xF6A00, s0  }
0xe: {  	s26 =	smax.u32 s1, $0x1;
	s0 =	sshrl.u32 @!p0 s2, $0x3;
	[dreg:$0x6] =	wrdreg s22  }
0xf: {  	s1 =	simm.s32 $0x136E0;
	[dreg:$0x7] =	wrdreg s24;
	s25 =	sadd.s32 s4, s23  }
.Ltmp0:
0x10: {  	s7 =	sadd.s32 s6, s23;
	[dreg:$0xa] =	wrdreg s26;
	(pc) =	sbr.rel .LBB2_1-.Ltmp0, $4  }
0x11: {  	s15 =	sadd.s32 $0x14, s9;
	s16 =	sadd.s32 $0x1E, s9;
	[dreg:$0xb] =	wrdreg s0  }
0x12: {  	s23 =	simm.s32 $0xA1E0;
	s26 =	simm.s32 $0x80;
	s0 =	simm.s32 $0xF6E0  }
0x13: {  	s24 =	simm.s32 $0x12EE0;
	s22 =	simm.s32 $0x160E0;
	[dreg:$0x8] =	wrdreg s25  }
0x14: {  	v0 =	vimm.f32 $0.0e+00;
	[dreg:$0x9] =	wrdreg s7;
	s25 =	simm.s32 $0x1;
	s7 =	simm.s32 $0x4  }
.LBB2_12:
0x15: {  	s10 =	simm.s32 $0x5  }
0x16: {  	_ =	swait.ge [sflag:s10], $0x5000  }
0x17: {  	[sflag:s10] =	ssyncset.done $0x0  }
0x18: {  	[sflag:s10] =	ssyncadd.s32 $0xFFFFB000  }
0x19: {  	_ =	swait.ge [sflag:s10], $0x1000  }
0x1a: {  	[sflag:s10] =	ssyncset.done $0x0  }
0x1b: {  	s11 =	simm.s32 $0x6;
	[sflag:s10] =	ssyncadd.s32 $0xFFFFF000  }
0x1c: {  	_ =	swait.ge [sflag:s11], $0x5000  }
0x1d: {  	[sflag:s11] =	ssyncset.done $0x0  }
0x1e: {  	[sflag:s11] =	ssyncadd.s32 $0xFFFFB000  }
0x1f: {  	_ =	swait.ge [sflag:s11], $0x1000  }
0x20: {  	s12 =	rddreg [dreg:$0xc]  }
0x21: {  	s20 =	rddreg [dreg:$0xa];
	s12 =	sadd.s32 $0x1, s12  }
0x22: {  	p1 =	sne.s32 s12, s20  }
.Ltmp1:
0x23: {  	_ = 	snop;
	(pc) =	sbr.rel @!p1 .LBB2_13-.Ltmp1, $3  }
0x24: {  	_ =	sdelay $0x1  }
0x25: {  	[sflag:s11] =	ssyncset.done $0x0  }
0x26: {  	[sflag:s11] =	ssyncadd.s32 $0xFFFFF000  }
.LBB2_1:
0x27: {  	[dreg:$0xc] =	wrdreg s12  }
0x28: {  	s11 =	rddreg [dreg:$0x4]  }
0x29: {  	s10 =	simm.s32 @!p0 $0x1C07;
	s12 =	rddreg [dreg:$0xb]  }
0x2a: {  	[spmem:s12], [sflag:s10] =	dma.local @!p0 [hbm:s11], $0x9C40  }
0x2b: {  	s10 =	simm.s32 @!p0 $0x7  }
0x2c: {  	_ =	swait.ge @!p0 [sflag:s10], $0x9C40  }
0x2d: {  	s17 =	simm.s32 $0x9C40;
	[sflag:s10] =	ssyncset.done @!p0 $0x0  }
0x2e: {  	s18 =	simm.s32 $0x7;
	s13 =	rddreg [dreg:$0x5];
	[sflag:s10] =	ssyncadd.s32 @!p0 $0xFFFF63C0  }
0x2f: {  	[tilespmem:s17], [sflag:$0x7] =	stream.linear.gather [hbm4b:s13+s3], $0xA0, $0x38;
	[tilespmem:$0x170E0] =	vst v63  }
0x30: {  	_ =	swait.ge [sflag:s18], $0xA0  }
0x31: {  	[sflag:s18] =	ssyncset.done $0x0  }
0x32: {  	[sflag:s18] =	ssyncadd.s32 $0xFFFFFF60  }
0x33: {  	s20 =	rddreg [dreg:$0x1]  }
0x34: {  	[tilespmem:s3], [sflag:$0x7] =	stream.linear.gather [hbm4b:s20+s3], $0x4E20, $0x38;
	[tilespmem:$0x170E0] =	vst v63  }
0x35: {  	_ =	swait.ge [sflag:s18], $0x4E20  }
0x36: {  	[sflag:s18] =	ssyncset.done $0x0  }
0x37: {  	[sflag:s18] =	ssyncadd.s32 $0xFFFFB1E0  }
0x38: {  	s11 =	simm.s32 $0x200;
	s10 =	simm.s32 $0x0;
	[bflag:$0x0] =	sbarrier.arrive $0xFFFF  }
.LBB2_2:
0x39: {  	p1 =	sne.s32 s11, $0x3E00;
	[tilespmem:s10+$0x15150] =	vst v0  }
0x3a: {  	[tilespmem:s10+$0x150E0] =	vst v0  }
0x3b: {  	[tilespmem:s10+$0x150F0] =	vst v0  }
.Ltmp2:
0x3c: {  	[tilespmem:s10+$0x15100] =	vst v0;
	(pc) =	sbr.rel @p1 .LBB2_2-.Ltmp2, $4  }
0x3d: {  	[tilespmem:s10+$0x15110] =	vst v0  }
0x3e: {  	[tilespmem:s10+$0x15120] =	vst v0  }
0x3f: {  	[tilespmem:s10+$0x15130] =	vst v0  }
0x40: {  	[tilespmem:s10+$0x15140] =	vst v0;
	s10 =	sshra.s32 s11, $0x2;
	s11 =	sadd.s32 $0x200, s11  }
0x41: {  	[tilespmem:s10+$0x15150] =	vst v0  }
0x42: {  	[tilespmem:s10+$0x150E0] =	vst v0  }
0x43: {  	[tilespmem:s10+$0x150F0] =	vst v0  }
0x44: {  	[tilespmem:s10+$0x15100] =	vst v0  }
0x45: {  	[tilespmem:s10+$0x15110] =	vst v0  }
0x46: {  	[tilespmem:s10+$0x15120] =	vst v0  }
0x47: {  	[tilespmem:s10+$0x15130] =	vst v0  }
0x48: {  	[tilespmem:s10+$0x15140] =	vst v0;
	s10 =	simm.s32 $0x0;
	s11 =	simm.s32 $0x200  }
.LBB2_4:
0x49: {  	p1 =	sne.s32 s11, $0x3E00;
	[tilespmem:s10+$0x16150] =	vst v0  }
0x4a: {  	[tilespmem:s10+$0x160E0] =	vst v0  }
0x4b: {  	[tilespmem:s10+$0x160F0] =	vst v0  }
.Ltmp3:
0x4c: {  	[tilespmem:s10+$0x16100] =	vst v0;
	(pc) =	sbr.rel @p1 .LBB2_4-.Ltmp3, $4  }
0x4d: {  	[tilespmem:s10+$0x16110] =	vst v0  }
0x4e: {  	[tilespmem:s10+$0x16120] =	vst v0  }
0x4f: {  	[tilespmem:s10+$0x16130] =	vst v0  }
0x50: {  	[tilespmem:s10+$0x16140] =	vst v0;
	s10 =	sshra.s32 s11, $0x2;
	s11 =	sadd.s32 $0x200, s11  }
0x51: {  	[tilespmem:s10+$0x16150] =	vst v0  }
0x52: {  	[tilespmem:s10+$0x160E0] =	vst v0  }
0x53: {  	[tilespmem:s10+$0x160F0] =	vst v0  }
0x54: {  	[tilespmem:s10+$0x16100] =	vst v0  }
0x55: {  	[tilespmem:s10+$0x16110] =	vst v0  }
0x56: {  	[tilespmem:s10+$0x16120] =	vst v0  }
0x57: {  	[tilespmem:s10+$0x16130] =	vst v0  }
0x58: {  	[tilespmem:s10+$0x16140] =	vst v0;
	s10 =	simm.s32 $0x0;
	s11 =	rddreg [dreg:$0x6];
	s12 =	simm.s32 $0x9CE0  }
0x59: {  	[tilespmem:s12], [sflag:$0x1] =	stream.linear.gather [hbm4b:s11+s10], $0x500, $0x38;
	[tilespmem:$0x170E0] =	vst v63  }
0x5a: {  	s13 =	simm.s32 $0x146E0;
	s12 =	rddreg [dreg:$0x7]  }
0x5b: {  	[tilespmem:s13], [sflag:$0x1] =	stream.linear.gather [hbm4b:s12+s10], $0x500, $0x38;
	[tilespmem:$0x170E0] =	vst v63  }
0x5c: {  	s17 =	rddreg [dreg:$0x8]  }
0x5d: {  	[tilespmem:s23], [sflag:$0x2] =	stream.linear.gather [hbm4b:s17+s10], $0x500, $0x38;
	[tilespmem:$0x170E0] =	vst v63  }
0x5e: {  	s18 =	rddreg [dreg:$0x9];
	s20 =	simm.s32 $0x14BE0  }
0x5f: {  	[tilespmem:s20], [sflag:$0x2] =	stream.linear.gather [hbm4b:s18+s10], $0x500, $0x38;
	[tilespmem:$0x170E0] =	vst v63  }
.LBB2_6:
0x60: {  	p1 =	seq.s32 s10, $0x0  }
0x61: {  	s11 =	simm.s32 @!p1 $0x5  }
0x62: {  	_ =	swait.ge @!p1 [sflag:s11], $0x5000  }
0x63: {  	[sflag:s11] =	ssyncset.done @!p1 $0x0  }
0x64: {  	[sflag:s11] =	ssyncadd.s32 @!p1 $0xFFFFB000  }
0x65: {  	_ =	swait.ge @!p1 [sflag:s11], $0x1000  }
0x66: {  	[sflag:s11] =	ssyncset.done @!p1 $0x0  }
0x67: {  	[sflag:s11] =	ssyncadd.s32 @!p1 $0xFFFFF000  }
0x68: {  	_ =	swait.ge [sflag:s25], $0x500  }
0x69: {  	[sflag:s25] =	ssyncset.done $0x0  }
0x6a: {  	[sflag:s25] =	ssyncadd.s32 $0xFFFFFB00  }
0x6b: {  	_ =	swait.ge [sflag:s25], $0x500  }
0x6c: {  	[sflag:s25] =	ssyncset.done $0x0  }
0x6d: {  	s18 =	simm.s32 $0x9CE0;
	[sflag:s25] =	ssyncadd.s32 $0xFFFFFB00  }
0x6e: {  	[tilespmem:s28], [sflag:$0x3] =	stream.indirect.gather [spmem:s2], $0x10, s18, s26, $0xb8;
	[tilespmem:$0x170E0] =	vst v63  }
0x6f: {  	s20 =	simm.s32 $0x9D60;
	s12 =	simm.s32 $0xAEE0  }
0x70: {  	[tilespmem:s12], [sflag:$0x3] =	stream.indirect.gather [spmem:s2], $0x10, s20, s26, $0xb8;
	[tilespmem:$0x170E0] =	vst v63  }
0x71: {  	s13 =	simm.s32 $0x9DE0;
	s17 =	simm.s32 $0xB6E0  }
0x72: {  	[tilespmem:s17], [sflag:$0x3] =	stream.indirect.gather [spmem:s2], $0x10, s13, s26, $0xb8;
	[tilespmem:$0x170E0] =	vst v63  }
0x73: {  	s18 =	simm.s32 $0x9E60;
	s20 =	simm.s32 $0xBEE0  }
0x74: {  	[tilespmem:s20], [sflag:$0x3] =	stream.indirect.gather [spmem:s2], $0x10, s18, s26, $0xb8;
	[tilespmem:$0x170E0] =	vst v63  }
0x75: {  	s13 =	simm.s32 $0x9EE0;
	s17 =	simm.s32 $0xC6E0  }
0x76: {  	[tilespmem:s17], [sflag:$0x3] =	stream.indirect.gather [spmem:s2], $0x10, s13, s26, $0xb8;
	[tilespmem:$0x170E0] =	vst v63  }
0x77: {  	s18 =	simm.s32 $0x9F60;
	s20 =	simm.s32 $0xCEE0  }
0x78: {  	[tilespmem:s20], [sflag:$0x3] =	stream.indirect.gather [spmem:s2], $0x10, s18, s26, $0xb8;
	[tilespmem:$0x170E0] =	vst v63  }
0x79: {  	s13 =	simm.s32 $0x9FE0;
	s17 =	simm.s32 $0xD6E0  }
0x7a: {  	[tilespmem:s17], [sflag:$0x3] =	stream.indirect.gather [spmem:s2], $0x10, s13, s26, $0xb8;
	[tilespmem:$0x170E0] =	vst v63  }
0x7b: {  	s11 =	simm.s32 $0x14700;
	s18 =	simm.s32 $0xA060;
	s20 =	simm.s32 $0xDEE0  }
0x7c: {  	[tilespmem:s20], [sflag:$0x3] =	stream.indirect.gather [spmem:s2], $0x10, s18, s26, $0xb8;
	[tilespmem:$0x170E0] =	vst v63  }
0x7d: {  	s12 =	simm.s32 $0x9D00;
	s13 =	simm.s32 $0xA0E0;
	s17 =	simm.s32 $0xE6E0  }
0x7e: {  	[tilespmem:s17], [sflag:$0x3] =	stream.indirect.gather [spmem:s2], $0x10, s13, s26, $0xb8;
	[tilespmem:$0x170E0] =	vst v63  }
0x7f: {  	s18 =	simm.s32 $0xA160;
	s20 =	simm.s32 $0xEEE0;
	s13 =	simm.s32 $0x0  }
0x80: {  	[tilespmem:s20], [sflag:$0x3] =	stream.indirect.gather [spmem:s2], $0x10, s18, s26, $0xb8;
	[tilespmem:$0x170E0] =	vst v63  }
.LBB2_7:
0x81: {  	v1 =	vld [tilespmem:s12+$0xFFFFFFE0];
	_ =	sdelay $0x1  }
0x82: {  	v2 =	vld [tilespmem:$0x9C50]  }
0x83: {  	v3 =	vld [tilespmem:$0x9C40];
	_ =	sdelay $0x3  }
0x84: {  	v4 =	vld [tilespmem:s11+$0xFFFFFFE0];
	v2 =	vadd.s32 s13, v2  }
0x85: {  	v5 =	vand.u32 $0xFFFFFFF8, v3;
	v2 =	vshll.u32 v2, $0x7;
	v1 =	vld.idx.msk [tilespmem:v1+s3+$0x0], $0xffff  }
0x86: {  	v3 =	vand.u32 $0x7, v3;
	v2 =	vadd.s32 v5, v2  }
0x87: {  	v2 =	vor.u32 v3, v2;
	_ =	sdelay $0x2  }
0x88: {  	v1 =	vmul.f32 v4, v1;
	_ =	sdelay $0x1  }
0x89: {  	[tilespmem:v2+s30+$0x0] =	vst.idx.msk $0xffff, v1  }
0x8a: {  	v1 =	vld [tilespmem:s12+$0xFFFFFFF0];
	_ =	sdelay $0x1  }
0x8b: {  	v2 =	vld [tilespmem:$0x9C70]  }
0x8c: {  	v3 =	vld [tilespmem:$0x9C60];
	_ =	sdelay $0x3  }
0x8d: {  	v56 =	vld [tilespmem:s11+$0xFFFFFFF0];
	v2 =	vadd.s32 s13, v2  }
0x8e: {  	v57 =	vand.u32 $0xFFFFFFF8, v3;
	v2 =	vshll.u32 v2, $0x7;
	v1 =	vld.idx.msk [tilespmem:v1+s3+$0x0], $0xffff  }
0x8f: {  	v3 =	vand.u32 $0x7, v3;
	v2 =	vadd.s32 v57, v2  }
0x90: {  	v2 =	vor.u32 v3, v2;
	_ =	sdelay $0x2  }
0x91: {  	v1 =	vmul.f32 v56, v1;
	_ =	sdelay $0x1  }
0x92: {  	[tilespmem:v2+s30+$0x0] =	vst.idx.msk $0xffff, v1  }
0x93: {  	v1 =	vld [tilespmem:s12+$0x0];
	_ =	sdelay $0x1  }
0x94: {  	v2 =	vld [tilespmem:$0x9C90]  }
0x95: {  	v3 =	vld [tilespmem:$0x9C80];
	_ =	sdelay $0x3  }
0x96: {  	v58 =	vld [tilespmem:s11+$0x0];
	v2 =	vadd.s32 s13, v2  }
0x97: {  	v59 =	vand.u32 $0xFFFFFFF8, v3;
	v2 =	vshll.u32 v2, $0x7;
	v1 =	vld.idx.msk [tilespmem:v1+s3+$0x0], $0xffff  }
0x98: {  	v3 =	vand.u32 $0x7, v3;
	v2 =	vadd.s32 v59, v2  }
0x99: {  	v2 =	vor.u32 v3, v2;
	_ =	sdelay $0x2  }
0x9a: {  	v1 =	vmul.f32 v58, v1;
	_ =	sdelay $0x1  }
0x9b: {  	[tilespmem:v2+s30+$0x0] =	vst.idx.msk $0xffff, v1  }
0x9c: {  	v1 =	vld [tilespmem:s12+$0x10];
	_ =	sdelay $0x1  }
0x9d: {  	v2 =	vld [tilespmem:$0x9CB0]  }
0x9e: {  	v3 =	vld [tilespmem:$0x9CA0];
	_ =	sdelay $0x3  }
0x9f: {  	v60 =	vld [tilespmem:s11+$0x10];
	v2 =	vadd.s32 s13, v2  }
0xa0: {  	v61 =	vand.u32 $0xFFFFFFF8, v3;
	v2 =	vshll.u32 v2, $0x7;
	v1 =	vld.idx.msk [tilespmem:v1+s3+$0x0], $0xffff  }
0xa1: {  	v3 =	vand.u32 $0x7, v3;
	v2 =	vadd.s32 v61, v2  }
0xa2: {  	v2 =	vor.u32 v3, v2;
	_ =	sdelay $0x2  }
0xa3: {  	v1 =	vmul.f32 v60, v1;
	_ =	sdelay $0x1  }
0xa4: {  	[tilespmem:v2+s30+$0x0] =	vst.idx.msk $0xffff, v1  }
0xa5: {  	v1 =	vld [tilespmem:s12+$0x20];
	_ =	sdelay $0x1  }
0xa6: {  	v2 =	vld [tilespmem:$0x9CD0]  }
0xa7: {  	v3 =	vld [tilespmem:$0x9CC0];
	_ =	sdelay $0x3  }
0xa8: {  	v62 =	vld [tilespmem:s11+$0x20];
	v2 =	vadd.s32 s13, v2  }
0xa9: {  	v63 =	vand.u32 $0xFFFFFFF8, v3;
	v2 =	vshll.u32 v2, $0x7;
	v1 =	vld.idx.msk [tilespmem:v1+s3+$0x0], $0xffff  }
0xaa: {  	v3 =	vand.u32 $0x7, v3;
	v2 =	vadd.s32 v63, v2  }
0xab: {  	p2 =	sne.s32 s13, $0x1E;
	v2 =	vor.u32 v3, v2  }
.Ltmp4:
0xac: {  	_ = 	snop;
	(pc) =	sbr.rel @p2 .LBB2_7-.Ltmp4, $3  }
0xad: {  	_ = 	snop  }
0xae: {  	v1 =	vmul.f32 v62, v1;
	_ =	sdelay $0x1  }
0xaf: {  	s11 =	sadd.s32 $0x50, s11;
	s12 =	sadd.s32 $0x50, s12;
	s13 =	sadd.s32 $0x2, s13;
	[tilespmem:v2+s30+$0x0] =	vst.idx.msk $0xffff, v1  }
0xb0: {  	s11 =	simm.s32 @!p1 $0x6  }
0xb1: {  	_ =	swait.ge @!p1 [sflag:s11], $0x5000  }
0xb2: {  	[sflag:s11] =	ssyncset.done @!p1 $0x0  }
0xb3: {  	[sflag:s11] =	ssyncadd.s32 @!p1 $0xFFFFB000  }
0xb4: {  	_ =	swait.ge @!p1 [sflag:s11], $0x1000  }
0xb5: {  	[sflag:s11] =	ssyncset.done @!p1 $0x0  }
0xb6: {  	[sflag:s11] =	ssyncadd.s32 @!p1 $0xFFFFF000  }
0xb7: {  	_ =	swait.ge [sflag:s31], $0x500  }
0xb8: {  	[sflag:s31] =	ssyncset.done $0x0  }
0xb9: {  	[sflag:s31] =	ssyncadd.s32 $0xFFFFFB00  }
0xba: {  	_ =	swait.ge [sflag:s31], $0x500  }
0xbb: {  	[sflag:s31] =	ssyncset.done $0x0  }
0xbc: {  	[sflag:s31] =	ssyncadd.s32 $0xFFFFFB00  }
0xbd: {  	[tilespmem:s0], [sflag:$0x4] =	stream.indirect.gather [spmem:s2], $0x10, s23, s26, $0xb8;
	[tilespmem:$0x170E0] =	vst v63  }
0xbe: {  	s17 =	simm.s32 $0xA260;
	s12 =	simm.s32 $0xFEE0  }
0xbf: {  	[tilespmem:s12], [sflag:$0x4] =	stream.indirect.gather [spmem:s2], $0x10, s17, s26, $0xb8;
	[tilespmem:$0x170E0] =	vst v63  }
0xc0: {  	s18 =	simm.s32 $0xA2E0;
	s20 =	simm.s32 $0x106E0  }
0xc1: {  	[tilespmem:s20], [sflag:$0x4] =	stream.indirect.gather [spmem:s2], $0x10, s18, s26, $0xb8;
	[tilespmem:$0x170E0] =	vst v63  }
0xc2: {  	s13 =	simm.s32 $0xA360;
	s17 =	simm.s32 $0x10EE0  }
0xc3: {  	[tilespmem:s17], [sflag:$0x4] =	stream.indirect.gather [spmem:s2], $0x10, s13, s26, $0xb8;
	[tilespmem:$0x170E0] =	vst v63  }
0xc4: {  	s18 =	simm.s32 $0xA3E0;
	s20 =	simm.s32 $0x116E0  }
0xc5: {  	[tilespmem:s20], [sflag:$0x4] =	stream.indirect.gather [spmem:s2], $0x10, s18, s26, $0xb8;
	[tilespmem:$0x170E0] =	vst v63  }
0xc6: {  	s12 =	simm.s32 $0xA460;
	s13 =	simm.s32 $0x11EE0  }
0xc7: {  	[tilespmem:s13], [sflag:$0x4] =	stream.indirect.gather [spmem:s2], $0x10, s12, s26, $0xb8;
	[tilespmem:$0x170E0] =	vst v63  }
0xc8: {  	s17 =	simm.s32 $0xA4E0;
	s18 =	simm.s32 $0x126E0  }
0xc9: {  	[tilespmem:s18], [sflag:$0x4] =	stream.indirect.gather [spmem:s2], $0x10, s17, s26, $0xb8;
	[tilespmem:$0x170E0] =	vst v63  }
0xca: {  	s20 =	simm.s32 $0xA560  }
0xcb: {  	[tilespmem:s24], [sflag:$0x4] =	stream.indirect.gather [spmem:s2], $0x10, s20, s26, $0xb8;
	[tilespmem:$0x170E0] =	vst v63  }
0xcc: {  	_ = 	snop  }
0xcd: {  	[tilespmem:s1], [sflag:$0x4] =	stream.indirect.gather [spmem:s2], $0x10, s29, s26, $0xb8;
	[tilespmem:$0x170E0] =	vst v63  }
0xce: {  	s11 =	simm.s32 $0x0;
	s12 =	simm.s32 $0x14C00;
	s13 =	simm.s32 $0xA200  }
0xcf: {  	[tilespmem:s21], [sflag:$0x4] =	stream.indirect.gather [spmem:s2], $0x10, s19, s26, $0xb8;
	[tilespmem:$0x170E0] =	vst v63  }
.LBB2_9:
0xd0: {  	v1 =	vld [tilespmem:s13+$0xFFFFFFE0];
	_ =	sdelay $0x1  }
0xd1: {  	v2 =	vld [tilespmem:$0x9C50]  }
0xd2: {  	v3 =	vld [tilespmem:$0x9C40];
	_ =	sdelay $0x3  }
0xd3: {  	v4 =	vld [tilespmem:s12+$0xFFFFFFE0];
	v2 =	vadd.s32 s11, v2  }
0xd4: {  	v5 =	vand.u32 $0xFFFFFFF8, v3;
	v2 =	vshll.u32 v2, $0x7;
	v1 =	vld.idx.msk [tilespmem:v1+s3+$0x0], $0xffff  }
0xd5: {  	v3 =	vand.u32 $0x7, v3;
	v2 =	vadd.s32 v5, v2  }
0xd6: {  	v2 =	vor.u32 v3, v2;
	_ =	sdelay $0x2  }
0xd7: {  	v1 =	vmul.f32 v4, v1;
	_ =	sdelay $0x1  }
0xd8: {  	[tilespmem:v2+s22+$0x0] =	vst.idx.msk $0xffff, v1  }
0xd9: {  	v1 =	vld [tilespmem:s13+$0xFFFFFFF0];
	_ =	sdelay $0x1  }
0xda: {  	v2 =	vld [tilespmem:$0x9C70]  }
0xdb: {  	v3 =	vld [tilespmem:$0x9C60];
	_ =	sdelay $0x3  }
0xdc: {  	v56 =	vld [tilespmem:s12+$0xFFFFFFF0];
	v2 =	vadd.s32 s11, v2  }
0xdd: {  	v57 =	vand.u32 $0xFFFFFFF8, v3;
	v2 =	vshll.u32 v2, $0x7;
	v1 =	vld.idx.msk [tilespmem:v1+s3+$0x0], $0xffff  }
0xde: {  	v3 =	vand.u32 $0x7, v3;
	v2 =	vadd.s32 v57, v2  }
0xdf: {  	v2 =	vor.u32 v3, v2;
	_ =	sdelay $0x2  }
0xe0: {  	v1 =	vmul.f32 v56, v1;
	_ =	sdelay $0x1  }
0xe1: {  	[tilespmem:v2+s22+$0x0] =	vst.idx.msk $0xffff, v1  }
0xe2: {  	v1 =	vld [tilespmem:s13+$0x0];
	_ =	sdelay $0x1  }
0xe3: {  	v2 =	vld [tilespmem:$0x9C90]  }
0xe4: {  	v3 =	vld [tilespmem:$0x9C80];
	_ =	sdelay $0x3  }
0xe5: {  	v58 =	vld [tilespmem:s12+$0x0];
	v2 =	vadd.s32 s11, v2  }
0xe6: {  	v59 =	vand.u32 $0xFFFFFFF8, v3;
	v2 =	vshll.u32 v2, $0x7;
	v1 =	vld.idx.msk [tilespmem:v1+s3+$0x0], $0xffff  }
0xe7: {  	v3 =	vand.u32 $0x7, v3;
	v2 =	vadd.s32 v59, v2  }
0xe8: {  	v2 =	vor.u32 v3, v2;
	_ =	sdelay $0x2  }
0xe9: {  	v1 =	vmul.f32 v58, v1;
	_ =	sdelay $0x1  }
0xea: {  	[tilespmem:v2+s22+$0x0] =	vst.idx.msk $0xffff, v1  }
0xeb: {  	v1 =	vld [tilespmem:s13+$0x10];
	_ =	sdelay $0x1  }
0xec: {  	v2 =	vld [tilespmem:$0x9CB0]  }
0xed: {  	v3 =	vld [tilespmem:$0x9CA0];
	_ =	sdelay $0x3  }
0xee: {  	v60 =	vld [tilespmem:s12+$0x10];
	v2 =	vadd.s32 s11, v2  }
0xef: {  	v61 =	vand.u32 $0xFFFFFFF8, v3;
	v2 =	vshll.u32 v2, $0x7;
	v1 =	vld.idx.msk [tilespmem:v1+s3+$0x0], $0xffff  }
0xf0: {  	v3 =	vand.u32 $0x7, v3;
	v2 =	vadd.s32 v61, v2  }
0xf1: {  	v2 =	vor.u32 v3, v2;
	_ =	sdelay $0x2  }
0xf2: {  	v1 =	vmul.f32 v60, v1;
	_ =	sdelay $0x1  }
0xf3: {  	[tilespmem:v2+s22+$0x0] =	vst.idx.msk $0xffff, v1  }
0xf4: {  	v1 =	vld [tilespmem:s13+$0x20];
	_ =	sdelay $0x1  }
0xf5: {  	v2 =	vld [tilespmem:$0x9CD0]  }
0xf6: {  	v3 =	vld [tilespmem:$0x9CC0];
	_ =	sdelay $0x3  }
0xf7: {  	v62 =	vld [tilespmem:s12+$0x20];
	v2 =	vadd.s32 s11, v2  }
0xf8: {  	v63 =	vand.u32 $0xFFFFFFF8, v3;
	v2 =	vshll.u32 v2, $0x7;
	v1 =	vld.idx.msk [tilespmem:v1+s3+$0x0], $0xffff  }
0xf9: {  	v3 =	vand.u32 $0x7, v3;
	v2 =	vadd.s32 v63, v2  }
0xfa: {  	p1 =	sne.s32 s11, $0x1E;
	v2 =	vor.u32 v3, v2  }
.Ltmp5:
0xfb: {  	_ = 	snop;
	(pc) =	sbr.rel @p1 .LBB2_9-.Ltmp5, $3  }
0xfc: {  	_ = 	snop  }
0xfd: {  	v1 =	vmul.f32 v62, v1;
	_ =	sdelay $0x1  }
0xfe: {  	s12 =	sadd.s32 $0x50, s12;
	s13 =	sadd.s32 $0x50, s13;
	s11 =	sadd.s32 $0x2, s11;
	[tilespmem:v2+s22+$0x0] =	vst.idx.msk $0xffff, v1  }
0xff: {  	s11 =	smul.u32 $0x14, s10;
	_ =	sdelay $0x1  }
0x100: {  	_ =	swait.ge [sflag:s5], $0x5000;
	s12 =	sadd.s32 s9, s11  }
0x101: {  	[sflag:s5] =	ssyncset.done $0x0;
	s12 =	sshll.u32 s12, $0x8  }
0x102: {  	s17 =	sshll.u32 s10, $0xA;
	[sflag:s5] =	ssyncadd.s32 $0xFFFFB000;
	s12 =	sadd.s32 s8, s12  }
0x103: {  	[hbm4b:s12+s3] =	stream.linear.scatter [tilespmem:s28], [sflag:$0x5], $0x5000, $0x38;
	[tilespmem:$0x170E0] =	vst v63  }
0x104: {  	p1 =	seq.s32 s10, $0x3;
	s12 =	sadd.s32 s17, s14  }
0x105: {  	[hbm4b:s12+s3] =	stream.linear.scatter [tilespmem:s30], [sflag:$0x5], $0x1000, $0x38;
	[tilespmem:$0x170E0] =	vst v63  }
0x106: {  	s12 =	sadd.s32 @!p1 s11, s15  }
0x107: {  	s12 =	sshll.u32 @!p1 s12, $0x4  }
0x108: {  	s13 =	sshll.u32 s10, $0x1;
	s18 =	simm.s32 @!p1 $0x0;
	s12 =	sand.u32 @!p1 $0x1FFFFFC0, s12  }
0x109: {  	s20 =	simm.s32 @!p1 $0x9CE0;
	s13 =	sor.u32 $0x1, s13;
	s17 =	sadd.s32 @!p1 s4, s12  }
0x10a: {  	[tilespmem:s20], [sflag:$0x1] =	stream.linear.gather @!p1 [hbm4b:s17+s18], $0x500, $0x38;
	[tilespmem:$0x170E0] =	vst v63  }
0x10b: {  	s12 =	sadd.s32 @!p1 s6, s12;
	s17 =	simm.s32 @!p1 $0x146E0;
	s20 =	smul.u32 $0xA, s13  }
0x10c: {  	[tilespmem:s17], [sflag:$0x1] =	stream.linear.gather @!p1 [hbm4b:s12+s18], $0x500, $0x38;
	[tilespmem:$0x170E0] =	vst v63  }
0x10d: {  	s18 =	sadd.s32 s9, s20  }
0x10e: {  	_ =	swait.ge [sflag:s7], $0x5000;
	s12 =	sshll.u32 s18, $0x8  }
.Ltmp6:
0x10f: {  	[sflag:s7] =	ssyncset.done $0x0;
	s12 =	sand.u32 $0x1FFFFE00, s12;
	(pc) =	sbr.rel @p1 .LBB2_12-.Ltmp6, $4  }
0x110: {  	s20 =	sshll.u32 s13, $0x9;
	[sflag:s7] =	ssyncadd.s32 $0xFFFFB000;
	s12 =	sadd.s32 s8, s12  }
0x111: {  	[hbm4b:s12+s3] =	stream.linear.scatter [tilespmem:s0], [sflag:$0x6], $0x5000, $0x38;
	[tilespmem:$0x170E0] =	vst v63  }
0x112: {  	s12 =	sadd.s32 s20, s14  }
0x113: {  	[hbm4b:s12+s3] =	stream.linear.scatter [tilespmem:s22], [sflag:$0x6], $0x1000, $0x38;
	[tilespmem:$0x170E0] =	vst v63  }
0x114: {  	s11 =	sadd.s32 s11, s16  }
0x115: {  	s11 =	sshll.u32 s11, $0x4  }
.Ltmp7:
0x116: {  	s11 =	sand.u32 $0x1FFFFFE0, s11;
	(pc) =	sbr.rel .LBB2_6-.Ltmp7, $4  }
0x117: {  	s12 =	sadd.s32 s4, s11  }
0x118: {  	[tilespmem:s23], [sflag:$0x2] =	stream.linear.gather [hbm4b:s12+s3], $0x500, $0x38;
	[tilespmem:$0x170E0] =	vst v63  }
0x119: {  	s20 =	simm.s32 $0x14BE0;
	s10 =	sadd.s32 $0x1, s10;
	s11 =	sadd.s32 s6, s11  }
0x11a: {  	[tilespmem:s20], [sflag:$0x2] =	stream.linear.gather [hbm4b:s11+s3], $0x500, $0x38;
	[tilespmem:$0x170E0] =	vst v63  }
.LBB2_13:
0x11b: {  	_ =	sfence.sel $0x180000  }
0x11c: {  	[bflag:$0x0] =	sbarrier.arrive $0xFFFF  }
0x11d: {  	_ =	strace $0x9000004A  }
0x11e: {  	[bflag:$0x2] =	sbarrier.arrive $0xFFFF  }
0x11f: {  	s0 =	rddreg [dreg:$0x3]  }
0x120: {  	s0 =	sadd.s32 @!p0 $0x100000, s0  }
0x121: {  	[sflag:s0] =	ssyncadd.tile.s32 @!p0 $0x1;
	_ =	shalt  }
.Lfunc_end2:
_tile_overlayer_lowered:
.L_overlay_start_2:
0x122: {  	(tag) =	ssettag $0x2  }
0x123: {  	s0 =	rddreg [dreg:$0x0];
	s2 =	stileid.u32  }
0x124: {  	s1 =	rddreg [dreg:$0x1];
	p0 =	sne.s32 s2, $0x0  }
0x125: {  	s3 =	rddreg [dreg:$0x2];
	[bflag:$0x3] =	sbarrier.arrive $0xFFFF;
	s2 =	simm.s32 @!p0 $0x1C07  }
0x126: {  	[timem:s3], [sflag:s2] =	dma.local @!p0 [hbm:s0], s1  }
0x127: {  	s0 =	simm.s32 @!p0 $0x7  }
0x128: {  	_ =	swait.ge @!p0 [sflag:s0], s1  }
0x129: {  	s1 =	ssub.s32 @!p0 $0x0, s1;
	[sflag:s0] =	ssyncset.done @!p0 $0x0  }
0x12a: {  	[sflag:s0] =	ssyncadd.s32 @!p0 s1  }
0x12b: {  	[bflag:$0x3] =	sbarrier.arrive $0xFFFF  }
0x12c: {  	_ =	shalt  }

// kernel: kernel.9.cloned.1.call-start
scs
__scs_entry_jumppad:
0x0: {  	(pc) =	sbr.rel $0x88, $3  }
0x1: {  	(tag) =	ssettag $0x0;
	lr =	simm.s32 $0x1  }
0x2: {  	[smem:$0x3F8B] =	sst lr;
	_ =	strace $0xD0000000  }
0x3: {  	_ = 	snop  }
0x4: {  	_ = 	snop  }
0x5: {  	_ = 	snop  }
0x6: {  	_ = 	snop  }
0x7: {  	_ = 	snop  }
__scs_overlays_trampoline_lowered:
0x8: {  	[smem:$0x3F9A] =	sst s0  }
0x9: {  	[smem:$0x3F9B] =	sst s1  }
0xa: {  	[smem:$0x3F9C] =	sst s2  }
0xb: {  	[smem:$0x3F9D] =	sst s3  }
0xc: {  	[smem:$0x3F9E] =	sst s4  }
0xd: {  	[smem:$0x3F9F] =	sst s5  }
0xe: {  	[smem:$0x3FA0] =	sst s6  }
0xf: {  	[smem:$0x3FA1] =	sst s7  }
0x10: {  	[smem:$0x3FA2] =	sst s8  }
0x11: {  	[smem:$0x3FA3] =	sst s9;
	s0 =	simm.s32 @!p0 $0x0  }
0x12: {  	s1 =	sld [smem:$0x3F89];
	s0 =	simm.s32 @p0 $0x1  }
0x13: {  	[smem:$0x3FA4] =	sst s0;
	s0 =	simm.s32 @!p1 $0x0  }
0x14: {  	s2 =	sld [smem:$0x3F88];
	s0 =	simm.s32 @p1 $0x1  }
0x15: {  	[smem:$0x3FA5] =	sst s0;
	s0 =	simm.s32 @!p2 $0x0  }
0x16: {  	s3 =	sld [smem:$0x3FDB];
	s0 =	simm.s32 @p2 $0x1  }
0x17: {  	s4 =	simm.s32 $0x1BF5;
	[smem:$0x3FA7] =	sst s0  }
0x18: {  	s0 =	sld [smem:$0x3F8A];
	_ =	swait.ge [sflag:s4], $0x0  }
0x19: {  	s7 =	sld [smem:$0x3F8B]  }
0x1a: {  	s8 =	sadd.s32 $0xFFFFE003, lr  }
0x1b: {  	s9 =	sadd.s32 $0xFFFFFEF7, lr;
	s5 =	simm.s32 $0xFFFFFFFF;
	p2 =	slt.u32 s8, $0xFFFFF086  }
0x1c: {  	p1 =	slt.u32 s9, $0xF7A;
	s5 =	simm.s32 @!p2 $0x0  }
0x1d: {  	s5 =	simm.s32 @p1 $0x1;
	p0 =	seq.s32 s7, s2  }
0x1e: {  	s7 =	smul.u32 @!p0 $0xF7A, s2;
	p2 =	seq.s32 @!p0 s5, $0x0  }
0x1f: {  	s9 =	smul.u32 $0xF7A, s1;
	s8 =	simm.s32 @!p0 $0x1BF5;
	p2 =	por !p2, p0  }
0x20: {  	[sflag:s8] =	ssyncset.s32 @!p0 $0xFFFFF086;
	s6 =	sadd.s32 @!p0 s3, s7;
	s7 =	simm.s32 @!p0 $0x108  }
0x21: {  	s3 =	sadd.s32 s3, s9;
	s6 =	sadd.s32 @!p0 $0x88, s6;
	s7 =	simm.s32 @p2 $0x1082  }
0x22: {  	[simem:s7], [sflag:s8] =	dma.local @!p0 [hbm:s6], $0xF7A  }
0x23: {  	s9 =	sor.u32 $0xD0000000, s2;
	s6 =	simm.s32 $0x108;
	_ =	swait.ge @!p0 [sflag:s8], $0x0  }
0x24: {  	s3 =	sadd.s32 $0x88, s3;
	s6 =	simm.s32 @!p1 $0x1082;
	[sflag:s4] =	ssyncset.s32 $0xFFFFF086  }
0x25: {  	[simem:s6], [sflag:s4] =	dma.local [hbm:s3], $0xF7A  }
0x26: {  	[smem:$0x3F8B] =	sst s1;
	(tag) =	ssettag s2;
	_ =	strace s9  }
0x27: {  	s1 =	sld [smem:$0x3F9B]  }
0x28: {  	s2 =	sld [smem:$0x3F9C]  }
0x29: {  	s4 =	sld [smem:$0x3F9E]  }
0x2a: {  	p0 =	seq.s32 s5, $0x0;
	s5 =	sld [smem:$0x3F9F]  }
0x2b: {  	s6 =	sld [smem:$0x3FA0]  }
0x2c: {  	s7 =	sld [smem:$0x3FA1]  }
0x2d: {  	s3 =	simm.s32 $0x108;
	s8 =	sld [smem:$0x3FA2]  }
0x2e: {  	s3 =	simm.s32 @!p0 $0x1082;
	s9 =	sld [smem:$0x3FA3]  }
0x2f: {  	lr =	sadd.s32 s0, s3;
	s0 =	sld [smem:$0x3F9A]  }
0x30: {  	s3 =	sld [smem:$0x3F9D]  }
0x31: {  	[smem:$0x3FA6] =	sst s10  }
0x32: {  	s10 =	sld [smem:$0x3FA4];
	_ =	sdelay $0x3  }
0x33: {  	p0 =	seq.s32 s10, $0x1;
	s10 =	sld [smem:$0x3FA6];
	_ =	sdelay $0x3  }
0x34: {  	[smem:$0x3FA6] =	sst s10  }
0x35: {  	s10 =	sld [smem:$0x3FA5];
	_ =	sdelay $0x3  }
0x36: {  	p1 =	seq.s32 s10, $0x1;
	s10 =	sld [smem:$0x3FA6];
	_ =	sdelay $0x3  }
0x37: {  	[smem:$0x3FA6] =	sst s10  }
0x38: {  	s10 =	sld [smem:$0x3FA7]  }
0x39: {  	_ = 	snop;
	(pc) =	sbr.ind lr, $3  }
0x3a: {  	_ = 	snop  }
0x3b: {  	_ = 	snop  }
0x3c: {  	p2 =	seq.s32 s10, $0x1;
	s10 =	sld [smem:$0x3FA6]  }
0x3d: {  	_ =	shalt  }
0x3e: {  	_ =	shalt  }
0x3f: {  	_ =	shalt  }
0x40: {  	_ =	shalt  }
0x41: {  	_ =	shalt  }
0x42: {  	_ =	shalt  }
0x43: {  	_ =	shalt  }
0x44: {  	_ =	shalt  }
0x45: {  	_ =	shalt  }
0x46: {  	_ =	shalt  }
0x47: {  	_ =	shalt  }
0x48: {  	_ =	shalt  }
0x49: {  	_ =	shalt  }
0x4a: {  	_ =	shalt  }
0x4b: {  	_ =	shalt  }
0x4c: {  	_ =	shalt  }
0x4d: {  	_ =	shalt  }
0x4e: {  	_ =	shalt  }
0x4f: {  	_ =	shalt  }
0x50: {  	_ =	shalt  }
0x51: {  	_ =	shalt  }
0x52: {  	_ =	shalt  }
0x53: {  	_ =	shalt  }
0x54: {  	_ =	shalt  }
0x55: {  	_ =	shalt  }
0x56: {  	_ =	shalt  }
0x57: {  	_ =	shalt  }
0x58: {  	_ =	shalt  }
0x59: {  	_ =	shalt  }
0x5a: {  	_ =	shalt  }
0x5b: {  	_ =	shalt  }
0x5c: {  	_ =	shalt  }
0x5d: {  	_ =	shalt  }
0x5e: {  	_ =	shalt  }
0x5f: {  	_ =	shalt  }
0x60: {  	_ =	shalt  }
0x61: {  	_ =	shalt  }
0x62: {  	_ =	shalt  }
0x63: {  	_ =	shalt  }
0x64: {  	_ =	shalt  }
0x65: {  	_ =	shalt  }
0x66: {  	_ =	shalt  }
0x67: {  	_ =	shalt  }
0x68: {  	_ =	shalt  }
0x69: {  	_ =	shalt  }
0x6a: {  	_ =	shalt  }
0x6b: {  	_ =	shalt  }
0x6c: {  	_ =	shalt  }
0x6d: {  	_ =	shalt  }
0x6e: {  	_ =	shalt  }
0x6f: {  	_ =	shalt  }
0x70: {  	_ =	shalt  }
0x71: {  	_ =	shalt  }
0x72: {  	_ =	shalt  }
0x73: {  	_ =	shalt  }
0x74: {  	_ =	shalt  }
0x75: {  	_ =	shalt  }
0x76: {  	_ =	shalt  }
0x77: {  	_ =	shalt  }
0x78: {  	_ =	shalt  }
0x79: {  	_ =	shalt  }
0x7a: {  	_ =	shalt  }
0x7b: {  	_ =	shalt  }
0x7c: {  	_ =	shalt  }
0x7d: {  	_ =	shalt  }
0x7e: {  	_ =	shalt  }
0x7f: {  	_ =	shalt  }
0x80: {  	_ =	shalt  }
0x81: {  	_ =	shalt  }
0x82: {  	_ =	shalt  }
0x83: {  	_ =	shalt  }
0x84: {  	_ =	shalt  }
0x85: {  	_ =	shalt  }
0x86: {  	_ =	shalt  }
0x87: {  	_ =	shalt  }
.Lfunc_end0:
.L_simem_size_0:
called_computation.1_lowered:
.L_overlay_start_0:
0x88: {  	s2 =	sld [smem:$0x3FD9]  }
0x89: {  	s3 =	sld [smem:$0x3FFE];
	_ =	sdelay $0x1  }
0x8a: {  	s1 =	srdreg.scid  }
0x8b: {  	s0 =	sand.u32 $0x1, s1  }
0x8c: {  	s17 =	sshll.u32 s0, $0xA;
	s2 =	sadd.s32 s3, s2  }
0x8d: {  	s2 =	sadd.s32 s2, s17  }
0x8e: {  	[smem:$0x3FB2] =	sst s2  }
0x8f: {  	_ = 	snop  }
0x90: {  	s2 =	sld [smem:$0x3FD0];
	(tm) =	ssettm $0x1  }
0x91: {  	s18 =	sld [smem:$0x3FFB];
	_ =	sdelay $0x3  }
0x92: {  	_ =	strace s18  }
0x93: {  	s3 =	sld [smem:$0x3FFC];
	_ =	sdelay $0x3  }
0x94: {  	_ =	strace s3  }
0x95: {  	s3 =	sld [smem:$0x3FFD];
	_ =	sdelay $0x3  }
0x96: {  	_ =	strace s3  }
0x97: {  	_ =	strace $0x8FFFFFFF  }
0x98: {  	s19 =	sld [smem:$0x3FDB];
	_ =	sdelay $0x1  }
0x99: {  	s4 =	simm.s32 $_scs_section_size  }
0x9a: {  	s5 =	simm.s32 $_size__tile_overlayer_lowered;
	s6 =	simm.s32 $_tile_overlayer_lowered  }
0x9b: {  	s22 =	simm.s32 $0x1BFF;
	s21 =	sshll.u32 s6, $0x1;
	s3 =	sadd.s32 s4, s19  }
0x9c: {  	s7 =	simm.s32 $0x0;
	s20 =	sshll.u32 s5, $0x1;
	s5 =	sadd.s32 s21, s3  }
0x9d: {  	[timem:s7], [sflag:s22] =	dma.local [hbm:s5], s20  }
0x9e: {  	_ =	swait.ge [sflag:s22], s20  }
0x9f: {  	s4 =	ssub.s32 $0x0, s20;
	[sflag:s22] =	ssyncset.done $0x0  }
0xa0: {  	[sflag:s22] =	ssyncadd.s32 s4;
	_ =	sdelay $0x1  }
0xa1: {  	s23 =	simm.s32 $0x1B8B  }
0xa2: {  	_ =	swait.ge [sflag:s23], $0x1  }
0xa3: {  	[sflag:s23] =	ssyncset.done $0x0  }
0xa4: {  	s25 =	simm.s32 $0x1B8E;
	s24 =	sld [smem:$0x3FFE];
	[sflag:s23] =	ssyncadd.s32 $0xFFFFFFFF  }
0xa5: {  	s26 =	simm.s32 $execute0_lowered;
	[smem:$0x3FD2] =	sst s25  }
0xa6: {  	s5 =	sshll.u32 s26, $0x1;
	_ =	strace $0x80000046;
	[dreg:$0x1] =	wrdreg $0xFFFFFFFF  }
0xa7: {  	s28 =	simm.s32 $_size_execute0_lowered;
	s3 =	sadd.s32 s3, s5;
	[dreg:$0x0] =	wrdreg $0x0  }
0xa8: {  	s5 =	sshll.u32 s28, $0x1;
	[dreg:$0x2] =	wrdreg s3  }
0xa9: {  	[dreg:$0x3] =	wrdreg s5  }
0xaa: {  	[dreg:$0x4] =	wrdreg $0xC0  }
0xab: {  	_ =	task [dreg:s7], $0x5FFFF  }
0xac: {  	[dreg:$0x1] =	wrdreg $0xFFFFFFFF  }
0xad: {  	[dreg:$0x0] =	wrdreg $0x60  }
0xae: {  	[dreg:$0x2] =	wrdreg s24  }
0xaf: {  	[dreg:$0x3] =	wrdreg s2  }
0xb0: {  	[dreg:$0x4] =	wrdreg $0x4E200  }
0xb1: {  	[dreg:$0x5] =	wrdreg $0xA  }
0xb2: {  	_ =	task.clear_ibuf [dreg:s7], $0x6FFFF;
	_ =	strace $0x90000046  }
0xb3: {  	s29 =	simm.s32 $0xA;
	_ =	strace $0x80000048  }
0xb4: {  	_ =	swait.ge [sflag:s29], $0x1  }
0xb5: {  	[sflag:s29] =	ssyncadd.s32 $0xFFFFFFFF  }
0xb6: {  	_ =	strace $0x90000048  }
0xb7: {  	_ =	sfence  }
0xb8: {  	s30 =	sld [smem:$0x0];
	_ =	sdelay $0x2  }
0xb9: {  	s31 =	sshll.u32 s1, $0xD;
	s1 =	sshrl.u32 s1, $0x2  }
0xba: {  	s3 =	sand.u32 $0x4000, s31;
	s1 =	sadd.s32 s1, s30  }
0xbb: {  	s0 =	sor.u32 s3, s0;
	s1 =	sshll.u32 s1, $0x11  }
0xbc: {  	s0 =	sor.u32 s1, s0  }
0xbd: {  	s0 =	sadd.s32 $0x8F2B, s0  }
0xbe: {  	[sflag:s0] =	ssyncadd.remote.s32 $0x1  }
0xbf: {  	_ =	sfence.sel $0xFFFF  }
0xc0: {  	[dreg:$0x0] =	wrdreg $0xFFFFFFFF;
	(pc) =	sbr.abs _section_cstart, $3  }
0xc1: {  	[dreg:$0x1] =	wrdreg $0xFFFFFFFF  }
0xc2: {  	_ =	task.clear_ibuf [dreg:s7], $0x2FFFF;
	_ =	strace $0x9FFFFFFF  }
0xc3: {  	(tm) =	ssettm $0x7FFFFFFF  }
tec
execute0_lowered:
.L_overlay_start_1:
0x0: {  	(tag) =	ssettag $0x1  }
0x1: {  	s0 =	rddreg [dreg:$0x0]  }
0x2: {  	s2 =	rddreg [dreg:$0x2];
	s3 =	simm.s32 $0x0;
	s21 =	srdreg.scid  }
0x3: {  	s5 =	stileid.u32;
	s28 =	simm.s32 $0xA6E0;
	s30 =	simm.s32 $0x150E0  }
0x4: {  	s31 =	simm.s32 $0x2;
	s29 =	simm.s32 $0xA5E0;
	s19 =	simm.s32 $0xA660  }
0x5: {  	s12 =	simm.s32 $0x0;
	[smem:$0x7FF] =	sst s3;
	s4 =	sadd.s32 $0xEC00, s0  }
0x6: {  	s1 =	sadd.s32 $0x18C00, s0;
	s6 =	sadd.s32 $0x4C00, s0;
	s7 =	sshll.u32 s5, $0x1  }
0x7: {  	s8 =	sadd.s32 $0x4A00, s0;
	p0 =	sne.s32 s5, $0x0;
	s5 =	simm.s32 $0x3  }
0x8: {  	_ =	strace $0x80000047;
	[dreg:$0x4] =	wrdreg s1;
	s1 =	sand.u32 $0x1, s21  }
0x9: {  	[dreg:$0x5] =	wrdreg s8;
	s8 =	sadd.s32 $0x42A00, s0;
	s7 =	sor.u32 s1, s7  }
0xa: {  	s1 =	ssub.s32 $0x2, s1;
	s9 =	sshll.u32 s7, $0xC;
	s11 =	smul.u32 $0x500, s7  }
0xb: {  	s21 =	simm.s32 $0x13EE0;
	s10 =	sshrl.u32 s1, $0x1;
	s0 =	sadd.s32 s9, s0  }
0xc: {  	s1 =	ssub.s32 s1, s10;
	s9 =	smul.u32 $0x50, s7;
	s22 =	sadd.s32 s4, s11  }
0xd: {  	s23 =	sor.u32 $0xA0, s11;
	s24 =	sadd.s32 s6, s11;
	s14 =	sadd.s32 $0x22A00, s0  }
0xe: {  	s26 =	smax.u32 s1, $0x1;
	s0 =	sshrl.u32 @!p0 s2, $0x3;
	[dreg:$0x6] =	wrdreg s22  }
0xf: {  	s1 =	simm.s32 $0x136E0;
	[dreg:$0x7] =	wrdreg s24;
	s25 =	sadd.s32 s4, s23  }
.Ltmp0:
0x10: {  	s7 =	sadd.s32 s6, s23;
	[dreg:$0xa] =	wrdreg s26;
	(pc) =	sbr.rel .LBB2_1-.Ltmp0, $4  }
0x11: {  	s15 =	sadd.s32 $0x14, s9;
	s16 =	sadd.s32 $0x1E, s9;
	[dreg:$0xb] =	wrdreg s0  }
0x12: {  	s23 =	simm.s32 $0xA1E0;
	s26 =	simm.s32 $0x80;
	s0 =	simm.s32 $0xF6E0  }
0x13: {  	s24 =	simm.s32 $0x12EE0;
	s22 =	simm.s32 $0x160E0;
	[dreg:$0x8] =	wrdreg s25  }
0x14: {  	v0 =	vimm.f32 $0.0e+00;
	[dreg:$0x9] =	wrdreg s7;
	s25 =	simm.s32 $0x1;
	s7 =	simm.s32 $0x4  }
.LBB2_12:
0x15: {  	s10 =	simm.s32 $0x5  }
0x16: {  	_ =	swait.ge [sflag:s10], $0x5000  }
0x17: {  	[sflag:s10] =	ssyncset.done $0x0  }
0x18: {  	[sflag:s10] =	ssyncadd.s32 $0xFFFFB000  }
0x19: {  	_ =	swait.ge [sflag:s10], $0x1000  }
0x1a: {  	[sflag:s10] =	ssyncset.done $0x0  }
0x1b: {  	s11 =	simm.s32 $0x6;
	[sflag:s10] =	ssyncadd.s32 $0xFFFFF000  }
0x1c: {  	_ =	swait.ge [sflag:s11], $0x5000  }
0x1d: {  	[sflag:s11] =	ssyncset.done $0x0  }
0x1e: {  	[sflag:s11] =	ssyncadd.s32 $0xFFFFB000  }
0x1f: {  	_ =	swait.ge [sflag:s11], $0x1000  }
0x20: {  	s12 =	rddreg [dreg:$0xc]  }
0x21: {  	s20 =	rddreg [dreg:$0xa];
	s12 =	sadd.s32 $0x1, s12  }
0x22: {  	p1 =	sne.s32 s12, s20  }
.Ltmp1:
0x23: {  	_ = 	snop;
	(pc) =	sbr.rel @!p1 .LBB2_13-.Ltmp1, $3  }
0x24: {  	_ =	sdelay $0x1  }
0x25: {  	[sflag:s11] =	ssyncset.done $0x0  }
0x26: {  	[sflag:s11] =	ssyncadd.s32 $0xFFFFF000  }
.LBB2_1:
0x27: {  	[dreg:$0xc] =	wrdreg s12  }
0x28: {  	s11 =	rddreg [dreg:$0x4]  }
0x29: {  	s10 =	simm.s32 @!p0 $0x1C07;
	s12 =	rddreg [dreg:$0xb]  }
0x2a: {  	[spmem:s12], [sflag:s10] =	dma.local @!p0 [hbm:s11], $0x9C40  }
0x2b: {  	s10 =	simm.s32 @!p0 $0x7  }
0x2c: {  	_ =	swait.ge @!p0 [sflag:s10], $0x9C40  }
0x2d: {  	s17 =	simm.s32 $0x9C40;
	[sflag:s10] =	ssyncset.done @!p0 $0x0  }
0x2e: {  	s18 =	simm.s32 $0x7;
	s13 =	rddreg [dreg:$0x5];
	[sflag:s10] =	ssyncadd.s32 @!p0 $0xFFFF63C0  }
0x2f: {  	[tilespmem:s17], [sflag:$0x7] =	stream.linear.gather [hbm4b:s13+s3], $0xA0, $0x38;
	[tilespmem:$0x170E0] =	vst v63  }
0x30: {  	_ =	swait.ge [sflag:s18], $0xA0  }
0x31: {  	[sflag:s18] =	ssyncset.done $0x0  }
0x32: {  	[sflag:s18] =	ssyncadd.s32 $0xFFFFFF60  }
0x33: {  	s20 =	rddreg [dreg:$0x1]  }
0x34: {  	[tilespmem:s3], [sflag:$0x7] =	stream.linear.gather [hbm4b:s20+s3], $0x4E20, $0x38;
	[tilespmem:$0x170E0] =	vst v63  }
0x35: {  	_ =	swait.ge [sflag:s18], $0x4E20  }
0x36: {  	[sflag:s18] =	ssyncset.done $0x0  }
0x37: {  	[sflag:s18] =	ssyncadd.s32 $0xFFFFB1E0  }
0x38: {  	s11 =	simm.s32 $0x200;
	s10 =	simm.s32 $0x0;
	[bflag:$0x0] =	sbarrier.arrive $0xFFFF  }
.LBB2_2:
0x39: {  	p1 =	sne.s32 s11, $0x3E00;
	[tilespmem:s10+$0x15150] =	vst v0  }
0x3a: {  	[tilespmem:s10+$0x150E0] =	vst v0  }
0x3b: {  	[tilespmem:s10+$0x150F0] =	vst v0  }
.Ltmp2:
0x3c: {  	[tilespmem:s10+$0x15100] =	vst v0;
	(pc) =	sbr.rel @p1 .LBB2_2-.Ltmp2, $4  }
0x3d: {  	[tilespmem:s10+$0x15110] =	vst v0  }
0x3e: {  	[tilespmem:s10+$0x15120] =	vst v0  }
0x3f: {  	[tilespmem:s10+$0x15130] =	vst v0  }
0x40: {  	[tilespmem:s10+$0x15140] =	vst v0;
	s10 =	sshra.s32 s11, $0x2;
	s11 =	sadd.s32 $0x200, s11  }
0x41: {  	[tilespmem:s10+$0x15150] =	vst v0  }
0x42: {  	[tilespmem:s10+$0x150E0] =	vst v0  }
0x43: {  	[tilespmem:s10+$0x150F0] =	vst v0  }
0x44: {  	[tilespmem:s10+$0x15100] =	vst v0  }
0x45: {  	[tilespmem:s10+$0x15110] =	vst v0  }
0x46: {  	[tilespmem:s10+$0x15120] =	vst v0  }
0x47: {  	[tilespmem:s10+$0x15130] =	vst v0  }
0x48: {  	[tilespmem:s10+$0x15140] =	vst v0;
	s10 =	simm.s32 $0x0;
	s11 =	simm.s32 $0x200  }
.LBB2_4:
0x49: {  	p1 =	sne.s32 s11, $0x3E00;
	[tilespmem:s10+$0x16150] =	vst v0  }
0x4a: {  	[tilespmem:s10+$0x160E0] =	vst v0  }
0x4b: {  	[tilespmem:s10+$0x160F0] =	vst v0  }
.Ltmp3:
0x4c: {  	[tilespmem:s10+$0x16100] =	vst v0;
	(pc) =	sbr.rel @p1 .LBB2_4-.Ltmp3, $4  }
0x4d: {  	[tilespmem:s10+$0x16110] =	vst v0  }
0x4e: {  	[tilespmem:s10+$0x16120] =	vst v0  }
0x4f: {  	[tilespmem:s10+$0x16130] =	vst v0  }
0x50: {  	[tilespmem:s10+$0x16140] =	vst v0;
	s10 =	sshra.s32 s11, $0x2;
	s11 =	sadd.s32 $0x200, s11  }
0x51: {  	[tilespmem:s10+$0x16150] =	vst v0  }
0x52: {  	[tilespmem:s10+$0x160E0] =	vst v0  }
0x53: {  	[tilespmem:s10+$0x160F0] =	vst v0  }
0x54: {  	[tilespmem:s10+$0x16100] =	vst v0  }
0x55: {  	[tilespmem:s10+$0x16110] =	vst v0  }
0x56: {  	[tilespmem:s10+$0x16120] =	vst v0  }
0x57: {  	[tilespmem:s10+$0x16130] =	vst v0  }
0x58: {  	[tilespmem:s10+$0x16140] =	vst v0;
	s10 =	simm.s32 $0x0;
	s11 =	rddreg [dreg:$0x6];
	s12 =	simm.s32 $0x9CE0  }
0x59: {  	[tilespmem:s12], [sflag:$0x1] =	stream.linear.gather [hbm4b:s11+s10], $0x500, $0x38;
	[tilespmem:$0x170E0] =	vst v63  }
0x5a: {  	s13 =	simm.s32 $0x146E0;
	s12 =	rddreg [dreg:$0x7]  }
0x5b: {  	[tilespmem:s13], [sflag:$0x1] =	stream.linear.gather [hbm4b:s12+s10], $0x500, $0x38;
	[tilespmem:$0x170E0] =	vst v63  }
0x5c: {  	s17 =	rddreg [dreg:$0x8]  }
0x5d: {  	[tilespmem:s23], [sflag:$0x2] =	stream.linear.gather [hbm4b:s17+s10], $0x500, $0x38;
	[tilespmem:$0x170E0] =	vst v63  }
0x5e: {  	s18 =	rddreg [dreg:$0x9];
	s20 =	simm.s32 $0x14BE0  }
0x5f: {  	[tilespmem:s20], [sflag:$0x2] =	stream.linear.gather [hbm4b:s18+s10], $0x500, $0x38;
	[tilespmem:$0x170E0] =	vst v63  }
.LBB2_6:
0x60: {  	p1 =	seq.s32 s10, $0x0  }
0x61: {  	s11 =	simm.s32 @!p1 $0x5  }
0x62: {  	_ =	swait.ge @!p1 [sflag:s11], $0x5000  }
0x63: {  	[sflag:s11] =	ssyncset.done @!p1 $0x0  }
0x64: {  	[sflag:s11] =	ssyncadd.s32 @!p1 $0xFFFFB000  }
0x65: {  	_ =	swait.ge @!p1 [sflag:s11], $0x1000  }
0x66: {  	[sflag:s11] =	ssyncset.done @!p1 $0x0  }
0x67: {  	[sflag:s11] =	ssyncadd.s32 @!p1 $0xFFFFF000  }
0x68: {  	_ =	swait.ge [sflag:s25], $0x500  }
0x69: {  	[sflag:s25] =	ssyncset.done $0x0  }
0x6a: {  	[sflag:s25] =	ssyncadd.s32 $0xFFFFFB00  }
0x6b: {  	_ =	swait.ge [sflag:s25], $0x500  }
0x6c: {  	[sflag:s25] =	ssyncset.done $0x0  }
0x6d: {  	s18 =	simm.s32 $0x9CE0;
	[sflag:s25] =	ssyncadd.s32 $0xFFFFFB00  }
0x6e: {  	[tilespmem:s28], [sflag:$0x3] =	stream.indirect.gather [spmem:s2], $0x10, s18, s26, $0xb8;
	[tilespmem:$0x170E0] =	vst v63  }
0x6f: {  	s20 =	simm.s32 $0x9D60;
	s12 =	simm.s32 $0xAEE0  }
0x70: {  	[tilespmem:s12], [sflag:$0x3] =	stream.indirect.gather [spmem:s2], $0x10, s20, s26, $0xb8;
	[tilespmem:$0x170E0] =	vst v63  }
0x71: {  	s13 =	simm.s32 $0x9DE0;
	s17 =	simm.s32 $0xB6E0  }
0x72: {  	[tilespmem:s17], [sflag:$0x3] =	stream.indirect.gather [spmem:s2], $0x10, s13, s26, $0xb8;
	[tilespmem:$0x170E0] =	vst v63  }
0x73: {  	s18 =	simm.s32 $0x9E60;
	s20 =	simm.s32 $0xBEE0  }
0x74: {  	[tilespmem:s20], [sflag:$0x3] =	stream.indirect.gather [spmem:s2], $0x10, s18, s26, $0xb8;
	[tilespmem:$0x170E0] =	vst v63  }
0x75: {  	s13 =	simm.s32 $0x9EE0;
	s17 =	simm.s32 $0xC6E0  }
0x76: {  	[tilespmem:s17], [sflag:$0x3] =	stream.indirect.gather [spmem:s2], $0x10, s13, s26, $0xb8;
	[tilespmem:$0x170E0] =	vst v63  }
0x77: {  	s18 =	simm.s32 $0x9F60;
	s20 =	simm.s32 $0xCEE0  }
0x78: {  	[tilespmem:s20], [sflag:$0x3] =	stream.indirect.gather [spmem:s2], $0x10, s18, s26, $0xb8;
	[tilespmem:$0x170E0] =	vst v63  }
0x79: {  	s13 =	simm.s32 $0x9FE0;
	s17 =	simm.s32 $0xD6E0  }
0x7a: {  	[tilespmem:s17], [sflag:$0x3] =	stream.indirect.gather [spmem:s2], $0x10, s13, s26, $0xb8;
	[tilespmem:$0x170E0] =	vst v63  }
0x7b: {  	s11 =	simm.s32 $0x14700;
	s18 =	simm.s32 $0xA060;
	s20 =	simm.s32 $0xDEE0  }
0x7c: {  	[tilespmem:s20], [sflag:$0x3] =	stream.indirect.gather [spmem:s2], $0x10, s18, s26, $0xb8;
	[tilespmem:$0x170E0] =	vst v63  }
0x7d: {  	s12 =	simm.s32 $0x9D00;
	s13 =	simm.s32 $0xA0E0;
	s17 =	simm.s32 $0xE6E0  }
0x7e: {  	[tilespmem:s17], [sflag:$0x3] =	stream.indirect.gather [spmem:s2], $0x10, s13, s26, $0xb8;
	[tilespmem:$0x170E0] =	vst v63  }
0x7f: {  	s18 =	simm.s32 $0xA160;
	s20 =	simm.s32 $0xEEE0;
	s13 =	simm.s32 $0x0  }
0x80: {  	[tilespmem:s20], [sflag:$0x3] =	stream.indirect.gather [spmem:s2], $0x10, s18, s26, $0xb8;
	[tilespmem:$0x170E0] =	vst v63  }
.LBB2_7:
0x81: {  	v1 =	vld [tilespmem:s12+$0xFFFFFFE0];
	_ =	sdelay $0x1  }
0x82: {  	v2 =	vld [tilespmem:$0x9C50]  }
0x83: {  	v3 =	vld [tilespmem:$0x9C40];
	_ =	sdelay $0x3  }
0x84: {  	v4 =	vld [tilespmem:s11+$0xFFFFFFE0];
	v2 =	vadd.s32 s13, v2  }
0x85: {  	v5 =	vand.u32 $0xFFFFFFF8, v3;
	v2 =	vshll.u32 v2, $0x7;
	v1 =	vld.idx.msk [tilespmem:v1+s3+$0x0], $0xffff  }
0x86: {  	v3 =	vand.u32 $0x7, v3;
	v2 =	vadd.s32 v5, v2  }
0x87: {  	v2 =	vor.u32 v3, v2;
	_ =	sdelay $0x2  }
0x88: {  	v1 =	vmul.f32 v4, v1;
	_ =	sdelay $0x1  }
0x89: {  	[tilespmem:v2+s30+$0x0] =	vst.idx.msk $0xffff, v1  }
0x8a: {  	v1 =	vld [tilespmem:s12+$0xFFFFFFF0];
	_ =	sdelay $0x1  }
0x8b: {  	v2 =	vld [tilespmem:$0x9C70]  }
0x8c: {  	v3 =	vld [tilespmem:$0x9C60];
	_ =	sdelay $0x3  }
0x8d: {  	v56 =	vld [tilespmem:s11+$0xFFFFFFF0];
	v2 =	vadd.s32 s13, v2  }
0x8e: {  	v57 =	vand.u32 $0xFFFFFFF8, v3;
	v2 =	vshll.u32 v2, $0x7;
	v1 =	vld.idx.msk [tilespmem:v1+s3+$0x0], $0xffff  }
0x8f: {  	v3 =	vand.u32 $0x7, v3;
	v2 =	vadd.s32 v57, v2  }
0x90: {  	v2 =	vor.u32 v3, v2;
	_ =	sdelay $0x2  }
0x91: {  	v1 =	vmul.f32 v56, v1;
	_ =	sdelay $0x1  }
0x92: {  	[tilespmem:v2+s30+$0x0] =	vst.idx.msk $0xffff, v1  }
0x93: {  	v1 =	vld [tilespmem:s12+$0x0];
	_ =	sdelay $0x1  }
0x94: {  	v2 =	vld [tilespmem:$0x9C90]  }
0x95: {  	v3 =	vld [tilespmem:$0x9C80];
	_ =	sdelay $0x3  }
0x96: {  	v58 =	vld [tilespmem:s11+$0x0];
	v2 =	vadd.s32 s13, v2  }
0x97: {  	v59 =	vand.u32 $0xFFFFFFF8, v3;
	v2 =	vshll.u32 v2, $0x7;
	v1 =	vld.idx.msk [tilespmem:v1+s3+$0x0], $0xffff  }
0x98: {  	v3 =	vand.u32 $0x7, v3;
	v2 =	vadd.s32 v59, v2  }
0x99: {  	v2 =	vor.u32 v3, v2;
	_ =	sdelay $0x2  }
0x9a: {  	v1 =	vmul.f32 v58, v1;
	_ =	sdelay $0x1  }
0x9b: {  	[tilespmem:v2+s30+$0x0] =	vst.idx.msk $0xffff, v1  }
0x9c: {  	v1 =	vld [tilespmem:s12+$0x10];
	_ =	sdelay $0x1  }
0x9d: {  	v2 =	vld [tilespmem:$0x9CB0]  }
0x9e: {  	v3 =	vld [tilespmem:$0x9CA0];
	_ =	sdelay $0x3  }
0x9f: {  	v60 =	vld [tilespmem:s11+$0x10];
	v2 =	vadd.s32 s13, v2  }
0xa0: {  	v61 =	vand.u32 $0xFFFFFFF8, v3;
	v2 =	vshll.u32 v2, $0x7;
	v1 =	vld.idx.msk [tilespmem:v1+s3+$0x0], $0xffff  }
0xa1: {  	v3 =	vand.u32 $0x7, v3;
	v2 =	vadd.s32 v61, v2  }
0xa2: {  	v2 =	vor.u32 v3, v2;
	_ =	sdelay $0x2  }
0xa3: {  	v1 =	vmul.f32 v60, v1;
	_ =	sdelay $0x1  }
0xa4: {  	[tilespmem:v2+s30+$0x0] =	vst.idx.msk $0xffff, v1  }
0xa5: {  	v1 =	vld [tilespmem:s12+$0x20];
	_ =	sdelay $0x1  }
0xa6: {  	v2 =	vld [tilespmem:$0x9CD0]  }
0xa7: {  	v3 =	vld [tilespmem:$0x9CC0];
	_ =	sdelay $0x3  }
0xa8: {  	v62 =	vld [tilespmem:s11+$0x20];
	v2 =	vadd.s32 s13, v2  }
0xa9: {  	v63 =	vand.u32 $0xFFFFFFF8, v3;
	v2 =	vshll.u32 v2, $0x7;
	v1 =	vld.idx.msk [tilespmem:v1+s3+$0x0], $0xffff  }
0xaa: {  	v3 =	vand.u32 $0x7, v3;
	v2 =	vadd.s32 v63, v2  }
0xab: {  	p2 =	sne.s32 s13, $0x1E;
	v2 =	vor.u32 v3, v2  }
.Ltmp4:
0xac: {  	_ = 	snop;
	(pc) =	sbr.rel @p2 .LBB2_7-.Ltmp4, $3  }
0xad: {  	_ = 	snop  }
0xae: {  	v1 =	vmul.f32 v62, v1;
	_ =	sdelay $0x1  }
0xaf: {  	s11 =	sadd.s32 $0x50, s11;
	s12 =	sadd.s32 $0x50, s12;
	s13 =	sadd.s32 $0x2, s13;
	[tilespmem:v2+s30+$0x0] =	vst.idx.msk $0xffff, v1  }
0xb0: {  	s11 =	simm.s32 @!p1 $0x6  }
0xb1: {  	_ =	swait.ge @!p1 [sflag:s11], $0x5000  }
0xb2: {  	[sflag:s11] =	ssyncset.done @!p1 $0x0  }
0xb3: {  	[sflag:s11] =	ssyncadd.s32 @!p1 $0xFFFFB000  }
0xb4: {  	_ =	swait.ge @!p1 [sflag:s11], $0x1000  }
0xb5: {  	[sflag:s11] =	ssyncset.done @!p1 $0x0  }
0xb6: {  	[sflag:s11] =	ssyncadd.s32 @!p1 $0xFFFFF000  }
0xb7: {  	_ =	swait.ge [sflag:s31], $0x500  }
0xb8: {  	[sflag:s31] =	ssyncset.done $0x0  }
0xb9: {  	[sflag:s31] =	ssyncadd.s32 $0xFFFFFB00  }
0xba: {  	_ =	swait.ge [sflag:s31], $0x500  }
0xbb: {  	[sflag:s31] =	ssyncset.done $0x0  }
0xbc: {  	[sflag:s31] =	ssyncadd.s32 $0xFFFFFB00  }
0xbd: {  	[tilespmem:s0], [sflag:$0x4] =	stream.indirect.gather [spmem:s2], $0x10, s23, s26, $0xb8;
	[tilespmem:$0x170E0] =	vst v63  }
0xbe: {  	s17 =	simm.s32 $0xA260;
	s12 =	simm.s32 $0xFEE0  }
0xbf: {  	[tilespmem:s12], [sflag:$0x4] =	stream.indirect.gather [spmem:s2], $0x10, s17, s26, $0xb8;
	[tilespmem:$0x170E0] =	vst v63  }
0xc0: {  	s18 =	simm.s32 $0xA2E0;
	s20 =	simm.s32 $0x106E0  }
0xc1: {  	[tilespmem:s20], [sflag:$0x4] =	stream.indirect.gather [spmem:s2], $0x10, s18, s26, $0xb8;
	[tilespmem:$0x170E0] =	vst v63  }
0xc2: {  	s13 =	simm.s32 $0xA360;
	s17 =	simm.s32 $0x10EE0  }
0xc3: {  	[tilespmem:s17], [sflag:$0x4] =	stream.indirect.gather [spmem:s2], $0x10, s13, s26, $0xb8;
	[tilespmem:$0x170E0] =	vst v63  }
0xc4: {  	s18 =	simm.s32 $0xA3E0;
	s20 =	simm.s32 $0x116E0  }
0xc5: {  	[tilespmem:s20], [sflag:$0x4] =	stream.indirect.gather [spmem:s2], $0x10, s18, s26, $0xb8;
	[tilespmem:$0x170E0] =	vst v63  }
0xc6: {  	s12 =	simm.s32 $0xA460;
	s13 =	simm.s32 $0x11EE0  }
0xc7: {  	[tilespmem:s13], [sflag:$0x4] =	stream.indirect.gather [spmem:s2], $0x10, s12, s26, $0xb8;
	[tilespmem:$0x170E0] =	vst v63  }
0xc8: {  	s17 =	simm.s32 $0xA4E0;
	s18 =	simm.s32 $0x126E0  }
0xc9: {  	[tilespmem:s18], [sflag:$0x4] =	stream.indirect.gather [spmem:s2], $0x10, s17, s26, $0xb8;
	[tilespmem:$0x170E0] =	vst v63  }
0xca: {  	s20 =	simm.s32 $0xA560  }
0xcb: {  	[tilespmem:s24], [sflag:$0x4] =	stream.indirect.gather [spmem:s2], $0x10, s20, s26, $0xb8;
	[tilespmem:$0x170E0] =	vst v63  }
0xcc: {  	_ = 	snop  }
0xcd: {  	[tilespmem:s1], [sflag:$0x4] =	stream.indirect.gather [spmem:s2], $0x10, s29, s26, $0xb8;
	[tilespmem:$0x170E0] =	vst v63  }
0xce: {  	s11 =	simm.s32 $0x0;
	s12 =	simm.s32 $0x14C00;
	s13 =	simm.s32 $0xA200  }
0xcf: {  	[tilespmem:s21], [sflag:$0x4] =	stream.indirect.gather [spmem:s2], $0x10, s19, s26, $0xb8;
	[tilespmem:$0x170E0] =	vst v63  }
.LBB2_9:
0xd0: {  	v1 =	vld [tilespmem:s13+$0xFFFFFFE0];
	_ =	sdelay $0x1  }
0xd1: {  	v2 =	vld [tilespmem:$0x9C50]  }
0xd2: {  	v3 =	vld [tilespmem:$0x9C40];
	_ =	sdelay $0x3  }
0xd3: {  	v4 =	vld [tilespmem:s12+$0xFFFFFFE0];
	v2 =	vadd.s32 s11, v2  }
0xd4: {  	v5 =	vand.u32 $0xFFFFFFF8, v3;
	v2 =	vshll.u32 v2, $0x7;
	v1 =	vld.idx.msk [tilespmem:v1+s3+$0x0], $0xffff  }
0xd5: {  	v3 =	vand.u32 $0x7, v3;
	v2 =	vadd.s32 v5, v2  }
0xd6: {  	v2 =	vor.u32 v3, v2;
	_ =	sdelay $0x2  }
0xd7: {  	v1 =	vmul.f32 v4, v1;
	_ =	sdelay $0x1  }
0xd8: {  	[tilespmem:v2+s22+$0x0] =	vst.idx.msk $0xffff, v1  }
0xd9: {  	v1 =	vld [tilespmem:s13+$0xFFFFFFF0];
	_ =	sdelay $0x1  }
0xda: {  	v2 =	vld [tilespmem:$0x9C70]  }
0xdb: {  	v3 =	vld [tilespmem:$0x9C60];
	_ =	sdelay $0x3  }
0xdc: {  	v56 =	vld [tilespmem:s12+$0xFFFFFFF0];
	v2 =	vadd.s32 s11, v2  }
0xdd: {  	v57 =	vand.u32 $0xFFFFFFF8, v3;
	v2 =	vshll.u32 v2, $0x7;
	v1 =	vld.idx.msk [tilespmem:v1+s3+$0x0], $0xffff  }
0xde: {  	v3 =	vand.u32 $0x7, v3;
	v2 =	vadd.s32 v57, v2  }
0xdf: {  	v2 =	vor.u32 v3, v2;
	_ =	sdelay $0x2  }
0xe0: {  	v1 =	vmul.f32 v56, v1;
	_ =	sdelay $0x1  }
0xe1: {  	[tilespmem:v2+s22+$0x0] =	vst.idx.msk $0xffff, v1  }
0xe2: {  	v1 =	vld [tilespmem:s13+$0x0];
	_ =	sdelay $0x1  }
0xe3: {  	v2 =	vld [tilespmem:$0x9C90]  }
0xe4: {  	v3 =	vld [tilespmem:$0x9C80];
	_ =	sdelay $0x3  }
0xe5: {  	v58 =	vld [tilespmem:s12+$0x0];
	v2 =	vadd.s32 s11, v2  }
0xe6: {  	v59 =	vand.u32 $0xFFFFFFF8, v3;
	v2 =	vshll.u32 v2, $0x7;
	v1 =	vld.idx.msk [tilespmem:v1+s3+$0x0], $0xffff  }
0xe7: {  	v3 =	vand.u32 $0x7, v3;
	v2 =	vadd.s32 v59, v2  }
0xe8: {  	v2 =	vor.u32 v3, v2;
	_ =	sdelay $0x2  }
0xe9: {  	v1 =	vmul.f32 v58, v1;
	_ =	sdelay $0x1  }
0xea: {  	[tilespmem:v2+s22+$0x0] =	vst.idx.msk $0xffff, v1  }
0xeb: {  	v1 =	vld [tilespmem:s13+$0x10];
	_ =	sdelay $0x1  }
0xec: {  	v2 =	vld [tilespmem:$0x9CB0]  }
0xed: {  	v3 =	vld [tilespmem:$0x9CA0];
	_ =	sdelay $0x3  }
0xee: {  	v60 =	vld [tilespmem:s12+$0x10];
	v2 =	vadd.s32 s11, v2  }
0xef: {  	v61 =	vand.u32 $0xFFFFFFF8, v3;
	v2 =	vshll.u32 v2, $0x7;
	v1 =	vld.idx.msk [tilespmem:v1+s3+$0x0], $0xffff  }
0xf0: {  	v3 =	vand.u32 $0x7, v3;
	v2 =	vadd.s32 v61, v2  }
0xf1: {  	v2 =	vor.u32 v3, v2;
	_ =	sdelay $0x2  }
0xf2: {  	v1 =	vmul.f32 v60, v1;
	_ =	sdelay $0x1  }
0xf3: {  	[tilespmem:v2+s22+$0x0] =	vst.idx.msk $0xffff, v1  }
0xf4: {  	v1 =	vld [tilespmem:s13+$0x20];
	_ =	sdelay $0x1  }
0xf5: {  	v2 =	vld [tilespmem:$0x9CD0]  }
0xf6: {  	v3 =	vld [tilespmem:$0x9CC0];
	_ =	sdelay $0x3  }
0xf7: {  	v62 =	vld [tilespmem:s12+$0x20];
	v2 =	vadd.s32 s11, v2  }
0xf8: {  	v63 =	vand.u32 $0xFFFFFFF8, v3;
	v2 =	vshll.u32 v2, $0x7;
	v1 =	vld.idx.msk [tilespmem:v1+s3+$0x0], $0xffff  }
0xf9: {  	v3 =	vand.u32 $0x7, v3;
	v2 =	vadd.s32 v63, v2  }
0xfa: {  	p1 =	sne.s32 s11, $0x1E;
	v2 =	vor.u32 v3, v2  }
.Ltmp5:
0xfb: {  	_ = 	snop;
	(pc) =	sbr.rel @p1 .LBB2_9-.Ltmp5, $3  }
0xfc: {  	_ = 	snop  }
0xfd: {  	v1 =	vmul.f32 v62, v1;
	_ =	sdelay $0x1  }
0xfe: {  	s12 =	sadd.s32 $0x50, s12;
	s13 =	sadd.s32 $0x50, s13;
	s11 =	sadd.s32 $0x2, s11;
	[tilespmem:v2+s22+$0x0] =	vst.idx.msk $0xffff, v1  }
0xff: {  	s11 =	smul.u32 $0x14, s10;
	_ =	sdelay $0x1  }
0x100: {  	_ =	swait.ge [sflag:s5], $0x5000;
	s12 =	sadd.s32 s9, s11  }
0x101: {  	[sflag:s5] =	ssyncset.done $0x0;
	s12 =	sshll.u32 s12, $0x8  }
0x102: {  	s17 =	sshll.u32 s10, $0xA;
	[sflag:s5] =	ssyncadd.s32 $0xFFFFB000;
	s12 =	sadd.s32 s8, s12  }
0x103: {  	[hbm4b:s12+s3] =	stream.linear.scatter [tilespmem:s28], [sflag:$0x5], $0x5000, $0x38;
	[tilespmem:$0x170E0] =	vst v63  }
0x104: {  	p1 =	seq.s32 s10, $0x3;
	s12 =	sadd.s32 s17, s14  }
0x105: {  	[hbm4b:s12+s3] =	stream.linear.scatter [tilespmem:s30], [sflag:$0x5], $0x1000, $0x38;
	[tilespmem:$0x170E0] =	vst v63  }
0x106: {  	s12 =	sadd.s32 @!p1 s11, s15  }
0x107: {  	s12 =	sshll.u32 @!p1 s12, $0x4  }
0x108: {  	s13 =	sshll.u32 s10, $0x1;
	s18 =	simm.s32 @!p1 $0x0;
	s12 =	sand.u32 @!p1 $0x1FFFFFC0, s12  }
0x109: {  	s20 =	simm.s32 @!p1 $0x9CE0;
	s13 =	sor.u32 $0x1, s13;
	s17 =	sadd.s32 @!p1 s4, s12  }
0x10a: {  	[tilespmem:s20], [sflag:$0x1] =	stream.linear.gather @!p1 [hbm4b:s17+s18], $0x500, $0x38;
	[tilespmem:$0x170E0] =	vst v63  }
0x10b: {  	s12 =	sadd.s32 @!p1 s6, s12;
	s17 =	simm.s32 @!p1 $0x146E0;
	s20 =	smul.u32 $0xA, s13  }
0x10c: {  	[tilespmem:s17], [sflag:$0x1] =	stream.linear.gather @!p1 [hbm4b:s12+s18], $0x500, $0x38;
	[tilespmem:$0x170E0] =	vst v63  }
0x10d: {  	s18 =	sadd.s32 s9, s20  }
0x10e: {  	_ =	swait.ge [sflag:s7], $0x5000;
	s12 =	sshll.u32 s18, $0x8  }
.Ltmp6:
0x10f: {  	[sflag:s7] =	ssyncset.done $0x0;
	s12 =	sand.u32 $0x1FFFFE00, s12;
	(pc) =	sbr.rel @p1 .LBB2_12-.Ltmp6, $4  }
0x110: {  	s20 =	sshll.u32 s13, $0x9;
	[sflag:s7] =	ssyncadd.s32 $0xFFFFB000;
	s12 =	sadd.s32 s8, s12  }
0x111: {  	[hbm4b:s12+s3] =	stream.linear.scatter [tilespmem:s0], [sflag:$0x6], $0x5000, $0x38;
	[tilespmem:$0x170E0] =	vst v63  }
0x112: {  	s12 =	sadd.s32 s20, s14  }
0x113: {  	[hbm4b:s12+s3] =	stream.linear.scatter [tilespmem:s22], [sflag:$0x6], $0x1000, $0x38;
	[tilespmem:$0x170E0] =	vst v63  }
0x114: {  	s11 =	sadd.s32 s11, s16  }
0x115: {  	s11 =	sshll.u32 s11, $0x4  }
.Ltmp7:
0x116: {  	s11 =	sand.u32 $0x1FFFFFE0, s11;
	(pc) =	sbr.rel .LBB2_6-.Ltmp7, $4  }
0x117: {  	s12 =	sadd.s32 s4, s11  }
0x118: {  	[tilespmem:s23], [sflag:$0x2] =	stream.linear.gather [hbm4b:s12+s3], $0x500, $0x38;
	[tilespmem:$0x170E0] =	vst v63  }
0x119: {  	s20 =	simm.s32 $0x14BE0;
	s10 =	sadd.s32 $0x1, s10;
	s11 =	sadd.s32 s6, s11  }
0x11a: {  	[tilespmem:s20], [sflag:$0x2] =	stream.linear.gather [hbm4b:s11+s3], $0x500, $0x38;
	[tilespmem:$0x170E0] =	vst v63  }
.LBB2_13:
0x11b: {  	_ =	sfence.sel $0x180000  }
0x11c: {  	[bflag:$0x0] =	sbarrier.arrive $0xFFFF  }
0x11d: {  	_ =	strace $0x90000047  }
0x11e: {  	[bflag:$0x2] =	sbarrier.arrive $0xFFFF  }
0x11f: {  	s0 =	rddreg [dreg:$0x3]  }
0x120: {  	s0 =	sadd.s32 @!p0 $0x100000, s0  }
0x121: {  	[sflag:s0] =	ssyncadd.tile.s32 @!p0 $0x1;
	_ =	shalt  }
.Lfunc_end2:
_tile_overlayer_lowered:
.L_overlay_start_2:
0x122: {  	(tag) =	ssettag $0x2  }
0x123: {  	s0 =	rddreg [dreg:$0x0];
	s2 =	stileid.u32  }
0x124: {  	s1 =	rddreg [dreg:$0x1];
	p0 =	sne.s32 s2, $0x0  }
0x125: {  	s3 =	rddreg [dreg:$0x2];
	[bflag:$0x3] =	sbarrier.arrive $0xFFFF;
	s2 =	simm.s32 @!p0 $0x1C07  }
0x126: {  	[timem:s3], [sflag:s2] =	dma.local @!p0 [hbm:s0], s1  }
0x127: {  	s0 =	simm.s32 @!p0 $0x7  }
0x128: {  	_ =	swait.ge @!p0 [sflag:s0], s1  }
0x129: {  	s1 =	ssub.s32 @!p0 $0x0, s1;
	[sflag:s0] =	ssyncset.done @!p0 $0x0  }
0x12a: {  	[sflag:s0] =	ssyncadd.s32 @!p0 s1  }
0x12b: {  	[bflag:$0x3] =	sbarrier.arrive $0xFFFF  }
0x12c: {  	_ =	shalt  }

</sc_bundles>
